<compile_context>
chip_gen: v7x
topology: tpu7x:2x2x1
jax: 0.10.2.dev20260603
libtpu: 0.0.44.dev20260713+nightly
codegen_flags: <defaults>
</compile_context>

<pallas_src>
import functools

import jax
import jax.numpy as jnp
from jax import lax
from jax.experimental import pallas as pl
from jax.experimental.pallas import tpu as pltpu
from jax.experimental.pallas import tpu_sc as plsc

N = 10000
D = 256
H = 128
E = 160000
NSUB = 16
B = 64
E_PAD = 163840
CHUNKS = E_PAD // B
CHUNKS_PER_SUB = CHUNKS // NSUB
ACC_ROWS = 10240
ROWS_PER_SUB = ACC_ROWS // NSUB
PHASES = 5
CPB = CHUNKS_PER_SUB // PHASES

_mesh = plsc.VectorSubcoreMesh(core_axis_name="c", subcore_axis_name="s")


@functools.partial(
    pl.kernel,
    out_type=jax.ShapeDtypeStruct((2, ACC_ROWS, H), jnp.float32),
    mesh=_mesh,
    scratch_types=[
        pltpu.VMEM((CPB, B), jnp.int32),
        pltpu.VMEM((CPB, B), jnp.int32),
        pltpu.VMEM((2, B, 2 * H), jnp.float32),
        pltpu.VMEM_SHARED((ACC_ROWS, H), jnp.float32),
        pltpu.SemaphoreType.DMA,
        pltpu.SemaphoreType.DMA,
        pltpu.SemaphoreType.DMA,
        pltpu.SemaphoreType.DMA,
        pltpu.SemaphoreType.DMA,
        pltpu.SemaphoreType.DMA,
        pltpu.SemaphoreType.DMA,
        pltpu.SemaphoreType.DMA,
    ],
)
def _propagate_sc(xa_hbm, xb_hbm, src_hbm, dst_hbm, out_hbm,
                  sidx, didx, rows, acc,
                  sg0, sg1, sg2, sg3, ss0, ss1, ss2, ss3):
    sg = [sg0, sg1, sg2, sg3]
    ss = [ss0, ss1, ss2, ss3]
    cid = lax.axis_index("c")
    sid = lax.axis_index("s")

    zvec = jnp.zeros((16,), jnp.float32)

    @pl.loop(0, B)
    def _(r):
        @pl.loop(0, 2 * H // 16)
        def _(c):
            rows[0, r, pl.ds(c * 16, 16)] = zvec

    @pl.loop(0, ROWS_PER_SUB // B)
    def _(i):
        pltpu.sync_copy(rows.at[0, :, pl.ds(0, H)],
                        acc.at[pl.ds(sid * ROWS_PER_SUB + i * B, B)])


    plsc.subcore_barrier()

    def edge_loop(x_hbm):
        @pl.loop(0, PHASES)
        def _(ph):
            base = sid * CHUNKS_PER_SUB + ph * CPB
            pltpu.sync_copy(src_hbm.at[pl.ds(base, CPB)], sidx)
            pltpu.sync_copy(dst_hbm.at[pl.ds(base, CPB)], didx)
            pltpu.async_copy(x_hbm.at[sidx.at[0]], rows.at[0], sg[0])
            pltpu.async_copy(x_hbm.at[sidx.at[1]], rows.at[1], sg[1])

            @pl.loop(0, CPB, step=2)
            def _(j):
                for s in range(2):
                    c = j + s
                    pltpu.make_async_copy(x_hbm.at[sidx.at[c]], rows.at[s],
                                          sg[s]).wait()

                    @pl.when(c + 2 < CPB)
                    def _(c=c, s=s):
                        pltpu.async_copy(x_hbm.at[sidx.at[c + 2]],
                                         rows.at[s], sg[s])

    @pl.when(cid == 0)
    def _():
        edge_loop(xa_hbm)

    @pl.when(cid == 1)
    def _():
        edge_loop(xb_hbm)

    plsc.subcore_barrier()

    pltpu.sync_copy(
        acc.at[pl.ds(sid * ROWS_PER_SUB, ROWS_PER_SUB)],
        out_hbm.at[cid].at[pl.ds(sid * ROWS_PER_SUB, ROWS_PER_SUB)],
    )


ROW_BLK1 = 1024
ROW_BLK2 = 1000


def _lin_relu_body(h_ref, w_ref, b_ref, o_ref):
    xblk = jnp.concatenate([h_ref[0], h_ref[1]], axis=1)
    y = jnp.dot(xblk, w_ref[...], preferred_element_type=jnp.float32)
    y = jnp.maximum(y + b_ref[...], 0.0)
    o_ref[0] = y[:, :H]
    o_ref[1] = y[:, H:]


def _lin_lsm_body(h_ref, w_ref, b_ref, o_ref):
    xblk = jnp.concatenate([h_ref[0], h_ref[1]], axis=1)
    y = jnp.dot(xblk, w_ref[...], preferred_element_type=jnp.float32)
    y = y + b_ref[...]
    m = jnp.max(y, axis=1, keepdims=True)
    s = y - m
    lse = jnp.log(jnp.sum(jnp.exp(s), axis=1, keepdims=True))
    o_ref[...] = s - lse


def _linear_relu_tc(h, wt, b):
    return pl.pallas_call(
        _lin_relu_body,
        grid=(ACC_ROWS // ROW_BLK1,),
        in_specs=[
            pl.BlockSpec((2, ROW_BLK1, H), lambda i: (0, i, 0)),
            pl.BlockSpec((D, D), lambda i: (0, 0)),
            pl.BlockSpec((1, D), lambda i: (0, 0)),
        ],
        out_specs=pl.BlockSpec((2, ROW_BLK1, H), lambda i: (0, i, 0)),
        out_shape=jax.ShapeDtypeStruct((2, ACC_ROWS, H), jnp.float32),
    )(h, wt, b)


def _linear_lsm_tc(h, wt, b):
    return pl.pallas_call(
        _lin_lsm_body,
        grid=(N // ROW_BLK2,),
        in_specs=[
            pl.BlockSpec((2, ROW_BLK2, H), lambda i: (0, i, 0)),
            pl.BlockSpec((D, D), lambda i: (0, 0)),
            pl.BlockSpec((1, D), lambda i: (0, 0)),
        ],
        out_specs=pl.BlockSpec((ROW_BLK2, D), lambda i: (i, 0)),
        out_shape=jax.ShapeDtypeStruct((N, D), jnp.float32),
    )(h, wt, b)


def kernel(x, edge_index, W1, b1, W2, b2):
    src = edge_index[0].astype(jnp.int32)
    dst = edge_index[1].astype(jnp.int32)
    src_p = jnp.concatenate([src, jnp.zeros((E_PAD - E,), jnp.int32)]) >> 1
    dst_p = jnp.concatenate(
        [dst, jnp.full((E_PAD - E,), ACC_ROWS - 1, jnp.int32)])
    src3 = src_p.reshape(CHUNKS, B)
    dst3 = dst_p.reshape(CHUNKS, B)

    xs = x.reshape(N, 2, H).transpose(1, 0, 2)
    xs = jnp.pad(xs, ((0, 0), (0, ACC_ROWS - N), (0, 0)))
    w1t = W1.T
    w2t = W2.T
    b1r = b1.reshape(1, D)
    b2r = b2.reshape(1, D)

    h = _propagate_sc(xs[0].reshape(ACC_ROWS // 2, 2 * H), xs[1].reshape(ACC_ROWS // 2, 2 * H), src3, dst3)
    h = _linear_relu_tc(h, w1t, b1r)
    h = _propagate_sc(h[0].reshape(ACC_ROWS // 2, 2 * H), h[1].reshape(ACC_ROWS // 2, 2 * H), src3, dst3)
    return _linear_lsm_tc(h, w2t, b2r)

# --- scband reference (transcript-rebuilt; emitter-appended) ---
"""Pipeline reference for scband-gcn-33208687133415 (READ-ONLY COPY).

The authoritative reference and input builder live on the scoring server;
editing this copy changes nothing except your own understanding.
"""

import jax, jax.numpy as jnp
import numpy as np

N_NODES = 10000
D_IN = 256
D_OUT = 256
N_EDGES = 160000


def setup_inputs(seed: int = 0) -> dict:
    key = jax.random.key(seed)
    k_x, k_e, k_w1, k_b1, k_w2, k_b2 = jax.random.split(key, 6)
    x = jax.random.normal(k_x, (N_NODES, D_IN), dtype=jnp.float32)
    edge_index = jax.random.randint(k_e, (2, N_EDGES), 0, N_NODES, dtype=jnp.int64)
    # torch.nn.Linear params: weight [out, in], bias [out], kaiming-uniform-ish init
    lim1 = 1.0 / np.sqrt(D_IN)
    W1 = jax.random.uniform(k_w1, (D_IN, D_IN), minval=-lim1, maxval=lim1, dtype=jnp.float32)
    b1 = jax.random.uniform(k_b1, (D_IN,), minval=-lim1, maxval=lim1, dtype=jnp.float32)
    lim2 = 1.0 / np.sqrt(D_IN)
    W2 = jax.random.uniform(k_w2, (D_OUT, D_IN), minval=-lim2, maxval=lim2, dtype=jnp.float32)
    b2 = jax.random.uniform(k_b2, (D_OUT,), minval=-lim2, maxval=lim2, dtype=jnp.float32)
    return {"x": x, "edge_index": edge_index, "W1": W1, "b1": b1, "W2": W2, "b2": b2}


def _propagate(x, edge_index):
    # SpMM with unweighted adjacency (value=1): out[dst] += x[src]
    src = edge_index[0]
    dst = edge_index[1]
    msgs = jnp.take(x, src, axis=0)  # gather
    return jax.ops.segment_sum(msgs, dst, num_segments=N_NODES)  # scatter-add


def reference(x, edge_index, W1, b1, W2, b2):
    h = _propagate(x, edge_index)
    h = jax.nn.relu(h @ W1.T + b1)
    h = _propagate(h, edge_index)
    h = h @ W2.T + b2
    return jax.nn.log_softmax(h, axis=1)

if __name__ == "__main__":
    import jax
    _d = setup_inputs()
    print(jax.jit(kernel)(*tuple(_d.values())))

</pallas_src>

<mosaic_0001>
#map = affine_map<(d0, d1) -> (0, 0)>
#map1 = affine_map<(d0, d1) -> (0, 0, 0)>
module attributes {stable_mosaic.version = 14 : i64} {
  func.func @_propagate_sc(%arg0: i32, %arg1: i32, %arg2: memref<5120x256xf32, #tpu.memory_space<hbm>>, %arg3: memref<5120x256xf32, #tpu.memory_space<hbm>>, %arg4: memref<2560x64xi32, #tpu.memory_space<hbm>>, %arg5: memref<2560x64xi32, #tpu.memory_space<hbm>>, %arg6: memref<2x10240x128xf32, #tpu.memory_space<hbm>>, %arg7: memref<32x64xi32, #tpu.memory_space<vmem>>, %arg8: memref<32x64xi32, #tpu.memory_space<vmem>>, %arg9: memref<2x64x256xf32, #tpu.memory_space<vmem>>, %arg10: memref<10240x128xf32, #tpu.memory_space<vmem_shared>>, %arg11: memref<!tpu.dma_semaphore, #tpu.memory_space<semaphore_mem>>, %arg12: memref<!tpu.dma_semaphore, #tpu.memory_space<semaphore_mem>>, %arg13: memref<!tpu.dma_semaphore, #tpu.memory_space<semaphore_mem>>, %arg14: memref<!tpu.dma_semaphore, #tpu.memory_space<semaphore_mem>>, %arg15: memref<!tpu.dma_semaphore, #tpu.memory_space<semaphore_mem>>, %arg16: memref<!tpu.dma_semaphore, #tpu.memory_space<semaphore_mem>>, %arg17: memref<!tpu.dma_semaphore, #tpu.memory_space<semaphore_mem>>, %arg18: memref<!tpu.dma_semaphore, #tpu.memory_space<semaphore_mem>>) attributes {dimension_semantics = [#tpu.dimension_semantics<core_parallel>, #tpu.dimension_semantics<subcore_parallel>], iteration_bounds = array<i64: 2, 16>, scalar_prefetch = 0 : i64, scratch_operands = 12 : i64, tpu.core_type = #tpu.core_type<sc_vector_subcore>, window_params = [{transform_indices = #map}, {transform_indices = #map}, {transform_indices = #map}, {transform_indices = #map}, {transform_indices = #map1}]} {
    %broadcast_in_dim3A = arith.constant 0.000000e+00 : f32
    %broadcast_in_dim3A_0 = vector.broadcast %broadcast_in_dim3A : f32 to vector<16xf32>
    %scan3A = arith.constant 0 : i32
    %scan3A_1 = arith.constant 64 : i32
    %scan3A_2 = arith.addi %scan3A, %scan3A_1 : i32
    %scan3A_3 = arith.constant 1 : i32
    scf.for %scan3A_21 = %scan3A to %scan3A_2 step %scan3A_3  : i32 {
      %mul3A_22 = arith.constant 1 : i32
      %mul3A_23 = arith.muli %scan3A_21, %mul3A_22 : i32
      %add3A = arith.constant 0 : i32
      %add3A_24 = arith.addi %add3A, %mul3A_23 : i32
      %scan3A_25 = arith.constant 0 : i32
      %scan3A_26 = arith.constant 16 : i32
      %scan3A_27 = arith.addi %scan3A_25, %scan3A_26 : i32
      %scan3A_28 = arith.constant 1 : i32
      scf.for %scan3A_30 = %scan3A_25 to %scan3A_27 step %scan3A_28  : i32 {
        %mul3A_31 = arith.constant 1 : i32
        %mul3A_32 = arith.muli %scan3A_30, %mul3A_31 : i32
        %add3A_33 = arith.constant 0 : i32
        %add3A_34 = arith.addi %add3A_33, %mul3A_32 : i32
        %mul3A_35 = arith.constant 16 : i32
        %mul3A_36 = arith.muli %add3A_34, %mul3A_35 : i32
        %swap3A = arith.constant 0 : i32
        %swap3A_37 = arith.index_cast %swap3A : i32 to index
        %swap3A_38 = arith.index_cast %add3A_24 : i32 to index
        %swap3A_39 = arith.index_cast %mul3A_36 : i32 to index
        %swap3A_40 = tpu.vector_load %arg9[%swap3A_37, %swap3A_38, %swap3A_39] {strides = array<i32>} : memref<2x64x256xf32, #tpu.memory_space<vmem>>, vector<1x1x16xf32>,
        %swap3A_41 = vector.shape_cast %swap3A_40 : vector<1x1x16xf32> to vector<16xf32>
        %swap3A_42 = vector.shape_cast %broadcast_in_dim3A_0 : vector<16xf32> to vector<1x1x16xf32>
        tpu.vector_store %arg9[%swap3A_37, %swap3A_38, %swap3A_39], %swap3A_42 {strides = array<i32>} : memref<2x64x256xf32, #tpu.memory_space<vmem>>, vector<1x1x16xf32>,
      }
      %scan3A_29 = arith.constant 16 : i32
    }
    %scan3A_4 = arith.constant 64 : i32
    %scan3A_5 = arith.constant 0 : i32
    %scan3A_6 = arith.constant 10 : i32
    %scan3A_7 = arith.addi %scan3A_5, %scan3A_6 : i32
    %scan3A_8 = arith.constant 1 : i32
    scf.for %scan3A_21 = %scan3A_5 to %scan3A_7 step %scan3A_8  : i32 {
      %mul3A_22 = arith.constant 1 : i32
      %mul3A_23 = arith.muli %scan3A_21, %mul3A_22 : i32
      %add3A = arith.constant 0 : i32
      %add3A_24 = arith.addi %add3A, %mul3A_23 : i32
      %mul3A_25 = arith.constant 640 : i32
      %mul3A_26 = arith.muli %arg1, %mul3A_25 : i32
      %mul3A_27 = arith.constant 64 : i32
      %mul3A_28 = arith.muli %add3A_24, %mul3A_27 : i32
      %add3A_29 = arith.addi %mul3A_26, %mul3A_28 : i32
      %run_scoped3A = arith.constant 0 : i32
      "tpu.region"() ({
        %run_scoped3A_30 = tpu.sem_alloc : memref<!tpu.dma_semaphore, #tpu.memory_space<semaphore_mem>>
        %dma_start3A = arith.constant 0 : i32
        %dma_start3A_31 = arith.constant 0 : i32
        %dma_start3A_32 = tpu.memref_slice %arg9[%run_scoped3A, %dma_start3A, %dma_start3A_31] : memref<2x64x256xf32, #tpu.memory_space<vmem>> -> memref<1x64x128xf32, #tpu.memory_space<vmem>>
        %dma_start3A_33 = tpu.memref_squeeze %dma_start3A_32 : memref<1x64x128xf32, #tpu.memory_space<vmem>> -> memref<64x128xf32, #tpu.memory_space<vmem>>
        %dma_start3A_34 = arith.constant 0 : i32
        %dma_start3A_35 = tpu.memref_slice %arg10[%add3A_29, %dma_start3A_34] : memref<10240x128xf32, #tpu.memory_space<vmem_shared>> -> memref<64x128xf32, #tpu.memory_space<vmem_shared>>
        %dma_start3A_36 = arith.constant 0 : i32
        %dma_start3A_37 = tpu.memref_slice %arg10[%add3A_29, %dma_start3A_36] : memref<10240x128xf32, #tpu.memory_space<vmem_shared>> -> memref<64x128xf32, #tpu.memory_space<vmem_shared>>
        %dma_start3A_38 = arith.constant 0 : i32
        %dma_start3A_39 = arith.constant 0 : i32
        %dma_start3A_40 = tpu.memref_slice %arg9[%run_scoped3A, %dma_start3A_38, %dma_start3A_39] : memref<2x64x256xf32, #tpu.memory_space<vmem>> -> memref<1x64x128xf32, #tpu.memory_space<vmem>>
        %dma_start3A_41 = tpu.memref_squeeze %dma_start3A_40 : memref<1x64x128xf32, #tpu.memory_space<vmem>> -> memref<64x128xf32, #tpu.memory_space<vmem>>
        tpu.enqueue_dma source(%dma_start3A_41 : memref<64x128xf32, #tpu.memory_space<vmem>>) target(%dma_start3A_37 : memref<64x128xf32, #tpu.memory_space<vmem_shared>>) target_semaphore(%run_scoped3A_30 : memref<!tpu.dma_semaphore, #tpu.memory_space<semaphore_mem>>)
        %dma_wait3A = arith.constant 0 : i32
        %dma_wait3A_42 = arith.constant 0 : i32
        %dma_wait3A_43 = tpu.memref_slice %arg9[%run_scoped3A, %dma_wait3A, %dma_wait3A_42] : memref<2x64x256xf32, #tpu.memory_space<vmem>> -> memref<1x64x128xf32, #tpu.memory_space<vmem>>
        %dma_wait3A_44 = tpu.memref_squeeze %dma_wait3A_43 : memref<1x64x128xf32, #tpu.memory_space<vmem>> -> memref<64x128xf32, #tpu.memory_space<vmem>>
        %dma_wait3A_45 = arith.constant 0 : i32
        %dma_wait3A_46 = tpu.memref_slice %arg10[%add3A_29, %dma_wait3A_45] : memref<10240x128xf32, #tpu.memory_space<vmem_shared>> -> memref<64x128xf32, #tpu.memory_space<vmem_shared>>
        %dma_wait3A_47 = arith.constant 0 : i32
        %dma_wait3A_48 = tpu.memref_slice %arg10[%add3A_29, %dma_wait3A_47] : memref<10240x128xf32, #tpu.memory_space<vmem_shared>> -> memref<64x128xf32, #tpu.memory_space<vmem_shared>>
        %dma_wait3A_49 = arith.constant 0 : i32
        %dma_wait3A_50 = arith.constant 0 : i32
        %dma_wait3A_51 = tpu.memref_slice %arg9[%run_scoped3A, %dma_wait3A_49, %dma_wait3A_50] : memref<2x64x256xf32, #tpu.memory_space<vmem>> -> memref<1x64x128xf32, #tpu.memory_space<vmem>>
        %dma_wait3A_52 = tpu.memref_squeeze %dma_wait3A_51 : memref<1x64x128xf32, #tpu.memory_space<vmem>> -> memref<64x128xf32, #tpu.memory_space<vmem>>
        tpu.wait_dma2 semaphore(%run_scoped3A_30 : memref<!tpu.dma_semaphore, #tpu.memory_space<semaphore_mem>>) src(%dma_wait3A_52 : memref<64x128xf32, #tpu.memory_space<vmem>>) dst(%dma_wait3A_48 : memref<64x128xf32, #tpu.memory_space<vmem_shared>>)
        tpu.yield
      }) : () -> ()
    }
    %scan3A_9 = arith.constant 10 : i32
    %barrier3A = arith.constant 0 : index
    tpu.barrier barrier_id(%barrier3A)
    %eq3A = arith.constant 0 : i32
    %eq3A_10 = arith.cmpi eq, %arg0, %eq3A : i32
    %convert_element_type3A = arith.extui %eq3A_10 : i1 to i32
    %cond3A = arith.constant 0 : i32
    %cond3A_11 = arith.cmpi ne, %convert_element_type3A, %cond3A : i32
    scf.if %cond3A_11 {
      %scan3A_21 = arith.constant 0 : i32
      %scan3A_22 = arith.constant 5 : i32
      %scan3A_23 = arith.addi %scan3A_21, %scan3A_22 : i32
      %scan3A_24 = arith.constant 1 : i32
      scf.for %scan3A_26 = %scan3A_21 to %scan3A_23 step %scan3A_24  : i32 {
        %mul3A_27 = arith.constant 1 : i32
        %mul3A_28 = arith.muli %scan3A_26, %mul3A_27 : i32
        %add3A = arith.constant 0 : i32
        %add3A_29 = arith.addi %add3A, %mul3A_28 : i32
        %mul3A_30 = arith.constant 160 : i32
        %mul3A_31 = arith.muli %arg1, %mul3A_30 : i32
        %mul3A_32 = arith.constant 32 : i32
        %mul3A_33 = arith.muli %add3A_29, %mul3A_32 : i32
        %add3A_34 = arith.addi %mul3A_31, %mul3A_33 : i32
        "tpu.region"() ({
          %run_scoped3A = tpu.sem_alloc : memref<!tpu.dma_semaphore, #tpu.memory_space<semaphore_mem>>
          %dma_start3A_63 = arith.constant 0 : i32
          %dma_start3A_64 = tpu.memref_slice %arg4[%add3A_34, %dma_start3A_63] : memref<2560x64xi32, #tpu.memory_space<hbm>> -> memref<32x64xi32, #tpu.memory_space<hbm>>
          %dma_start3A_65 = arith.constant 0 : i32
          %dma_start3A_66 = tpu.memref_slice %arg4[%add3A_34, %dma_start3A_65] : memref<2560x64xi32, #tpu.memory_space<hbm>> -> memref<32x64xi32, #tpu.memory_space<hbm>>
          tpu.enqueue_dma source(%dma_start3A_66 : memref<32x64xi32, #tpu.memory_space<hbm>>) target(%arg7 : memref<32x64xi32, #tpu.memory_space<vmem>>) target_semaphore(%run_scoped3A : memref<!tpu.dma_semaphore, #tpu.memory_space<semaphore_mem>>)
          %dma_wait3A = arith.constant 0 : i32
          %dma_wait3A_67 = tpu.memref_slice %arg4[%add3A_34, %dma_wait3A] : memref<2560x64xi32, #tpu.memory_space<hbm>> -> memref<32x64xi32, #tpu.memory_space<hbm>>
          %dma_wait3A_68 = arith.constant 0 : i32
          %dma_wait3A_69 = tpu.memref_slice %arg4[%add3A_34, %dma_wait3A_68] : memref<2560x64xi32, #tpu.memory_space<hbm>> -> memref<32x64xi32, #tpu.memory_space<hbm>>
          tpu.wait_dma2 semaphore(%run_scoped3A : memref<!tpu.dma_semaphore, #tpu.memory_space<semaphore_mem>>) src(%dma_wait3A_69 : memref<32x64xi32, #tpu.memory_space<hbm>>) dst(%arg7 : memref<32x64xi32, #tpu.memory_space<vmem>>)
          tpu.yield
        }) : () -> ()
        "tpu.region"() ({
          %run_scoped3A = tpu.sem_alloc : memref<!tpu.dma_semaphore, #tpu.memory_space<semaphore_mem>>
          %dma_start3A_63 = arith.constant 0 : i32
          %dma_start3A_64 = tpu.memref_slice %arg5[%add3A_34, %dma_start3A_63] : memref<2560x64xi32, #tpu.memory_space<hbm>> -> memref<32x64xi32, #tpu.memory_space<hbm>>
          %dma_start3A_65 = arith.constant 0 : i32
          %dma_start3A_66 = tpu.memref_slice %arg5[%add3A_34, %dma_start3A_65] : memref<2560x64xi32, #tpu.memory_space<hbm>> -> memref<32x64xi32, #tpu.memory_space<hbm>>
          tpu.enqueue_dma source(%dma_start3A_66 : memref<32x64xi32, #tpu.memory_space<hbm>>) target(%arg8 : memref<32x64xi32, #tpu.memory_space<vmem>>) target_semaphore(%run_scoped3A : memref<!tpu.dma_semaphore, #tpu.memory_space<semaphore_mem>>)
          %dma_wait3A = arith.constant 0 : i32
          %dma_wait3A_67 = tpu.memref_slice %arg5[%add3A_34, %dma_wait3A] : memref<2560x64xi32, #tpu.memory_space<hbm>> -> memref<32x64xi32, #tpu.memory_space<hbm>>
          %dma_wait3A_68 = arith.constant 0 : i32
          %dma_wait3A_69 = tpu.memref_slice %arg5[%add3A_34, %dma_wait3A_68] : memref<2560x64xi32, #tpu.memory_space<hbm>> -> memref<32x64xi32, #tpu.memory_space<hbm>>
          tpu.wait_dma2 semaphore(%run_scoped3A : memref<!tpu.dma_semaphore, #tpu.memory_space<semaphore_mem>>) src(%dma_wait3A_69 : memref<32x64xi32, #tpu.memory_space<hbm>>) dst(%arg8 : memref<32x64xi32, #tpu.memory_space<vmem>>)
          tpu.yield
        }) : () -> ()
        %dma_start3A = arith.constant 0 : i32
        %dma_start3A_35 = arith.constant 0 : i32
        %dma_start3A_36 = arith.constant 0 : i32
        %dma_start3A_37 = arith.constant 0 : i32
        %dma_start3A_38 = tpu.memref_slice %arg9[%dma_start3A_35, %dma_start3A_36, %dma_start3A_37] : memref<2x64x256xf32, #tpu.memory_space<vmem>> -> memref<1x64x256xf32, #tpu.memory_space<vmem>>
        %dma_start3A_39 = tpu.memref_squeeze %dma_start3A_38 : memref<1x64x256xf32, #tpu.memory_space<vmem>> -> memref<64x256xf32, #tpu.memory_space<vmem>>
        %dma_start3A_40 = arith.constant 0 : i32
        %dma_start3A_41 = tpu.memref_slice %arg7[%dma_start3A, %dma_start3A_40] : memref<32x64xi32, #tpu.memory_space<vmem>> -> memref<1x64xi32, #tpu.memory_space<vmem>>
        %dma_start3A_42 = tpu.memref_squeeze %dma_start3A_41 : memref<1x64xi32, #tpu.memory_space<vmem>> -> memref<64xi32, #tpu.memory_space<vmem>>
        %dma_start3A_43 = arith.constant 0 : i32
        %dma_start3A_44 = arith.constant 0 : i32
        %dma_start3A_45 = tpu.memref_slice %arg2[%dma_start3A_43, %dma_start3A_44] : memref<5120x256xf32, #tpu.memory_space<hbm>> -> memref<5120x256xf32, #tpu.memory_space<hbm>>
        tpu.enqueue_indirect_dma source(%dma_start3A_45 : memref<5120x256xf32, #tpu.memory_space<hbm>>) target(%dma_start3A_39 : memref<64x256xf32, #tpu.memory_space<vmem>>) offsets(%dma_start3A_42 : memref<64xi32, #tpu.memory_space<vmem>>) semaphore(%arg11 : memref<!tpu.dma_semaphore, #tpu.memory_space<semaphore_mem>>)
        %dma_start3A_46 = arith.constant 1 : i32
        %dma_start3A_47 = arith.constant 1 : i32
        %dma_start3A_48 = arith.constant 0 : i32
        %dma_start3A_49 = arith.constant 0 : i32
        %dma_start3A_50 = tpu.memref_slice %arg9[%dma_start3A_47, %dma_start3A_48, %dma_start3A_49] : memref<2x64x256xf32, #tpu.memory_space<vmem>> -> memref<1x64x256xf32, #tpu.memory_space<vmem>>
        %dma_start3A_51 = tpu.memref_squeeze %dma_start3A_50 : memref<1x64x256xf32, #tpu.memory_space<vmem>> -> memref<64x256xf32, #tpu.memory_space<vmem>>
        %dma_start3A_52 = arith.constant 0 : i32
        %dma_start3A_53 = tpu.memref_slice %arg7[%dma_start3A_46, %dma_start3A_52] : memref<32x64xi32, #tpu.memory_space<vmem>> -> memref<1x64xi32, #tpu.memory_space<vmem>>
        %dma_start3A_54 = tpu.memref_squeeze %dma_start3A_53 : memref<1x64xi32, #tpu.memory_space<vmem>> -> memref<64xi32, #tpu.memory_space<vmem>>
        %dma_start3A_55 = arith.constant 0 : i32
        %dma_start3A_56 = arith.constant 0 : i32
        %dma_start3A_57 = tpu.memref_slice %arg2[%dma_start3A_55, %dma_start3A_56] : memref<5120x256xf32, #tpu.memory_space<hbm>> -> memref<5120x256xf32, #tpu.memory_space<hbm>>
        tpu.enqueue_indirect_dma source(%dma_start3A_57 : memref<5120x256xf32, #tpu.memory_space<hbm>>) target(%dma_start3A_51 : memref<64x256xf32, #tpu.memory_space<vmem>>) offsets(%dma_start3A_54 : memref<64xi32, #tpu.memory_space<vmem>>) semaphore(%arg12 : memref<!tpu.dma_semaphore, #tpu.memory_space<semaphore_mem>>)
        %scan3A_58 = arith.constant 0 : i32
        %scan3A_59 = arith.constant 16 : i32
        %scan3A_60 = arith.addi %scan3A_58, %scan3A_59 : i32
        %scan3A_61 = arith.constant 1 : i32
        scf.for %scan3A_63 = %scan3A_58 to %scan3A_60 step %scan3A_61  : i32 {
          %mul3A_64 = arith.constant 2 : i32
          %mul3A_65 = arith.muli %scan3A_63, %mul3A_64 : i32
          %add3A_66 = arith.constant 0 : i32
          %add3A_67 = arith.addi %add3A_66, %mul3A_65 : i32
          %add3A_68 = arith.constant 0 : i32
          %add3A_69 = arith.addi %add3A_67, %add3A_68 : i32
          %dma_wait3A = arith.constant 0 : i32
          %dma_wait3A_70 = arith.constant 0 : i32
          %dma_wait3A_71 = arith.constant 0 : i32
          %dma_wait3A_72 = tpu.memref_slice %arg9[%dma_wait3A, %dma_wait3A_70, %dma_wait3A_71] : memref<2x64x256xf32, #tpu.memory_space<vmem>> -> memref<1x64x256xf32, #tpu.memory_space<vmem>>
          %dma_wait3A_73 = tpu.memref_squeeze %dma_wait3A_72 : memref<1x64x256xf32, #tpu.memory_space<vmem>> -> memref<64x256xf32, #tpu.memory_space<vmem>>
          %dma_wait3A_74 = arith.constant 0 : i32
          %dma_wait3A_75 = tpu.memref_slice %arg7[%add3A_69, %dma_wait3A_74] : memref<32x64xi32, #tpu.memory_space<vmem>> -> memref<1x64xi32, #tpu.memory_space<vmem>>
          %dma_wait3A_76 = tpu.memref_squeeze %dma_wait3A_75 : memref<1x64xi32, #tpu.memory_space<vmem>> -> memref<64xi32, #tpu.memory_space<vmem>>
          %dma_wait3A_77 = arith.constant 0 : i32
          %dma_wait3A_78 = arith.constant 0 : i32
          %dma_wait3A_79 = tpu.memref_slice %arg2[%dma_wait3A_77, %dma_wait3A_78] : memref<5120x256xf32, #tpu.memory_space<hbm>> -> memref<5120x256xf32, #tpu.memory_space<hbm>>
          tpu.wait_indirect_dma semaphore(%arg11 : memref<!tpu.dma_semaphore, #tpu.memory_space<semaphore_mem>>) src(%dma_wait3A_79 : memref<5120x256xf32, #tpu.memory_space<hbm>>) dst(%dma_wait3A_73 : memref<64x256xf32, #tpu.memory_space<vmem>>)
          %add3A_80 = arith.constant 2 : i32
          %add3A_81 = arith.addi %add3A_69, %add3A_80 : i32
          %lt3A = arith.constant 32 : i32
          %lt3A_82 = arith.cmpi slt, %add3A_81, %lt3A : i32
          %convert_element_type3A_83 = arith.extui %lt3A_82 : i1 to i32
          %cond3A_84 = arith.constant 0 : i32
          %cond3A_85 = arith.cmpi ne, %convert_element_type3A_83, %cond3A_84 : i32
          scf.if %cond3A_85 {
            %add3A_106 = arith.constant 2 : i32
            %add3A_107 = arith.addi %add3A_69, %add3A_106 : i32
            %dma_start3A_108 = arith.constant 0 : i32
            %dma_start3A_109 = arith.constant 0 : i32
            %dma_start3A_110 = arith.constant 0 : i32
            %dma_start3A_111 = tpu.memref_slice %arg9[%dma_start3A_108, %dma_start3A_109, %dma_start3A_110] : memref<2x64x256xf32, #tpu.memory_space<vmem>> -> memref<1x64x256xf32, #tpu.memory_space<vmem>>
            %dma_start3A_112 = tpu.memref_squeeze %dma_start3A_111 : memref<1x64x256xf32, #tpu.memory_space<vmem>> -> memref<64x256xf32, #tpu.memory_space<vmem>>
            %dma_start3A_113 = arith.constant 0 : i32
            %dma_start3A_114 = tpu.memref_slice %arg7[%add3A_107, %dma_start3A_113] : memref<32x64xi32, #tpu.memory_space<vmem>> -> memref<1x64xi32, #tpu.memory_space<vmem>>
            %dma_start3A_115 = tpu.memref_squeeze %dma_start3A_114 : memref<1x64xi32, #tpu.memory_space<vmem>> -> memref<64xi32, #tpu.memory_space<vmem>>
            %dma_start3A_116 = arith.constant 0 : i32
            %dma_start3A_117 = arith.constant 0 : i32
            %dma_start3A_118 = tpu.memref_slice %arg2[%dma_start3A_116, %dma_start3A_117] : memref<5120x256xf32, #tpu.memory_space<hbm>> -> memref<5120x256xf32, #tpu.memory_space<hbm>>
            tpu.enqueue_indirect_dma source(%dma_start3A_118 : memref<5120x256xf32, #tpu.memory_space<hbm>>) target(%dma_start3A_112 : memref<64x256xf32, #tpu.memory_space<vmem>>) offsets(%dma_start3A_115 : memref<64xi32, #tpu.memory_space<vmem>>) semaphore(%arg11 : memref<!tpu.dma_semaphore, #tpu.memory_space<semaphore_mem>>)
          } else {
          }
          %add3A_86 = arith.constant 1 : i32
          %add3A_87 = arith.addi %add3A_67, %add3A_86 : i32
          %dma_wait3A_88 = arith.constant 1 : i32
          %dma_wait3A_89 = arith.constant 0 : i32
          %dma_wait3A_90 = arith.constant 0 : i32
          %dma_wait3A_91 = tpu.memref_slice %arg9[%dma_wait3A_88, %dma_wait3A_89, %dma_wait3A_90] : memref<2x64x256xf32, #tpu.memory_space<vmem>> -> memref<1x64x256xf32, #tpu.memory_space<vmem>>
          %dma_wait3A_92 = tpu.memref_squeeze %dma_wait3A_91 : memref<1x64x256xf32, #tpu.memory_space<vmem>> -> memref<64x256xf32, #tpu.memory_space<vmem>>
          %dma_wait3A_93 = arith.constant 0 : i32
          %dma_wait3A_94 = tpu.memref_slice %arg7[%add3A_87, %dma_wait3A_93] : memref<32x64xi32, #tpu.memory_space<vmem>> -> memref<1x64xi32, #tpu.memory_space<vmem>>
          %dma_wait3A_95 = tpu.memref_squeeze %dma_wait3A_94 : memref<1x64xi32, #tpu.memory_space<vmem>> -> memref<64xi32, #tpu.memory_space<vmem>>
          %dma_wait3A_96 = arith.constant 0 : i32
          %dma_wait3A_97 = arith.constant 0 : i32
          %dma_wait3A_98 = tpu.memref_slice %arg2[%dma_wait3A_96, %dma_wait3A_97] : memref<5120x256xf32, #tpu.memory_space<hbm>> -> memref<5120x256xf32, #tpu.memory_space<hbm>>
          tpu.wait_indirect_dma semaphore(%arg12 : memref<!tpu.dma_semaphore, #tpu.memory_space<semaphore_mem>>) src(%dma_wait3A_98 : memref<5120x256xf32, #tpu.memory_space<hbm>>) dst(%dma_wait3A_92 : memref<64x256xf32, #tpu.memory_space<vmem>>)
          %add3A_99 = arith.constant 2 : i32
          %add3A_100 = arith.addi %add3A_87, %add3A_99 : i32
          %lt3A_101 = arith.constant 32 : i32
          %lt3A_102 = arith.cmpi slt, %add3A_100, %lt3A_101 : i32
          %convert_element_type3A_103 = arith.extui %lt3A_102 : i1 to i32
          %cond3A_104 = arith.constant 0 : i32
          %cond3A_105 = arith.cmpi ne, %convert_element_type3A_103, %cond3A_104 : i32
          scf.if %cond3A_105 {
            %add3A_106 = arith.constant 2 : i32
            %add3A_107 = arith.addi %add3A_87, %add3A_106 : i32
            %dma_start3A_108 = arith.constant 1 : i32
            %dma_start3A_109 = arith.constant 0 : i32
            %dma_start3A_110 = arith.constant 0 : i32
            %dma_start3A_111 = tpu.memref_slice %arg9[%dma_start3A_108, %dma_start3A_109, %dma_start3A_110] : memref<2x64x256xf32, #tpu.memory_space<vmem>> -> memref<1x64x256xf32, #tpu.memory_space<vmem>>
            %dma_start3A_112 = tpu.memref_squeeze %dma_start3A_111 : memref<1x64x256xf32, #tpu.memory_space<vmem>> -> memref<64x256xf32, #tpu.memory_space<vmem>>
            %dma_start3A_113 = arith.constant 0 : i32
            %dma_start3A_114 = tpu.memref_slice %arg7[%add3A_107, %dma_start3A_113] : memref<32x64xi32, #tpu.memory_space<vmem>> -> memref<1x64xi32, #tpu.memory_space<vmem>>
            %dma_start3A_115 = tpu.memref_squeeze %dma_start3A_114 : memref<1x64xi32, #tpu.memory_space<vmem>> -> memref<64xi32, #tpu.memory_space<vmem>>
            %dma_start3A_116 = arith.constant 0 : i32
            %dma_start3A_117 = arith.constant 0 : i32
            %dma_start3A_118 = tpu.memref_slice %arg2[%dma_start3A_116, %dma_start3A_117] : memref<5120x256xf32, #tpu.memory_space<hbm>> -> memref<5120x256xf32, #tpu.memory_space<hbm>>
            tpu.enqueue_indirect_dma source(%dma_start3A_118 : memref<5120x256xf32, #tpu.memory_space<hbm>>) target(%dma_start3A_112 : memref<64x256xf32, #tpu.memory_space<vmem>>) offsets(%dma_start3A_115 : memref<64xi32, #tpu.memory_space<vmem>>) semaphore(%arg12 : memref<!tpu.dma_semaphore, #tpu.memory_space<semaphore_mem>>)
          } else {
          }
        }
        %scan3A_62 = arith.constant 16 : i32
      }
      %scan3A_25 = arith.constant 5 : i32
    } else {
    }
    %eq3A_12 = arith.constant 1 : i32
    %eq3A_13 = arith.cmpi eq, %arg0, %eq3A_12 : i32
    %convert_element_type3A_14 = arith.extui %eq3A_13 : i1 to i32
    %cond3A_15 = arith.constant 0 : i32
    %cond3A_16 = arith.cmpi ne, %convert_element_type3A_14, %cond3A_15 : i32
    scf.if %cond3A_16 {
      %scan3A_21 = arith.constant 0 : i32
      %scan3A_22 = arith.constant 5 : i32
      %scan3A_23 = arith.addi %scan3A_21, %scan3A_22 : i32
      %scan3A_24 = arith.constant 1 : i32
      scf.for %scan3A_26 = %scan3A_21 to %scan3A_23 step %scan3A_24  : i32 {
        %mul3A_27 = arith.constant 1 : i32
        %mul3A_28 = arith.muli %scan3A_26, %mul3A_27 : i32
        %add3A = arith.constant 0 : i32
        %add3A_29 = arith.addi %add3A, %mul3A_28 : i32
        %mul3A_30 = arith.constant 160 : i32
        %mul3A_31 = arith.muli %arg1, %mul3A_30 : i32
        %mul3A_32 = arith.constant 32 : i32
        %mul3A_33 = arith.muli %add3A_29, %mul3A_32 : i32
        %add3A_34 = arith.addi %mul3A_31, %mul3A_33 : i32
        "tpu.region"() ({
          %run_scoped3A = tpu.sem_alloc : memref<!tpu.dma_semaphore, #tpu.memory_space<semaphore_mem>>
          %dma_start3A_63 = arith.constant 0 : i32
          %dma_start3A_64 = tpu.memref_slice %arg4[%add3A_34, %dma_start3A_63] : memref<2560x64xi32, #tpu.memory_space<hbm>> -> memref<32x64xi32, #tpu.memory_space<hbm>>
          %dma_start3A_65 = arith.constant 0 : i32
          %dma_start3A_66 = tpu.memref_slice %arg4[%add3A_34, %dma_start3A_65] : memref<2560x64xi32, #tpu.memory_space<hbm>> -> memref<32x64xi32, #tpu.memory_space<hbm>>
          tpu.enqueue_dma source(%dma_start3A_66 : memref<32x64xi32, #tpu.memory_space<hbm>>) target(%arg7 : memref<32x64xi32, #tpu.memory_space<vmem>>) target_semaphore(%run_scoped3A : memref<!tpu.dma_semaphore, #tpu.memory_space<semaphore_mem>>)
          %dma_wait3A = arith.constant 0 : i32
          %dma_wait3A_67 = tpu.memref_slice %arg4[%add3A_34, %dma_wait3A] : memref<2560x64xi32, #tpu.memory_space<hbm>> -> memref<32x64xi32, #tpu.memory_space<hbm>>
          %dma_wait3A_68 = arith.constant 0 : i32
          %dma_wait3A_69 = tpu.memref_slice %arg4[%add3A_34, %dma_wait3A_68] : memref<2560x64xi32, #tpu.memory_space<hbm>> -> memref<32x64xi32, #tpu.memory_space<hbm>>
          tpu.wait_dma2 semaphore(%run_scoped3A : memref<!tpu.dma_semaphore, #tpu.memory_space<semaphore_mem>>) src(%dma_wait3A_69 : memref<32x64xi32, #tpu.memory_space<hbm>>) dst(%arg7 : memref<32x64xi32, #tpu.memory_space<vmem>>)
          tpu.yield
        }) : () -> ()
        "tpu.region"() ({
          %run_scoped3A = tpu.sem_alloc : memref<!tpu.dma_semaphore, #tpu.memory_space<semaphore_mem>>
          %dma_start3A_63 = arith.constant 0 : i32
          %dma_start3A_64 = tpu.memref_slice %arg5[%add3A_34, %dma_start3A_63] : memref<2560x64xi32, #tpu.memory_space<hbm>> -> memref<32x64xi32, #tpu.memory_space<hbm>>
          %dma_start3A_65 = arith.constant 0 : i32
          %dma_start3A_66 = tpu.memref_slice %arg5[%add3A_34, %dma_start3A_65] : memref<2560x64xi32, #tpu.memory_space<hbm>> -> memref<32x64xi32, #tpu.memory_space<hbm>>
          tpu.enqueue_dma source(%dma_start3A_66 : memref<32x64xi32, #tpu.memory_space<hbm>>) target(%arg8 : memref<32x64xi32, #tpu.memory_space<vmem>>) target_semaphore(%run_scoped3A : memref<!tpu.dma_semaphore, #tpu.memory_space<semaphore_mem>>)
          %dma_wait3A = arith.constant 0 : i32
          %dma_wait3A_67 = tpu.memref_slice %arg5[%add3A_34, %dma_wait3A] : memref<2560x64xi32, #tpu.memory_space<hbm>> -> memref<32x64xi32, #tpu.memory_space<hbm>>
          %dma_wait3A_68 = arith.constant 0 : i32
          %dma_wait3A_69 = tpu.memref_slice %arg5[%add3A_34, %dma_wait3A_68] : memref<2560x64xi32, #tpu.memory_space<hbm>> -> memref<32x64xi32, #tpu.memory_space<hbm>>
          tpu.wait_dma2 semaphore(%run_scoped3A : memref<!tpu.dma_semaphore, #tpu.memory_space<semaphore_mem>>) src(%dma_wait3A_69 : memref<32x64xi32, #tpu.memory_space<hbm>>) dst(%arg8 : memref<32x64xi32, #tpu.memory_space<vmem>>)
          tpu.yield
        }) : () -> ()
        %dma_start3A = arith.constant 0 : i32
        %dma_start3A_35 = arith.constant 0 : i32
        %dma_start3A_36 = arith.constant 0 : i32
        %dma_start3A_37 = arith.constant 0 : i32
        %dma_start3A_38 = tpu.memref_slice %arg9[%dma_start3A_35, %dma_start3A_36, %dma_start3A_37] : memref<2x64x256xf32, #tpu.memory_space<vmem>> -> memref<1x64x256xf32, #tpu.memory_space<vmem>>
        %dma_start3A_39 = tpu.memref_squeeze %dma_start3A_38 : memref<1x64x256xf32, #tpu.memory_space<vmem>> -> memref<64x256xf32, #tpu.memory_space<vmem>>
        %dma_start3A_40 = arith.constant 0 : i32
        %dma_start3A_41 = tpu.memref_slice %arg7[%dma_start3A, %dma_start3A_40] : memref<32x64xi32, #tpu.memory_space<vmem>> -> memref<1x64xi32, #tpu.memory_space<vmem>>
        %dma_start3A_42 = tpu.memref_squeeze %dma_start3A_41 : memref<1x64xi32, #tpu.memory_space<vmem>> -> memref<64xi32, #tpu.memory_space<vmem>>
        %dma_start3A_43 = arith.constant 0 : i32
        %dma_start3A_44 = arith.constant 0 : i32
        %dma_start3A_45 = tpu.memref_slice %arg3[%dma_start3A_43, %dma_start3A_44] : memref<5120x256xf32, #tpu.memory_space<hbm>> -> memref<5120x256xf32, #tpu.memory_space<hbm>>
        tpu.enqueue_indirect_dma source(%dma_start3A_45 : memref<5120x256xf32, #tpu.memory_space<hbm>>) target(%dma_start3A_39 : memref<64x256xf32, #tpu.memory_space<vmem>>) offsets(%dma_start3A_42 : memref<64xi32, #tpu.memory_space<vmem>>) semaphore(%arg11 : memref<!tpu.dma_semaphore, #tpu.memory_space<semaphore_mem>>)
        %dma_start3A_46 = arith.constant 1 : i32
        %dma_start3A_47 = arith.constant 1 : i32
        %dma_start3A_48 = arith.constant 0 : i32
        %dma_start3A_49 = arith.constant 0 : i32
        %dma_start3A_50 = tpu.memref_slice %arg9[%dma_start3A_47, %dma_start3A_48, %dma_start3A_49] : memref<2x64x256xf32, #tpu.memory_space<vmem>> -> memref<1x64x256xf32, #tpu.memory_space<vmem>>
        %dma_start3A_51 = tpu.memref_squeeze %dma_start3A_50 : memref<1x64x256xf32, #tpu.memory_space<vmem>> -> memref<64x256xf32, #tpu.memory_space<vmem>>
        %dma_start3A_52 = arith.constant 0 : i32
        %dma_start3A_53 = tpu.memref_slice %arg7[%dma_start3A_46, %dma_start3A_52] : memref<32x64xi32, #tpu.memory_space<vmem>> -> memref<1x64xi32, #tpu.memory_space<vmem>>
        %dma_start3A_54 = tpu.memref_squeeze %dma_start3A_53 : memref<1x64xi32, #tpu.memory_space<vmem>> -> memref<64xi32, #tpu.memory_space<vmem>>
        %dma_start3A_55 = arith.constant 0 : i32
        %dma_start3A_56 = arith.constant 0 : i32
        %dma_start3A_57 = tpu.memref_slice %arg3[%dma_start3A_55, %dma_start3A_56] : memref<5120x256xf32, #tpu.memory_space<hbm>> -> memref<5120x256xf32, #tpu.memory_space<hbm>>
        tpu.enqueue_indirect_dma source(%dma_start3A_57 : memref<5120x256xf32, #tpu.memory_space<hbm>>) target(%dma_start3A_51 : memref<64x256xf32, #tpu.memory_space<vmem>>) offsets(%dma_start3A_54 : memref<64xi32, #tpu.memory_space<vmem>>) semaphore(%arg12 : memref<!tpu.dma_semaphore, #tpu.memory_space<semaphore_mem>>)
        %scan3A_58 = arith.constant 0 : i32
        %scan3A_59 = arith.constant 16 : i32
        %scan3A_60 = arith.addi %scan3A_58, %scan3A_59 : i32
        %scan3A_61 = arith.constant 1 : i32
        scf.for %scan3A_63 = %scan3A_58 to %scan3A_60 step %scan3A_61  : i32 {
          %mul3A_64 = arith.constant 2 : i32
          %mul3A_65 = arith.muli %scan3A_63, %mul3A_64 : i32
          %add3A_66 = arith.constant 0 : i32
          %add3A_67 = arith.addi %add3A_66, %mul3A_65 : i32
          %add3A_68 = arith.constant 0 : i32
          %add3A_69 = arith.addi %add3A_67, %add3A_68 : i32
          %dma_wait3A = arith.constant 0 : i32
          %dma_wait3A_70 = arith.constant 0 : i32
          %dma_wait3A_71 = arith.constant 0 : i32
          %dma_wait3A_72 = tpu.memref_slice %arg9[%dma_wait3A, %dma_wait3A_70, %dma_wait3A_71] : memref<2x64x256xf32, #tpu.memory_space<vmem>> -> memref<1x64x256xf32, #tpu.memory_space<vmem>>
          %dma_wait3A_73 = tpu.memref_squeeze %dma_wait3A_72 : memref<1x64x256xf32, #tpu.memory_space<vmem>> -> memref<64x256xf32, #tpu.memory_space<vmem>>
          %dma_wait3A_74 = arith.constant 0 : i32
          %dma_wait3A_75 = tpu.memref_slice %arg7[%add3A_69, %dma_wait3A_74] : memref<32x64xi32, #tpu.memory_space<vmem>> -> memref<1x64xi32, #tpu.memory_space<vmem>>
          %dma_wait3A_76 = tpu.memref_squeeze %dma_wait3A_75 : memref<1x64xi32, #tpu.memory_space<vmem>> -> memref<64xi32, #tpu.memory_space<vmem>>
          %dma_wait3A_77 = arith.constant 0 : i32
          %dma_wait3A_78 = arith.constant 0 : i32
          %dma_wait3A_79 = tpu.memref_slice %arg3[%dma_wait3A_77, %dma_wait3A_78] : memref<5120x256xf32, #tpu.memory_space<hbm>> -> memref<5120x256xf32, #tpu.memory_space<hbm>>
          tpu.wait_indirect_dma semaphore(%arg11 : memref<!tpu.dma_semaphore, #tpu.memory_space<semaphore_mem>>) src(%dma_wait3A_79 : memref<5120x256xf32, #tpu.memory_space<hbm>>) dst(%dma_wait3A_73 : memref<64x256xf32, #tpu.memory_space<vmem>>)
          %add3A_80 = arith.constant 2 : i32
          %add3A_81 = arith.addi %add3A_69, %add3A_80 : i32
          %lt3A = arith.constant 32 : i32
          %lt3A_82 = arith.cmpi slt, %add3A_81, %lt3A : i32
          %convert_element_type3A_83 = arith.extui %lt3A_82 : i1 to i32
          %cond3A_84 = arith.constant 0 : i32
          %cond3A_85 = arith.cmpi ne, %convert_element_type3A_83, %cond3A_84 : i32
          scf.if %cond3A_85 {
            %add3A_106 = arith.constant 2 : i32
            %add3A_107 = arith.addi %add3A_69, %add3A_106 : i32
            %dma_start3A_108 = arith.constant 0 : i32
            %dma_start3A_109 = arith.constant 0 : i32
            %dma_start3A_110 = arith.constant 0 : i32
            %dma_start3A_111 = tpu.memref_slice %arg9[%dma_start3A_108, %dma_start3A_109, %dma_start3A_110] : memref<2x64x256xf32, #tpu.memory_space<vmem>> -> memref<1x64x256xf32, #tpu.memory_space<vmem>>
            %dma_start3A_112 = tpu.memref_squeeze %dma_start3A_111 : memref<1x64x256xf32, #tpu.memory_space<vmem>> -> memref<64x256xf32, #tpu.memory_space<vmem>>
            %dma_start3A_113 = arith.constant 0 : i32
            %dma_start3A_114 = tpu.memref_slice %arg7[%add3A_107, %dma_start3A_113] : memref<32x64xi32, #tpu.memory_space<vmem>> -> memref<1x64xi32, #tpu.memory_space<vmem>>
            %dma_start3A_115 = tpu.memref_squeeze %dma_start3A_114 : memref<1x64xi32, #tpu.memory_space<vmem>> -> memref<64xi32, #tpu.memory_space<vmem>>
            %dma_start3A_116 = arith.constant 0 : i32
            %dma_start3A_117 = arith.constant 0 : i32
            %dma_start3A_118 = tpu.memref_slice %arg3[%dma_start3A_116, %dma_start3A_117] : memref<5120x256xf32, #tpu.memory_space<hbm>> -> memref<5120x256xf32, #tpu.memory_space<hbm>>
            tpu.enqueue_indirect_dma source(%dma_start3A_118 : memref<5120x256xf32, #tpu.memory_space<hbm>>) target(%dma_start3A_112 : memref<64x256xf32, #tpu.memory_space<vmem>>) offsets(%dma_start3A_115 : memref<64xi32, #tpu.memory_space<vmem>>) semaphore(%arg11 : memref<!tpu.dma_semaphore, #tpu.memory_space<semaphore_mem>>)
          } else {
          }
          %add3A_86 = arith.constant 1 : i32
          %add3A_87 = arith.addi %add3A_67, %add3A_86 : i32
          %dma_wait3A_88 = arith.constant 1 : i32
          %dma_wait3A_89 = arith.constant 0 : i32
          %dma_wait3A_90 = arith.constant 0 : i32
          %dma_wait3A_91 = tpu.memref_slice %arg9[%dma_wait3A_88, %dma_wait3A_89, %dma_wait3A_90] : memref<2x64x256xf32, #tpu.memory_space<vmem>> -> memref<1x64x256xf32, #tpu.memory_space<vmem>>
          %dma_wait3A_92 = tpu.memref_squeeze %dma_wait3A_91 : memref<1x64x256xf32, #tpu.memory_space<vmem>> -> memref<64x256xf32, #tpu.memory_space<vmem>>
          %dma_wait3A_93 = arith.constant 0 : i32
          %dma_wait3A_94 = tpu.memref_slice %arg7[%add3A_87, %dma_wait3A_93] : memref<32x64xi32, #tpu.memory_space<vmem>> -> memref<1x64xi32, #tpu.memory_space<vmem>>
          %dma_wait3A_95 = tpu.memref_squeeze %dma_wait3A_94 : memref<1x64xi32, #tpu.memory_space<vmem>> -> memref<64xi32, #tpu.memory_space<vmem>>
          %dma_wait3A_96 = arith.constant 0 : i32
          %dma_wait3A_97 = arith.constant 0 : i32
          %dma_wait3A_98 = tpu.memref_slice %arg3[%dma_wait3A_96, %dma_wait3A_97] : memref<5120x256xf32, #tpu.memory_space<hbm>> -> memref<5120x256xf32, #tpu.memory_space<hbm>>
          tpu.wait_indirect_dma semaphore(%arg12 : memref<!tpu.dma_semaphore, #tpu.memory_space<semaphore_mem>>) src(%dma_wait3A_98 : memref<5120x256xf32, #tpu.memory_space<hbm>>) dst(%dma_wait3A_92 : memref<64x256xf32, #tpu.memory_space<vmem>>)
          %add3A_99 = arith.constant 2 : i32
          %add3A_100 = arith.addi %add3A_87, %add3A_99 : i32
          %lt3A_101 = arith.constant 32 : i32
          %lt3A_102 = arith.cmpi slt, %add3A_100, %lt3A_101 : i32
          %convert_element_type3A_103 = arith.extui %lt3A_102 : i1 to i32
          %cond3A_104 = arith.constant 0 : i32
          %cond3A_105 = arith.cmpi ne, %convert_element_type3A_103, %cond3A_104 : i32
          scf.if %cond3A_105 {
            %add3A_106 = arith.constant 2 : i32
            %add3A_107 = arith.addi %add3A_87, %add3A_106 : i32
            %dma_start3A_108 = arith.constant 1 : i32
            %dma_start3A_109 = arith.constant 0 : i32
            %dma_start3A_110 = arith.constant 0 : i32
            %dma_start3A_111 = tpu.memref_slice %arg9[%dma_start3A_108, %dma_start3A_109, %dma_start3A_110] : memref<2x64x256xf32, #tpu.memory_space<vmem>> -> memref<1x64x256xf32, #tpu.memory_space<vmem>>
            %dma_start3A_112 = tpu.memref_squeeze %dma_start3A_111 : memref<1x64x256xf32, #tpu.memory_space<vmem>> -> memref<64x256xf32, #tpu.memory_space<vmem>>
            %dma_start3A_113 = arith.constant 0 : i32
            %dma_start3A_114 = tpu.memref_slice %arg7[%add3A_107, %dma_start3A_113] : memref<32x64xi32, #tpu.memory_space<vmem>> -> memref<1x64xi32, #tpu.memory_space<vmem>>
            %dma_start3A_115 = tpu.memref_squeeze %dma_start3A_114 : memref<1x64xi32, #tpu.memory_space<vmem>> -> memref<64xi32, #tpu.memory_space<vmem>>
            %dma_start3A_116 = arith.constant 0 : i32
            %dma_start3A_117 = arith.constant 0 : i32
            %dma_start3A_118 = tpu.memref_slice %arg3[%dma_start3A_116, %dma_start3A_117] : memref<5120x256xf32, #tpu.memory_space<hbm>> -> memref<5120x256xf32, #tpu.memory_space<hbm>>
            tpu.enqueue_indirect_dma source(%dma_start3A_118 : memref<5120x256xf32, #tpu.memory_space<hbm>>) target(%dma_start3A_112 : memref<64x256xf32, #tpu.memory_space<vmem>>) offsets(%dma_start3A_115 : memref<64xi32, #tpu.memory_space<vmem>>) semaphore(%arg12 : memref<!tpu.dma_semaphore, #tpu.memory_space<semaphore_mem>>)
          } else {
          }
        }
        %scan3A_62 = arith.constant 16 : i32
      }
      %scan3A_25 = arith.constant 5 : i32
    } else {
    }
    %barrier3A_17 = arith.constant 0 : index
    tpu.barrier barrier_id(%barrier3A_17)
    %mul3A = arith.constant 640 : i32
    %mul3A_18 = arith.muli %arg1, %mul3A : i32
    %mul3A_19 = arith.constant 640 : i32
    %mul3A_20 = arith.muli %arg1, %mul3A_19 : i32
    "tpu.region"() ({
      %run_scoped3A = tpu.sem_alloc : memref<!tpu.dma_semaphore, #tpu.memory_space<semaphore_mem>>
      %dma_start3A = arith.constant 0 : i32
      %dma_start3A_21 = arith.constant 0 : i32
      %dma_start3A_22 = tpu.memref_slice %arg6[%arg0, %dma_start3A, %dma_start3A_21] : memref<2x10240x128xf32, #tpu.memory_space<hbm>> -> memref<1x10240x128xf32, #tpu.memory_space<hbm>>
      %dma_start3A_23 = tpu.memref_squeeze %dma_start3A_22 : memref<1x10240x128xf32, #tpu.memory_space<hbm>> -> memref<10240x128xf32, #tpu.memory_space<hbm>>
      %dma_start3A_24 = arith.constant 0 : i32
      %dma_start3A_25 = tpu.memref_slice %dma_start3A_23[%mul3A_20, %dma_start3A_24] : memref<10240x128xf32, #tpu.memory_space<hbm>> -> memref<640x128xf32, #tpu.memory_space<hbm>>
      %dma_start3A_26 = arith.constant 0 : i32
      %dma_start3A_27 = tpu.memref_slice %arg10[%mul3A_18, %dma_start3A_26] : memref<10240x128xf32, #tpu.memory_space<vmem_shared>> -> memref<640x128xf32, #tpu.memory_space<vmem_shared>>
      tpu.enqueue_dma source(%dma_start3A_27 : memref<640x128xf32, #tpu.memory_space<vmem_shared>>) target(%dma_start3A_25 : memref<640x128xf32, #tpu.memory_space<hbm>>) target_semaphore(%run_scoped3A : memref<!tpu.dma_semaphore, #tpu.memory_space<semaphore_mem>>)
      %dma_wait3A = arith.constant 0 : i32
      %dma_wait3A_28 = arith.constant 0 : i32
      %dma_wait3A_29 = tpu.memref_slice %arg6[%arg0, %dma_wait3A, %dma_wait3A_28] : memref<2x10240x128xf32, #tpu.memory_space<hbm>> -> memref<1x10240x128xf32, #tpu.memory_space<hbm>>
      %dma_wait3A_30 = tpu.memref_squeeze %dma_wait3A_29 : memref<1x10240x128xf32, #tpu.memory_space<hbm>> -> memref<10240x128xf32, #tpu.memory_space<hbm>>
      %dma_wait3A_31 = arith.constant 0 : i32
      %dma_wait3A_32 = tpu.memref_slice %dma_wait3A_30[%mul3A_20, %dma_wait3A_31] : memref<10240x128xf32, #tpu.memory_space<hbm>> -> memref<640x128xf32, #tpu.memory_space<hbm>>
      %dma_wait3A_33 = arith.constant 0 : i32
      %dma_wait3A_34 = tpu.memref_slice %arg10[%mul3A_18, %dma_wait3A_33] : memref<10240x128xf32, #tpu.memory_space<vmem_shared>> -> memref<640x128xf32, #tpu.memory_space<vmem_shared>>
      tpu.wait_dma2 semaphore(%run_scoped3A : memref<!tpu.dma_semaphore, #tpu.memory_space<semaphore_mem>>) src(%dma_wait3A_34 : memref<640x128xf32, #tpu.memory_space<vmem_shared>>) dst(%dma_wait3A_32 : memref<640x128xf32, #tpu.memory_space<hbm>>)
      tpu.yield
    }) : () -> ()
    return
  }
}

#map = affine_map<(d0, d1) -> (0, 0)>
#map1 = affine_map<(d0, d1) -> (0, 0, 0)>
module attributes {stable_mosaic.version = 14 : i64} {
  func.func @_propagate_sc(%arg0: i32, %arg1: i32, %arg2: memref<5120x256xf32, #tpu.memory_space<hbm>>, %arg3: memref<5120x256xf32, #tpu.memory_space<hbm>>, %arg4: memref<2560x64xi32, #tpu.memory_space<hbm>>, %arg5: memref<2560x64xi32, #tpu.memory_space<hbm>>, %arg6: memref<2x10240x128xf32, #tpu.memory_space<hbm>>, %arg7: memref<32x64xi32, #tpu.memory_space<vmem>>, %arg8: memref<32x64xi32, #tpu.memory_space<vmem>>, %arg9: memref<2x64x256xf32, #tpu.memory_space<vmem>>, %arg10: memref<10240x128xf32, #tpu.memory_space<vmem_shared>>, %arg11: memref<!tpu.dma_semaphore, #tpu.memory_space<semaphore_mem>>, %arg12: memref<!tpu.dma_semaphore, #tpu.memory_space<semaphore_mem>>, %arg13: memref<!tpu.dma_semaphore, #tpu.memory_space<semaphore_mem>>, %arg14: memref<!tpu.dma_semaphore, #tpu.memory_space<semaphore_mem>>, %arg15: memref<!tpu.dma_semaphore, #tpu.memory_space<semaphore_mem>>, %arg16: memref<!tpu.dma_semaphore, #tpu.memory_space<semaphore_mem>>, %arg17: memref<!tpu.dma_semaphore, #tpu.memory_space<semaphore_mem>>, %arg18: memref<!tpu.dma_semaphore, #tpu.memory_space<semaphore_mem>>) attributes {dimension_semantics = [#tpu.dimension_semantics<core_parallel>, #tpu.dimension_semantics<subcore_parallel>], iteration_bounds = array<i64: 2, 16>, scalar_prefetch = 0 : i64, scratch_operands = 12 : i64, tpu.core_type = #tpu.core_type<sc_vector_subcore>, window_params = [{transform_indices = #map}, {transform_indices = #map}, {transform_indices = #map}, {transform_indices = #map}, {transform_indices = #map1}]} {
    %broadcast_in_dim3A = arith.constant 0.000000e+00 : f32
    %broadcast_in_dim3A_0 = vector.broadcast %broadcast_in_dim3A : f32 to vector<16xf32>
    %scan3A = arith.constant 0 : i32
    %scan3A_1 = arith.constant 64 : i32
    %scan3A_2 = arith.addi %scan3A, %scan3A_1 : i32
    %scan3A_3 = arith.constant 1 : i32
    scf.for %scan3A_21 = %scan3A to %scan3A_2 step %scan3A_3  : i32 {
      %mul3A_22 = arith.constant 1 : i32
      %mul3A_23 = arith.muli %scan3A_21, %mul3A_22 : i32
      %add3A = arith.constant 0 : i32
      %add3A_24 = arith.addi %add3A, %mul3A_23 : i32
      %scan3A_25 = arith.constant 0 : i32
      %scan3A_26 = arith.constant 16 : i32
      %scan3A_27 = arith.addi %scan3A_25, %scan3A_26 : i32
      %scan3A_28 = arith.constant 1 : i32
      scf.for %scan3A_30 = %scan3A_25 to %scan3A_27 step %scan3A_28  : i32 {
        %mul3A_31 = arith.constant 1 : i32
        %mul3A_32 = arith.muli %scan3A_30, %mul3A_31 : i32
        %add3A_33 = arith.constant 0 : i32
        %add3A_34 = arith.addi %add3A_33, %mul3A_32 : i32
        %mul3A_35 = arith.constant 16 : i32
        %mul3A_36 = arith.muli %add3A_34, %mul3A_35 : i32
        %swap3A = arith.constant 0 : i32
        %swap3A_37 = arith.index_cast %swap3A : i32 to index
        %swap3A_38 = arith.index_cast %add3A_24 : i32 to index
        %swap3A_39 = arith.index_cast %mul3A_36 : i32 to index
        %swap3A_40 = tpu.vector_load %arg9[%swap3A_37, %swap3A_38, %swap3A_39] {strides = array<i32>} : memref<2x64x256xf32, #tpu.memory_space<vmem>>, vector<1x1x16xf32>,
        %swap3A_41 = vector.shape_cast %swap3A_40 : vector<1x1x16xf32> to vector<16xf32>
        %swap3A_42 = vector.shape_cast %broadcast_in_dim3A_0 : vector<16xf32> to vector<1x1x16xf32>
        tpu.vector_store %arg9[%swap3A_37, %swap3A_38, %swap3A_39], %swap3A_42 {strides = array<i32>} : memref<2x64x256xf32, #tpu.memory_space<vmem>>, vector<1x1x16xf32>,
      }
      %scan3A_29 = arith.constant 16 : i32
    }
    %scan3A_4 = arith.constant 64 : i32
    %scan3A_5 = arith.constant 0 : i32
    %scan3A_6 = arith.constant 10 : i32
    %scan3A_7 = arith.addi %scan3A_5, %scan3A_6 : i32
    %scan3A_8 = arith.constant 1 : i32
    scf.for %scan3A_21 = %scan3A_5 to %scan3A_7 step %scan3A_8  : i32 {
      %mul3A_22 = arith.constant 1 : i32
      %mul3A_23 = arith.muli %scan3A_21, %mul3A_22 : i32
      %add3A = arith.constant 0 : i32
      %add3A_24 = arith.addi %add3A, %mul3A_23 : i32
      %mul3A_25 = arith.constant 640 : i32
      %mul3A_26 = arith.muli %arg1, %mul3A_25 : i32
      %mul3A_27 = arith.constant 64 : i32
      %mul3A_28 = arith.muli %add3A_24, %mul3A_27 : i32
      %add3A_29 = arith.addi %mul3A_26, %mul3A_28 : i32
      %run_scoped3A = arith.constant 0 : i32
      "tpu.region"() ({
        %run_scoped3A_30 = tpu.sem_alloc : memref<!tpu.dma_semaphore, #tpu.memory_space<semaphore_mem>>
        %dma_start3A = arith.constant 0 : i32
        %dma_start3A_31 = arith.constant 0 : i32
        %dma_start3A_32 = tpu.memref_slice %arg9[%run_scoped3A, %dma_start3A, %dma_start3A_31] : memref<2x64x256xf32, #tpu.memory_space<vmem>> -> memref<1x64x128xf32, #tpu.memory_space<vmem>>
        %dma_start3A_33 = tpu.memref_squeeze %dma_start3A_32 : memref<1x64x128xf32, #tpu.memory_space<vmem>> -> memref<64x128xf32, #tpu.memory_space<vmem>>
        %dma_start3A_34 = arith.constant 0 : i32
        %dma_start3A_35 = tpu.memref_slice %arg10[%add3A_29, %dma_start3A_34] : memref<10240x128xf32, #tpu.memory_space<vmem_shared>> -> memref<64x128xf32, #tpu.memory_space<vmem_shared>>
        %dma_start3A_36 = arith.constant 0 : i32
        %dma_start3A_37 = tpu.memref_slice %arg10[%add3A_29, %dma_start3A_36] : memref<10240x128xf32, #tpu.memory_space<vmem_shared>> -> memref<64x128xf32, #tpu.memory_space<vmem_shared>>
        %dma_start3A_38 = arith.constant 0 : i32
        %dma_start3A_39 = arith.constant 0 : i32
        %dma_start3A_40 = tpu.memref_slice %arg9[%run_scoped3A, %dma_start3A_38, %dma_start3A_39] : memref<2x64x256xf32, #tpu.memory_space<vmem>> -> memref<1x64x128xf32, #tpu.memory_space<vmem>>
        %dma_start3A_41 = tpu.memref_squeeze %dma_start3A_40 : memref<1x64x128xf32, #tpu.memory_space<vmem>> -> memref<64x128xf32, #tpu.memory_space<vmem>>
        tpu.enqueue_dma source(%dma_start3A_41 : memref<64x128xf32, #tpu.memory_space<vmem>>) target(%dma_start3A_37 : memref<64x128xf32, #tpu.memory_space<vmem_shared>>) target_semaphore(%run_scoped3A_30 : memref<!tpu.dma_semaphore, #tpu.memory_space<semaphore_mem>>)
        %dma_wait3A = arith.constant 0 : i32
        %dma_wait3A_42 = arith.constant 0 : i32
        %dma_wait3A_43 = tpu.memref_slice %arg9[%run_scoped3A, %dma_wait3A, %dma_wait3A_42] : memref<2x64x256xf32, #tpu.memory_space<vmem>> -> memref<1x64x128xf32, #tpu.memory_space<vmem>>
        %dma_wait3A_44 = tpu.memref_squeeze %dma_wait3A_43 : memref<1x64x128xf32, #tpu.memory_space<vmem>> -> memref<64x128xf32, #tpu.memory_space<vmem>>
        %dma_wait3A_45 = arith.constant 0 : i32
        %dma_wait3A_46 = tpu.memref_slice %arg10[%add3A_29, %dma_wait3A_45] : memref<10240x128xf32, #tpu.memory_space<vmem_shared>> -> memref<64x128xf32, #tpu.memory_space<vmem_shared>>
        %dma_wait3A_47 = arith.constant 0 : i32
        %dma_wait3A_48 = tpu.memref_slice %arg10[%add3A_29, %dma_wait3A_47] : memref<10240x128xf32, #tpu.memory_space<vmem_shared>> -> memref<64x128xf32, #tpu.memory_space<vmem_shared>>
        %dma_wait3A_49 = arith.constant 0 : i32
        %dma_wait3A_50 = arith.constant 0 : i32
        %dma_wait3A_51 = tpu.memref_slice %arg9[%run_scoped3A, %dma_wait3A_49, %dma_wait3A_50] : memref<2x64x256xf32, #tpu.memory_space<vmem>> -> memref<1x64x128xf32, #tpu.memory_space<vmem>>
        %dma_wait3A_52 = tpu.memref_squeeze %dma_wait3A_51 : memref<1x64x128xf32, #tpu.memory_space<vmem>> -> memref<64x128xf32, #tpu.memory_space<vmem>>
        tpu.wait_dma2 semaphore(%run_scoped3A_30 : memref<!tpu.dma_semaphore, #tpu.memory_space<semaphore_mem>>) src(%dma_wait3A_52 : memref<64x128xf32, #tpu.memory_space<vmem>>) dst(%dma_wait3A_48 : memref<64x128xf32, #tpu.memory_space<vmem_shared>>)
        tpu.yield
      }) : () -> ()
    }
    %scan3A_9 = arith.constant 10 : i32
    %barrier3A = arith.constant 0 : index
    tpu.barrier barrier_id(%barrier3A)
    %eq3A = arith.constant 0 : i32
    %eq3A_10 = arith.cmpi eq, %arg0, %eq3A : i32
    %convert_element_type3A = arith.extui %eq3A_10 : i1 to i32
    %cond3A = arith.constant 0 : i32
    %cond3A_11 = arith.cmpi ne, %convert_element_type3A, %cond3A : i32
    scf.if %cond3A_11 {
      %scan3A_21 = arith.constant 0 : i32
      %scan3A_22 = arith.constant 5 : i32
      %scan3A_23 = arith.addi %scan3A_21, %scan3A_22 : i32
      %scan3A_24 = arith.constant 1 : i32
      scf.for %scan3A_26 = %scan3A_21 to %scan3A_23 step %scan3A_24  : i32 {
        %mul3A_27 = arith.constant 1 : i32
        %mul3A_28 = arith.muli %scan3A_26, %mul3A_27 : i32
        %add3A = arith.constant 0 : i32
        %add3A_29 = arith.addi %add3A, %mul3A_28 : i32
        %mul3A_30 = arith.constant 160 : i32
        %mul3A_31 = arith.muli %arg1, %mul3A_30 : i32
        %mul3A_32 = arith.constant 32 : i32
        %mul3A_33 = arith.muli %add3A_29, %mul3A_32 : i32
        %add3A_34 = arith.addi %mul3A_31, %mul3A_33 : i32
        "tpu.region"() ({
          %run_scoped3A = tpu.sem_alloc : memref<!tpu.dma_semaphore, #tpu.memory_space<semaphore_mem>>
          %dma_start3A_63 = arith.constant 0 : i32
          %dma_start3A_64 = tpu.memref_slice %arg4[%add3A_34, %dma_start3A_63] : memref<2560x64xi32, #tpu.memory_space<hbm>> -> memref<32x64xi32, #tpu.memory_space<hbm>>
          %dma_start3A_65 = arith.constant 0 : i32
          %dma_start3A_66 = tpu.memref_slice %arg4[%add3A_34, %dma_start3A_65] : memref<2560x64xi32, #tpu.memory_space<hbm>> -> memref<32x64xi32, #tpu.memory_space<hbm>>
          tpu.enqueue_dma source(%dma_start3A_66 : memref<32x64xi32, #tpu.memory_space<hbm>>) target(%arg7 : memref<32x64xi32, #tpu.memory_space<vmem>>) target_semaphore(%run_scoped3A : memref<!tpu.dma_semaphore, #tpu.memory_space<semaphore_mem>>)
          %dma_wait3A = arith.constant 0 : i32
          %dma_wait3A_67 = tpu.memref_slice %arg4[%add3A_34, %dma_wait3A] : memref<2560x64xi32, #tpu.memory_space<hbm>> -> memref<32x64xi32, #tpu.memory_space<hbm>>
          %dma_wait3A_68 = arith.constant 0 : i32
          %dma_wait3A_69 = tpu.memref_slice %arg4[%add3A_34, %dma_wait3A_68] : memref<2560x64xi32, #tpu.memory_space<hbm>> -> memref<32x64xi32, #tpu.memory_space<hbm>>
          tpu.wait_dma2 semaphore(%run_scoped3A : memref<!tpu.dma_semaphore, #tpu.memory_space<semaphore_mem>>) src(%dma_wait3A_69 : memref<32x64xi32, #tpu.memory_space<hbm>>) dst(%arg7 : memref<32x64xi32, #tpu.memory_space<vmem>>)
          tpu.yield
        }) : () -> ()
        "tpu.region"() ({
          %run_scoped3A = tpu.sem_alloc : memref<!tpu.dma_semaphore, #tpu.memory_space<semaphore_mem>>
          %dma_start3A_63 = arith.constant 0 : i32
          %dma_start3A_64 = tpu.memref_slice %arg5[%add3A_34, %dma_start3A_63] : memref<2560x64xi32, #tpu.memory_space<hbm>> -> memref<32x64xi32, #tpu.memory_space<hbm>>
          %dma_start3A_65 = arith.constant 0 : i32
          %dma_start3A_66 = tpu.memref_slice %arg5[%add3A_34, %dma_start3A_65] : memref<2560x64xi32, #tpu.memory_space<hbm>> -> memref<32x64xi32, #tpu.memory_space<hbm>>
          tpu.enqueue_dma source(%dma_start3A_66 : memref<32x64xi32, #tpu.memory_space<hbm>>) target(%arg8 : memref<32x64xi32, #tpu.memory_space<vmem>>) target_semaphore(%run_scoped3A : memref<!tpu.dma_semaphore, #tpu.memory_space<semaphore_mem>>)
          %dma_wait3A = arith.constant 0 : i32
          %dma_wait3A_67 = tpu.memref_slice %arg5[%add3A_34, %dma_wait3A] : memref<2560x64xi32, #tpu.memory_space<hbm>> -> memref<32x64xi32, #tpu.memory_space<hbm>>
          %dma_wait3A_68 = arith.constant 0 : i32
          %dma_wait3A_69 = tpu.memref_slice %arg5[%add3A_34, %dma_wait3A_68] : memref<2560x64xi32, #tpu.memory_space<hbm>> -> memref<32x64xi32, #tpu.memory_space<hbm>>
          tpu.wait_dma2 semaphore(%run_scoped3A : memref<!tpu.dma_semaphore, #tpu.memory_space<semaphore_mem>>) src(%dma_wait3A_69 : memref<32x64xi32, #tpu.memory_space<hbm>>) dst(%arg8 : memref<32x64xi32, #tpu.memory_space<vmem>>)
          tpu.yield
        }) : () -> ()
        %dma_start3A = arith.constant 0 : i32
        %dma_start3A_35 = arith.constant 0 : i32
        %dma_start3A_36 = arith.constant 0 : i32
        %dma_start3A_37 = arith.constant 0 : i32
        %dma_start3A_38 = tpu.memref_slice %arg9[%dma_start3A_35, %dma_start3A_36, %dma_start3A_37] : memref<2x64x256xf32, #tpu.memory_space<vmem>> -> memref<1x64x256xf32, #tpu.memory_space<vmem>>
        %dma_start3A_39 = tpu.memref_squeeze %dma_start3A_38 : memref<1x64x256xf32, #tpu.memory_space<vmem>> -> memref<64x256xf32, #tpu.memory_space<vmem>>
        %dma_start3A_40 = arith.constant 0 : i32
        %dma_start3A_41 = tpu.memref_slice %arg7[%dma_start3A, %dma_start3A_40] : memref<32x64xi32, #tpu.memory_space<vmem>> -> memref<1x64xi32, #tpu.memory_space<vmem>>
        %dma_start3A_42 = tpu.memref_squeeze %dma_start3A_41 : memref<1x64xi32, #tpu.memory_space<vmem>> -> memref<64xi32, #tpu.memory_space<vmem>>
        %dma_start3A_43 = arith.constant 0 : i32
        %dma_start3A_44 = arith.constant 0 : i32
        %dma_start3A_45 = tpu.memref_slice %arg2[%dma_start3A_43, %dma_start3A_44] : memref<5120x256xf32, #tpu.memory_space<hbm>> -> memref<5120x256xf32, #tpu.memory_space<hbm>>
        tpu.enqueue_indirect_dma source(%dma_start3A_45 : memref<5120x256xf32, #tpu.memory_space<hbm>>) target(%dma_start3A_39 : memref<64x256xf32, #tpu.memory_space<vmem>>) offsets(%dma_start3A_42 : memref<64xi32, #tpu.memory_space<vmem>>) semaphore(%arg11 : memref<!tpu.dma_semaphore, #tpu.memory_space<semaphore_mem>>)
        %dma_start3A_46 = arith.constant 1 : i32
        %dma_start3A_47 = arith.constant 1 : i32
        %dma_start3A_48 = arith.constant 0 : i32
        %dma_start3A_49 = arith.constant 0 : i32
        %dma_start3A_50 = tpu.memref_slice %arg9[%dma_start3A_47, %dma_start3A_48, %dma_start3A_49] : memref<2x64x256xf32, #tpu.memory_space<vmem>> -> memref<1x64x256xf32, #tpu.memory_space<vmem>>
        %dma_start3A_51 = tpu.memref_squeeze %dma_start3A_50 : memref<1x64x256xf32, #tpu.memory_space<vmem>> -> memref<64x256xf32, #tpu.memory_space<vmem>>
        %dma_start3A_52 = arith.constant 0 : i32
        %dma_start3A_53 = tpu.memref_slice %arg7[%dma_start3A_46, %dma_start3A_52] : memref<32x64xi32, #tpu.memory_space<vmem>> -> memref<1x64xi32, #tpu.memory_space<vmem>>
        %dma_start3A_54 = tpu.memref_squeeze %dma_start3A_53 : memref<1x64xi32, #tpu.memory_space<vmem>> -> memref<64xi32, #tpu.memory_space<vmem>>
        %dma_start3A_55 = arith.constant 0 : i32
        %dma_start3A_56 = arith.constant 0 : i32
        %dma_start3A_57 = tpu.memref_slice %arg2[%dma_start3A_55, %dma_start3A_56] : memref<5120x256xf32, #tpu.memory_space<hbm>> -> memref<5120x256xf32, #tpu.memory_space<hbm>>
        tpu.enqueue_indirect_dma source(%dma_start3A_57 : memref<5120x256xf32, #tpu.memory_space<hbm>>) target(%dma_start3A_51 : memref<64x256xf32, #tpu.memory_space<vmem>>) offsets(%dma_start3A_54 : memref<64xi32, #tpu.memory_space<vmem>>) semaphore(%arg12 : memref<!tpu.dma_semaphore, #tpu.memory_space<semaphore_mem>>)
        %scan3A_58 = arith.constant 0 : i32
        %scan3A_59 = arith.constant 16 : i32
        %scan3A_60 = arith.addi %scan3A_58, %scan3A_59 : i32
        %scan3A_61 = arith.constant 1 : i32
        scf.for %scan3A_63 = %scan3A_58 to %scan3A_60 step %scan3A_61  : i32 {
          %mul3A_64 = arith.constant 2 : i32
          %mul3A_65 = arith.muli %scan3A_63, %mul3A_64 : i32
          %add3A_66 = arith.constant 0 : i32
          %add3A_67 = arith.addi %add3A_66, %mul3A_65 : i32
          %add3A_68 = arith.constant 0 : i32
          %add3A_69 = arith.addi %add3A_67, %add3A_68 : i32
          %dma_wait3A = arith.constant 0 : i32
          %dma_wait3A_70 = arith.constant 0 : i32
          %dma_wait3A_71 = arith.constant 0 : i32
          %dma_wait3A_72 = tpu.memref_slice %arg9[%dma_wait3A, %dma_wait3A_70, %dma_wait3A_71] : memref<2x64x256xf32, #tpu.memory_space<vmem>> -> memref<1x64x256xf32, #tpu.memory_space<vmem>>
          %dma_wait3A_73 = tpu.memref_squeeze %dma_wait3A_72 : memref<1x64x256xf32, #tpu.memory_space<vmem>> -> memref<64x256xf32, #tpu.memory_space<vmem>>
          %dma_wait3A_74 = arith.constant 0 : i32
          %dma_wait3A_75 = tpu.memref_slice %arg7[%add3A_69, %dma_wait3A_74] : memref<32x64xi32, #tpu.memory_space<vmem>> -> memref<1x64xi32, #tpu.memory_space<vmem>>
          %dma_wait3A_76 = tpu.memref_squeeze %dma_wait3A_75 : memref<1x64xi32, #tpu.memory_space<vmem>> -> memref<64xi32, #tpu.memory_space<vmem>>
          %dma_wait3A_77 = arith.constant 0 : i32
          %dma_wait3A_78 = arith.constant 0 : i32
          %dma_wait3A_79 = tpu.memref_slice %arg2[%dma_wait3A_77, %dma_wait3A_78] : memref<5120x256xf32, #tpu.memory_space<hbm>> -> memref<5120x256xf32, #tpu.memory_space<hbm>>
          tpu.wait_indirect_dma semaphore(%arg11 : memref<!tpu.dma_semaphore, #tpu.memory_space<semaphore_mem>>) src(%dma_wait3A_79 : memref<5120x256xf32, #tpu.memory_space<hbm>>) dst(%dma_wait3A_73 : memref<64x256xf32, #tpu.memory_space<vmem>>)
          %add3A_80 = arith.constant 2 : i32
          %add3A_81 = arith.addi %add3A_69, %add3A_80 : i32
          %lt3A = arith.constant 32 : i32
          %lt3A_82 = arith.cmpi slt, %add3A_81, %lt3A : i32
          %convert_element_type3A_83 = arith.extui %lt3A_82 : i1 to i32
          %cond3A_84 = arith.constant 0 : i32
          %cond3A_85 = arith.cmpi ne, %convert_element_type3A_83, %cond3A_84 : i32
          scf.if %cond3A_85 {
            %add3A_106 = arith.constant 2 : i32
            %add3A_107 = arith.addi %add3A_69, %add3A_106 : i32
            %dma_start3A_108 = arith.constant 0 : i32
            %dma_start3A_109 = arith.constant 0 : i32
            %dma_start3A_110 = arith.constant 0 : i32
            %dma_start3A_111 = tpu.memref_slice %arg9[%dma_start3A_108, %dma_start3A_109, %dma_start3A_110] : memref<2x64x256xf32, #tpu.memory_space<vmem>> -> memref<1x64x256xf32, #tpu.memory_space<vmem>>
            %dma_start3A_112 = tpu.memref_squeeze %dma_start3A_111 : memref<1x64x256xf32, #tpu.memory_space<vmem>> -> memref<64x256xf32, #tpu.memory_space<vmem>>
            %dma_start3A_113 = arith.constant 0 : i32
            %dma_start3A_114 = tpu.memref_slice %arg7[%add3A_107, %dma_start3A_113] : memref<32x64xi32, #tpu.memory_space<vmem>> -> memref<1x64xi32, #tpu.memory_space<vmem>>
            %dma_start3A_115 = tpu.memref_squeeze %dma_start3A_114 : memref<1x64xi32, #tpu.memory_space<vmem>> -> memref<64xi32, #tpu.memory_space<vmem>>
            %dma_start3A_116 = arith.constant 0 : i32
            %dma_start3A_117 = arith.constant 0 : i32
            %dma_start3A_118 = tpu.memref_slice %arg2[%dma_start3A_116, %dma_start3A_117] : memref<5120x256xf32, #tpu.memory_space<hbm>> -> memref<5120x256xf32, #tpu.memory_space<hbm>>
            tpu.enqueue_indirect_dma source(%dma_start3A_118 : memref<5120x256xf32, #tpu.memory_space<hbm>>) target(%dma_start3A_112 : memref<64x256xf32, #tpu.memory_space<vmem>>) offsets(%dma_start3A_115 : memref<64xi32, #tpu.memory_space<vmem>>) semaphore(%arg11 : memref<!tpu.dma_semaphore, #tpu.memory_space<semaphore_mem>>)
          } else {
          }
          %add3A_86 = arith.constant 1 : i32
          %add3A_87 = arith.addi %add3A_67, %add3A_86 : i32
          %dma_wait3A_88 = arith.constant 1 : i32
          %dma_wait3A_89 = arith.constant 0 : i32
          %dma_wait3A_90 = arith.constant 0 : i32
          %dma_wait3A_91 = tpu.memref_slice %arg9[%dma_wait3A_88, %dma_wait3A_89, %dma_wait3A_90] : memref<2x64x256xf32, #tpu.memory_space<vmem>> -> memref<1x64x256xf32, #tpu.memory_space<vmem>>
          %dma_wait3A_92 = tpu.memref_squeeze %dma_wait3A_91 : memref<1x64x256xf32, #tpu.memory_space<vmem>> -> memref<64x256xf32, #tpu.memory_space<vmem>>
          %dma_wait3A_93 = arith.constant 0 : i32
          %dma_wait3A_94 = tpu.memref_slice %arg7[%add3A_87, %dma_wait3A_93] : memref<32x64xi32, #tpu.memory_space<vmem>> -> memref<1x64xi32, #tpu.memory_space<vmem>>
          %dma_wait3A_95 = tpu.memref_squeeze %dma_wait3A_94 : memref<1x64xi32, #tpu.memory_space<vmem>> -> memref<64xi32, #tpu.memory_space<vmem>>
          %dma_wait3A_96 = arith.constant 0 : i32
          %dma_wait3A_97 = arith.constant 0 : i32
          %dma_wait3A_98 = tpu.memref_slice %arg2[%dma_wait3A_96, %dma_wait3A_97] : memref<5120x256xf32, #tpu.memory_space<hbm>> -> memref<5120x256xf32, #tpu.memory_space<hbm>>
          tpu.wait_indirect_dma semaphore(%arg12 : memref<!tpu.dma_semaphore, #tpu.memory_space<semaphore_mem>>) src(%dma_wait3A_98 : memref<5120x256xf32, #tpu.memory_space<hbm>>) dst(%dma_wait3A_92 : memref<64x256xf32, #tpu.memory_space<vmem>>)
          %add3A_99 = arith.constant 2 : i32
          %add3A_100 = arith.addi %add3A_87, %add3A_99 : i32
          %lt3A_101 = arith.constant 32 : i32
          %lt3A_102 = arith.cmpi slt, %add3A_100, %lt3A_101 : i32
          %convert_element_type3A_103 = arith.extui %lt3A_102 : i1 to i32
          %cond3A_104 = arith.constant 0 : i32
          %cond3A_105 = arith.cmpi ne, %convert_element_type3A_103, %cond3A_104 : i32
          scf.if %cond3A_105 {
            %add3A_106 = arith.constant 2 : i32
            %add3A_107 = arith.addi %add3A_87, %add3A_106 : i32
            %dma_start3A_108 = arith.constant 1 : i32
            %dma_start3A_109 = arith.constant 0 : i32
            %dma_start3A_110 = arith.constant 0 : i32
            %dma_start3A_111 = tpu.memref_slice %arg9[%dma_start3A_108, %dma_start3A_109, %dma_start3A_110] : memref<2x64x256xf32, #tpu.memory_space<vmem>> -> memref<1x64x256xf32, #tpu.memory_space<vmem>>
            %dma_start3A_112 = tpu.memref_squeeze %dma_start3A_111 : memref<1x64x256xf32, #tpu.memory_space<vmem>> -> memref<64x256xf32, #tpu.memory_space<vmem>>
            %dma_start3A_113 = arith.constant 0 : i32
            %dma_start3A_114 = tpu.memref_slice %arg7[%add3A_107, %dma_start3A_113] : memref<32x64xi32, #tpu.memory_space<vmem>> -> memref<1x64xi32, #tpu.memory_space<vmem>>
            %dma_start3A_115 = tpu.memref_squeeze %dma_start3A_114 : memref<1x64xi32, #tpu.memory_space<vmem>> -> memref<64xi32, #tpu.memory_space<vmem>>
            %dma_start3A_116 = arith.constant 0 : i32
            %dma_start3A_117 = arith.constant 0 : i32
            %dma_start3A_118 = tpu.memref_slice %arg2[%dma_start3A_116, %dma_start3A_117] : memref<5120x256xf32, #tpu.memory_space<hbm>> -> memref<5120x256xf32, #tpu.memory_space<hbm>>
            tpu.enqueue_indirect_dma source(%dma_start3A_118 : memref<5120x256xf32, #tpu.memory_space<hbm>>) target(%dma_start3A_112 : memref<64x256xf32, #tpu.memory_space<vmem>>) offsets(%dma_start3A_115 : memref<64xi32, #tpu.memory_space<vmem>>) semaphore(%arg12 : memref<!tpu.dma_semaphore, #tpu.memory_space<semaphore_mem>>)
          } else {
          }
        }
        %scan3A_62 = arith.constant 16 : i32
      }
      %scan3A_25 = arith.constant 5 : i32
    } else {
    }
    %eq3A_12 = arith.constant 1 : i32
    %eq3A_13 = arith.cmpi eq, %arg0, %eq3A_12 : i32
    %convert_element_type3A_14 = arith.extui %eq3A_13 : i1 to i32
    %cond3A_15 = arith.constant 0 : i32
    %cond3A_16 = arith.cmpi ne, %convert_element_type3A_14, %cond3A_15 : i32
    scf.if %cond3A_16 {
      %scan3A_21 = arith.constant 0 : i32
      %scan3A_22 = arith.constant 5 : i32
      %scan3A_23 = arith.addi %scan3A_21, %scan3A_22 : i32
      %scan3A_24 = arith.constant 1 : i32
      scf.for %scan3A_26 = %scan3A_21 to %scan3A_23 step %scan3A_24  : i32 {
        %mul3A_27 = arith.constant 1 : i32
        %mul3A_28 = arith.muli %scan3A_26, %mul3A_27 : i32
        %add3A = arith.constant 0 : i32
        %add3A_29 = arith.addi %add3A, %mul3A_28 : i32
        %mul3A_30 = arith.constant 160 : i32
        %mul3A_31 = arith.muli %arg1, %mul3A_30 : i32
        %mul3A_32 = arith.constant 32 : i32
        %mul3A_33 = arith.muli %add3A_29, %mul3A_32 : i32
        %add3A_34 = arith.addi %mul3A_31, %mul3A_33 : i32
        "tpu.region"() ({
          %run_scoped3A = tpu.sem_alloc : memref<!tpu.dma_semaphore, #tpu.memory_space<semaphore_mem>>
          %dma_start3A_63 = arith.constant 0 : i32
          %dma_start3A_64 = tpu.memref_slice %arg4[%add3A_34, %dma_start3A_63] : memref<2560x64xi32, #tpu.memory_space<hbm>> -> memref<32x64xi32, #tpu.memory_space<hbm>>
          %dma_start3A_65 = arith.constant 0 : i32
          %dma_start3A_66 = tpu.memref_slice %arg4[%add3A_34, %dma_start3A_65] : memref<2560x64xi32, #tpu.memory_space<hbm>> -> memref<32x64xi32, #tpu.memory_space<hbm>>
          tpu.enqueue_dma source(%dma_start3A_66 : memref<32x64xi32, #tpu.memory_space<hbm>>) target(%arg7 : memref<32x64xi32, #tpu.memory_space<vmem>>) target_semaphore(%run_scoped3A : memref<!tpu.dma_semaphore, #tpu.memory_space<semaphore_mem>>)
          %dma_wait3A = arith.constant 0 : i32
          %dma_wait3A_67 = tpu.memref_slice %arg4[%add3A_34, %dma_wait3A] : memref<2560x64xi32, #tpu.memory_space<hbm>> -> memref<32x64xi32, #tpu.memory_space<hbm>>
          %dma_wait3A_68 = arith.constant 0 : i32
          %dma_wait3A_69 = tpu.memref_slice %arg4[%add3A_34, %dma_wait3A_68] : memref<2560x64xi32, #tpu.memory_space<hbm>> -> memref<32x64xi32, #tpu.memory_space<hbm>>
          tpu.wait_dma2 semaphore(%run_scoped3A : memref<!tpu.dma_semaphore, #tpu.memory_space<semaphore_mem>>) src(%dma_wait3A_69 : memref<32x64xi32, #tpu.memory_space<hbm>>) dst(%arg7 : memref<32x64xi32, #tpu.memory_space<vmem>>)
          tpu.yield
        }) : () -> ()
        "tpu.region"() ({
          %run_scoped3A = tpu.sem_alloc : memref<!tpu.dma_semaphore, #tpu.memory_space<semaphore_mem>>
          %dma_start3A_63 = arith.constant 0 : i32
          %dma_start3A_64 = tpu.memref_slice %arg5[%add3A_34, %dma_start3A_63] : memref<2560x64xi32, #tpu.memory_space<hbm>> -> memref<32x64xi32, #tpu.memory_space<hbm>>
          %dma_start3A_65 = arith.constant 0 : i32
          %dma_start3A_66 = tpu.memref_slice %arg5[%add3A_34, %dma_start3A_65] : memref<2560x64xi32, #tpu.memory_space<hbm>> -> memref<32x64xi32, #tpu.memory_space<hbm>>
          tpu.enqueue_dma source(%dma_start3A_66 : memref<32x64xi32, #tpu.memory_space<hbm>>) target(%arg8 : memref<32x64xi32, #tpu.memory_space<vmem>>) target_semaphore(%run_scoped3A : memref<!tpu.dma_semaphore, #tpu.memory_space<semaphore_mem>>)
          %dma_wait3A = arith.constant 0 : i32
          %dma_wait3A_67 = tpu.memref_slice %arg5[%add3A_34, %dma_wait3A] : memref<2560x64xi32, #tpu.memory_space<hbm>> -> memref<32x64xi32, #tpu.memory_space<hbm>>
          %dma_wait3A_68 = arith.constant 0 : i32
          %dma_wait3A_69 = tpu.memref_slice %arg5[%add3A_34, %dma_wait3A_68] : memref<2560x64xi32, #tpu.memory_space<hbm>> -> memref<32x64xi32, #tpu.memory_space<hbm>>
          tpu.wait_dma2 semaphore(%run_scoped3A : memref<!tpu.dma_semaphore, #tpu.memory_space<semaphore_mem>>) src(%dma_wait3A_69 : memref<32x64xi32, #tpu.memory_space<hbm>>) dst(%arg8 : memref<32x64xi32, #tpu.memory_space<vmem>>)
          tpu.yield
        }) : () -> ()
        %dma_start3A = arith.constant 0 : i32
        %dma_start3A_35 = arith.constant 0 : i32
        %dma_start3A_36 = arith.constant 0 : i32
        %dma_start3A_37 = arith.constant 0 : i32
        %dma_start3A_38 = tpu.memref_slice %arg9[%dma_start3A_35, %dma_start3A_36, %dma_start3A_37] : memref<2x64x256xf32, #tpu.memory_space<vmem>> -> memref<1x64x256xf32, #tpu.memory_space<vmem>>
        %dma_start3A_39 = tpu.memref_squeeze %dma_start3A_38 : memref<1x64x256xf32, #tpu.memory_space<vmem>> -> memref<64x256xf32, #tpu.memory_space<vmem>>
        %dma_start3A_40 = arith.constant 0 : i32
        %dma_start3A_41 = tpu.memref_slice %arg7[%dma_start3A, %dma_start3A_40] : memref<32x64xi32, #tpu.memory_space<vmem>> -> memref<1x64xi32, #tpu.memory_space<vmem>>
        %dma_start3A_42 = tpu.memref_squeeze %dma_start3A_41 : memref<1x64xi32, #tpu.memory_space<vmem>> -> memref<64xi32, #tpu.memory_space<vmem>>
        %dma_start3A_43 = arith.constant 0 : i32
        %dma_start3A_44 = arith.constant 0 : i32
        %dma_start3A_45 = tpu.memref_slice %arg3[%dma_start3A_43, %dma_start3A_44] : memref<5120x256xf32, #tpu.memory_space<hbm>> -> memref<5120x256xf32, #tpu.memory_space<hbm>>
        tpu.enqueue_indirect_dma source(%dma_start3A_45 : memref<5120x256xf32, #tpu.memory_space<hbm>>) target(%dma_start3A_39 : memref<64x256xf32, #tpu.memory_space<vmem>>) offsets(%dma_start3A_42 : memref<64xi32, #tpu.memory_space<vmem>>) semaphore(%arg11 : memref<!tpu.dma_semaphore, #tpu.memory_space<semaphore_mem>>)
        %dma_start3A_46 = arith.constant 1 : i32
        %dma_start3A_47 = arith.constant 1 : i32
        %dma_start3A_48 = arith.constant 0 : i32
        %dma_start3A_49 = arith.constant 0 : i32
        %dma_start3A_50 = tpu.memref_slice %arg9[%dma_start3A_47, %dma_start3A_48, %dma_start3A_49] : memref<2x64x256xf32, #tpu.memory_space<vmem>> -> memref<1x64x256xf32, #tpu.memory_space<vmem>>
        %dma_start3A_51 = tpu.memref_squeeze %dma_start3A_50 : memref<1x64x256xf32, #tpu.memory_space<vmem>> -> memref<64x256xf32, #tpu.memory_space<vmem>>
        %dma_start3A_52 = arith.constant 0 : i32
        %dma_start3A_53 = tpu.memref_slice %arg7[%dma_start3A_46, %dma_start3A_52] : memref<32x64xi32, #tpu.memory_space<vmem>> -> memref<1x64xi32, #tpu.memory_space<vmem>>
        %dma_start3A_54 = tpu.memref_squeeze %dma_start3A_53 : memref<1x64xi32, #tpu.memory_space<vmem>> -> memref<64xi32, #tpu.memory_space<vmem>>
        %dma_start3A_55 = arith.constant 0 : i32
        %dma_start3A_56 = arith.constant 0 : i32
        %dma_start3A_57 = tpu.memref_slice %arg3[%dma_start3A_55, %dma_start3A_56] : memref<5120x256xf32, #tpu.memory_space<hbm>> -> memref<5120x256xf32, #tpu.memory_space<hbm>>
        tpu.enqueue_indirect_dma source(%dma_start3A_57 : memref<5120x256xf32, #tpu.memory_space<hbm>>) target(%dma_start3A_51 : memref<64x256xf32, #tpu.memory_space<vmem>>) offsets(%dma_start3A_54 : memref<64xi32, #tpu.memory_space<vmem>>) semaphore(%arg12 : memref<!tpu.dma_semaphore, #tpu.memory_space<semaphore_mem>>)
        %scan3A_58 = arith.constant 0 : i32
        %scan3A_59 = arith.constant 16 : i32
        %scan3A_60 = arith.addi %scan3A_58, %scan3A_59 : i32
        %scan3A_61 = arith.constant 1 : i32
        scf.for %scan3A_63 = %scan3A_58 to %scan3A_60 step %scan3A_61  : i32 {
          %mul3A_64 = arith.constant 2 : i32
          %mul3A_65 = arith.muli %scan3A_63, %mul3A_64 : i32
          %add3A_66 = arith.constant 0 : i32
          %add3A_67 = arith.addi %add3A_66, %mul3A_65 : i32
          %add3A_68 = arith.constant 0 : i32
          %add3A_69 = arith.addi %add3A_67, %add3A_68 : i32
          %dma_wait3A = arith.constant 0 : i32
          %dma_wait3A_70 = arith.constant 0 : i32
          %dma_wait3A_71 = arith.constant 0 : i32
          %dma_wait3A_72 = tpu.memref_slice %arg9[%dma_wait3A, %dma_wait3A_70, %dma_wait3A_71] : memref<2x64x256xf32, #tpu.memory_space<vmem>> -> memref<1x64x256xf32, #tpu.memory_space<vmem>>
          %dma_wait3A_73 = tpu.memref_squeeze %dma_wait3A_72 : memref<1x64x256xf32, #tpu.memory_space<vmem>> -> memref<64x256xf32, #tpu.memory_space<vmem>>
          %dma_wait3A_74 = arith.constant 0 : i32
          %dma_wait3A_75 = tpu.memref_slice %arg7[%add3A_69, %dma_wait3A_74] : memref<32x64xi32, #tpu.memory_space<vmem>> -> memref<1x64xi32, #tpu.memory_space<vmem>>
          %dma_wait3A_76 = tpu.memref_squeeze %dma_wait3A_75 : memref<1x64xi32, #tpu.memory_space<vmem>> -> memref<64xi32, #tpu.memory_space<vmem>>
          %dma_wait3A_77 = arith.constant 0 : i32
          %dma_wait3A_78 = arith.constant 0 : i32
          %dma_wait3A_79 = tpu.memref_slice %arg3[%dma_wait3A_77, %dma_wait3A_78] : memref<5120x256xf32, #tpu.memory_space<hbm>> -> memref<5120x256xf32, #tpu.memory_space<hbm>>
          tpu.wait_indirect_dma semaphore(%arg11 : memref<!tpu.dma_semaphore, #tpu.memory_space<semaphore_mem>>) src(%dma_wait3A_79 : memref<5120x256xf32, #tpu.memory_space<hbm>>) dst(%dma_wait3A_73 : memref<64x256xf32, #tpu.memory_space<vmem>>)
          %add3A_80 = arith.constant 2 : i32
          %add3A_81 = arith.addi %add3A_69, %add3A_80 : i32
          %lt3A = arith.constant 32 : i32
          %lt3A_82 = arith.cmpi slt, %add3A_81, %lt3A : i32
          %convert_element_type3A_83 = arith.extui %lt3A_82 : i1 to i32
          %cond3A_84 = arith.constant 0 : i32
          %cond3A_85 = arith.cmpi ne, %convert_element_type3A_83, %cond3A_84 : i32
          scf.if %cond3A_85 {
            %add3A_106 = arith.constant 2 : i32
            %add3A_107 = arith.addi %add3A_69, %add3A_106 : i32
            %dma_start3A_108 = arith.constant 0 : i32
            %dma_start3A_109 = arith.constant 0 : i32
            %dma_start3A_110 = arith.constant 0 : i32
            %dma_start3A_111 = tpu.memref_slice %arg9[%dma_start3A_108, %dma_start3A_109, %dma_start3A_110] : memref<2x64x256xf32, #tpu.memory_space<vmem>> -> memref<1x64x256xf32, #tpu.memory_space<vmem>>
            %dma_start3A_112 = tpu.memref_squeeze %dma_start3A_111 : memref<1x64x256xf32, #tpu.memory_space<vmem>> -> memref<64x256xf32, #tpu.memory_space<vmem>>
            %dma_start3A_113 = arith.constant 0 : i32
            %dma_start3A_114 = tpu.memref_slice %arg7[%add3A_107, %dma_start3A_113] : memref<32x64xi32, #tpu.memory_space<vmem>> -> memref<1x64xi32, #tpu.memory_space<vmem>>
            %dma_start3A_115 = tpu.memref_squeeze %dma_start3A_114 : memref<1x64xi32, #tpu.memory_space<vmem>> -> memref<64xi32, #tpu.memory_space<vmem>>
            %dma_start3A_116 = arith.constant 0 : i32
            %dma_start3A_117 = arith.constant 0 : i32
            %dma_start3A_118 = tpu.memref_slice %arg3[%dma_start3A_116, %dma_start3A_117] : memref<5120x256xf32, #tpu.memory_space<hbm>> -> memref<5120x256xf32, #tpu.memory_space<hbm>>
            tpu.enqueue_indirect_dma source(%dma_start3A_118 : memref<5120x256xf32, #tpu.memory_space<hbm>>) target(%dma_start3A_112 : memref<64x256xf32, #tpu.memory_space<vmem>>) offsets(%dma_start3A_115 : memref<64xi32, #tpu.memory_space<vmem>>) semaphore(%arg11 : memref<!tpu.dma_semaphore, #tpu.memory_space<semaphore_mem>>)
          } else {
          }
          %add3A_86 = arith.constant 1 : i32
          %add3A_87 = arith.addi %add3A_67, %add3A_86 : i32
          %dma_wait3A_88 = arith.constant 1 : i32
          %dma_wait3A_89 = arith.constant 0 : i32
          %dma_wait3A_90 = arith.constant 0 : i32
          %dma_wait3A_91 = tpu.memref_slice %arg9[%dma_wait3A_88, %dma_wait3A_89, %dma_wait3A_90] : memref<2x64x256xf32, #tpu.memory_space<vmem>> -> memref<1x64x256xf32, #tpu.memory_space<vmem>>
          %dma_wait3A_92 = tpu.memref_squeeze %dma_wait3A_91 : memref<1x64x256xf32, #tpu.memory_space<vmem>> -> memref<64x256xf32, #tpu.memory_space<vmem>>
          %dma_wait3A_93 = arith.constant 0 : i32
          %dma_wait3A_94 = tpu.memref_slice %arg7[%add3A_87, %dma_wait3A_93] : memref<32x64xi32, #tpu.memory_space<vmem>> -> memref<1x64xi32, #tpu.memory_space<vmem>>
          %dma_wait3A_95 = tpu.memref_squeeze %dma_wait3A_94 : memref<1x64xi32, #tpu.memory_space<vmem>> -> memref<64xi32, #tpu.memory_space<vmem>>
          %dma_wait3A_96 = arith.constant 0 : i32
          %dma_wait3A_97 = arith.constant 0 : i32
          %dma_wait3A_98 = tpu.memref_slice %arg3[%dma_wait3A_96, %dma_wait3A_97] : memref<5120x256xf32, #tpu.memory_space<hbm>> -> memref<5120x256xf32, #tpu.memory_space<hbm>>
          tpu.wait_indirect_dma semaphore(%arg12 : memref<!tpu.dma_semaphore, #tpu.memory_space<semaphore_mem>>) src(%dma_wait3A_98 : memref<5120x256xf32, #tpu.memory_space<hbm>>) dst(%dma_wait3A_92 : memref<64x256xf32, #tpu.memory_space<vmem>>)
          %add3A_99 = arith.constant 2 : i32
          %add3A_100 = arith.addi %add3A_87, %add3A_99 : i32
          %lt3A_101 = arith.constant 32 : i32
          %lt3A_102 = arith.cmpi slt, %add3A_100, %lt3A_101 : i32
          %convert_element_type3A_103 = arith.extui %lt3A_102 : i1 to i32
          %cond3A_104 = arith.constant 0 : i32
          %cond3A_105 = arith.cmpi ne, %convert_element_type3A_103, %cond3A_104 : i32
          scf.if %cond3A_105 {
            %add3A_106 = arith.constant 2 : i32
            %add3A_107 = arith.addi %add3A_87, %add3A_106 : i32
            %dma_start3A_108 = arith.constant 1 : i32
            %dma_start3A_109 = arith.constant 0 : i32
            %dma_start3A_110 = arith.constant 0 : i32
            %dma_start3A_111 = tpu.memref_slice %arg9[%dma_start3A_108, %dma_start3A_109, %dma_start3A_110] : memref<2x64x256xf32, #tpu.memory_space<vmem>> -> memref<1x64x256xf32, #tpu.memory_space<vmem>>
            %dma_start3A_112 = tpu.memref_squeeze %dma_start3A_111 : memref<1x64x256xf32, #tpu.memory_space<vmem>> -> memref<64x256xf32, #tpu.memory_space<vmem>>
            %dma_start3A_113 = arith.constant 0 : i32
            %dma_start3A_114 = tpu.memref_slice %arg7[%add3A_107, %dma_start3A_113] : memref<32x64xi32, #tpu.memory_space<vmem>> -> memref<1x64xi32, #tpu.memory_space<vmem>>
            %dma_start3A_115 = tpu.memref_squeeze %dma_start3A_114 : memref<1x64xi32, #tpu.memory_space<vmem>> -> memref<64xi32, #tpu.memory_space<vmem>>
            %dma_start3A_116 = arith.constant 0 : i32
            %dma_start3A_117 = arith.constant 0 : i32
            %dma_start3A_118 = tpu.memref_slice %arg3[%dma_start3A_116, %dma_start3A_117] : memref<5120x256xf32, #tpu.memory_space<hbm>> -> memref<5120x256xf32, #tpu.memory_space<hbm>>
            tpu.enqueue_indirect_dma source(%dma_start3A_118 : memref<5120x256xf32, #tpu.memory_space<hbm>>) target(%dma_start3A_112 : memref<64x256xf32, #tpu.memory_space<vmem>>) offsets(%dma_start3A_115 : memref<64xi32, #tpu.memory_space<vmem>>) semaphore(%arg12 : memref<!tpu.dma_semaphore, #tpu.memory_space<semaphore_mem>>)
          } else {
          }
        }
        %scan3A_62 = arith.constant 16 : i32
      }
      %scan3A_25 = arith.constant 5 : i32
    } else {
    }
    %barrier3A_17 = arith.constant 0 : index
    tpu.barrier barrier_id(%barrier3A_17)
    %mul3A = arith.constant 640 : i32
    %mul3A_18 = arith.muli %arg1, %mul3A : i32
    %mul3A_19 = arith.constant 640 : i32
    %mul3A_20 = arith.muli %arg1, %mul3A_19 : i32
    "tpu.region"() ({
      %run_scoped3A = tpu.sem_alloc : memref<!tpu.dma_semaphore, #tpu.memory_space<semaphore_mem>>
      %dma_start3A = arith.constant 0 : i32
      %dma_start3A_21 = arith.constant 0 : i32
      %dma_start3A_22 = tpu.memref_slice %arg6[%arg0, %dma_start3A, %dma_start3A_21] : memref<2x10240x128xf32, #tpu.memory_space<hbm>> -> memref<1x10240x128xf32, #tpu.memory_space<hbm>>
      %dma_start3A_23 = tpu.memref_squeeze %dma_start3A_22 : memref<1x10240x128xf32, #tpu.memory_space<hbm>> -> memref<10240x128xf32, #tpu.memory_space<hbm>>
      %dma_start3A_24 = arith.constant 0 : i32
      %dma_start3A_25 = tpu.memref_slice %dma_start3A_23[%mul3A_20, %dma_start3A_24] : memref<10240x128xf32, #tpu.memory_space<hbm>> -> memref<640x128xf32, #tpu.memory_space<hbm>>
      %dma_start3A_26 = arith.constant 0 : i32
      %dma_start3A_27 = tpu.memref_slice %arg10[%mul3A_18, %dma_start3A_26] : memref<10240x128xf32, #tpu.memory_space<vmem_shared>> -> memref<640x128xf32, #tpu.memory_space<vmem_shared>>
      tpu.enqueue_dma source(%dma_start3A_27 : memref<640x128xf32, #tpu.memory_space<vmem_shared>>) target(%dma_start3A_25 : memref<640x128xf32, #tpu.memory_space<hbm>>) target_semaphore(%run_scoped3A : memref<!tpu.dma_semaphore, #tpu.memory_space<semaphore_mem>>)
      %dma_wait3A = arith.constant 0 : i32
      %dma_wait3A_28 = arith.constant 0 : i32
      %dma_wait3A_29 = tpu.memref_slice %arg6[%arg0, %dma_wait3A, %dma_wait3A_28] : memref<2x10240x128xf32, #tpu.memory_space<hbm>> -> memref<1x10240x128xf32, #tpu.memory_space<hbm>>
      %dma_wait3A_30 = tpu.memref_squeeze %dma_wait3A_29 : memref<1x10240x128xf32, #tpu.memory_space<hbm>> -> memref<10240x128xf32, #tpu.memory_space<hbm>>
      %dma_wait3A_31 = arith.constant 0 : i32
      %dma_wait3A_32 = tpu.memref_slice %dma_wait3A_30[%mul3A_20, %dma_wait3A_31] : memref<10240x128xf32, #tpu.memory_space<hbm>> -> memref<640x128xf32, #tpu.memory_space<hbm>>
      %dma_wait3A_33 = arith.constant 0 : i32
      %dma_wait3A_34 = tpu.memref_slice %arg10[%mul3A_18, %dma_wait3A_33] : memref<10240x128xf32, #tpu.memory_space<vmem_shared>> -> memref<640x128xf32, #tpu.memory_space<vmem_shared>>
      tpu.wait_dma2 semaphore(%run_scoped3A : memref<!tpu.dma_semaphore, #tpu.memory_space<semaphore_mem>>) src(%dma_wait3A_34 : memref<640x128xf32, #tpu.memory_space<vmem_shared>>) dst(%dma_wait3A_32 : memref<640x128xf32, #tpu.memory_space<hbm>>)
      tpu.yield
    }) : () -> ()
    return
  }
}

module attributes {stable_mosaic.version = 14 : i64} {
  func.func @_lin_relu_body(%arg0: i32, %arg1: memref<2x1024x128xf32, #tpu.memory_space<vmem>>, %arg2: memref<256x256xf32, #tpu.memory_space<vmem>>, %arg3: memref<1x256xf32, #tpu.memory_space<vmem>>, %arg4: memref<2x1024x128xf32, #tpu.memory_space<vmem>>) attributes {dimension_semantics = [#tpu.dimension_semantics<arbitrary>], iteration_bounds = array<i64: 10>, scalar_prefetch = 0 : i64, scratch_operands = 0 : i64, tpu.core_type = #tpu.core_type<tc>, window_params = [{transform_indices = @transform_0, window_bounds = array<i64: 2, 1024, 128>}, {pipeline_mode = #tpu.pipeline_mode<synchronous>, transform_indices = @transform_1, window_bounds = array<i64: 256, 256>}, {pipeline_mode = #tpu.pipeline_mode<synchronous>, transform_indices = @transform_2, window_bounds = array<i64: 1, 256>}, {transform_indices = @transform_3, window_bounds = array<i64: 2, 1024, 128>}]} {
    %get3A = arith.constant 0 : index
    %get3A_0 = arith.constant 0 : index
    %get3A_1 = arith.constant 0 : index
    %get3A_2 = vector.load %arg1[%get3A, %get3A_0, %get3A_1] : memref<2x1024x128xf32, #tpu.memory_space<vmem>>, vector<1x1024x128xf32>
    %get3A_3 = vector.shape_cast %get3A_2 : vector<1x1024x128xf32> to vector<1024x128xf32>
    %get3A_4 = arith.constant 1 : index
    %get3A_5 = arith.constant 0 : index
    %get3A_6 = arith.constant 0 : index
    %get3A_7 = vector.load %arg1[%get3A_4, %get3A_5, %get3A_6] : memref<2x1024x128xf32, #tpu.memory_space<vmem>>, vector<1x1024x128xf32>
    %get3A_8 = vector.shape_cast %get3A_7 : vector<1x1024x128xf32> to vector<1024x128xf32>
    %concatenate3A = tpu.concatenate %get3A_3, %get3A_8 in 1 : vector<1024x128xf32>, vector<1024x128xf32> -> vector<1024x256xf32>
    %get3A_9 = arith.constant 0 : index
    %get3A_10 = arith.constant 0 : index
    %get3A_11 = vector.load %arg2[%get3A_9, %get3A_10] : memref<256x256xf32, #tpu.memory_space<vmem>>, vector<256x256xf32>
    %dot_general3A = arith.constant dense<0.000000e+00> : vector<1024x256xf32>
    %dot_general3A_12 = tpu.matmul %concatenate3A, %get3A_11, %dot_general3A {dimension_numbers = #tpu.dot_dimension_numbers<[1], [0], [0], [1], [0, 0, 1, 1], [], []>, transpose_lhs_hint = false} : vector<1024x256xf32>, vector<256x256xf32>, vector<1024x256xf32> -> vector<1024x256xf32>
    %get3A_13 = arith.constant 0 : index
    %get3A_14 = arith.constant 0 : index
    %get3A_15 = vector.load %arg3[%get3A_13, %get3A_14] : memref<1x256xf32, #tpu.memory_space<vmem>>, vector<1x256xf32>
    %add3A = vector.broadcast %get3A_15 : vector<1x256xf32> to vector<1024x256xf32>
    %add3A_16 = arith.addf %dot_general3A_12, %add3A : vector<1024x256xf32>
    %max3A = arith.constant 0.000000e+00 : f32
    %max3A_17 = vector.broadcast %max3A : f32 to vector<1024x256xf32>
    %max3A_18 = arith.maximumf %add3A_16, %max3A_17 : vector<1024x256xf32>
    %slice3A = vector.extract_strided_slice %max3A_18 {offsets = [0, 0], sizes = [1024, 128], strides = [1, 1]} : vector<1024x256xf32> to vector<1024x128xf32>
    %swap3A = arith.constant 0 : index
    %swap3A_19 = arith.constant 0 : index
    %swap3A_20 = arith.constant 0 : index
    %swap3A_21 = vector.load %arg4[%swap3A, %swap3A_19, %swap3A_20] : memref<2x1024x128xf32, #tpu.memory_space<vmem>>, vector<1x1024x128xf32>
    %swap3A_22 = vector.shape_cast %swap3A_21 : vector<1x1024x128xf32> to vector<1024x128xf32>
    %swap3A_23 = vector.shape_cast %slice3A : vector<1024x128xf32> to vector<1x1024x128xf32>
    tpu.vector_store %arg4[%swap3A, %swap3A_19, %swap3A_20], %swap3A_23 {strides = array<i32>} : memref<2x1024x128xf32, #tpu.memory_space<vmem>>, vector<1x1024x128xf32>,
    %slice3A_24 = vector.extract_strided_slice %max3A_18 {offsets = [0, 128], sizes = [1024, 128], strides = [1, 1]} : vector<1024x256xf32> to vector<1024x128xf32>
    %swap3A_25 = arith.constant 1 : index
    %swap3A_26 = arith.constant 0 : index
    %swap3A_27 = arith.constant 0 : index
    %swap3A_28 = vector.load %arg4[%swap3A_25, %swap3A_26, %swap3A_27] : memref<2x1024x128xf32, #tpu.memory_space<vmem>>, vector<1x1024x128xf32>
    %swap3A_29 = vector.shape_cast %swap3A_28 : vector<1x1024x128xf32> to vector<1024x128xf32>
    %swap3A_30 = vector.shape_cast %slice3A_24 : vector<1024x128xf32> to vector<1x1024x128xf32>
    tpu.vector_store %arg4[%swap3A_25, %swap3A_26, %swap3A_27], %swap3A_30 {strides = array<i32>} : memref<2x1024x128xf32, #tpu.memory_space<vmem>>, vector<1x1024x128xf32>,
    return
  }
  func.func @transform_0(%arg0: i32) -> (i32, i32, i32) {
    %c0_i32 = arith.constant 0 : i32
    %c0_i32_0 = arith.constant 0 : i32
    %c0_i32_1 = arith.constant 0 : i32
    return %c0_i32, %arg0, %c0_i32_0 : i32, i32, i32
  }
  func.func @transform_1(%arg0: i32) -> (i32, i32) {
    %c0_i32 = arith.constant 0 : i32
    %c0_i32_0 = arith.constant 0 : i32
    %c0_i32_1 = arith.constant 0 : i32
    return %c0_i32, %c0_i32_0 : i32, i32
  }
  func.func @transform_2(%arg0: i32) -> (i32, i32) {
    %c0_i32 = arith.constant 0 : i32
    %c0_i32_0 = arith.constant 0 : i32
    %c0_i32_1 = arith.constant 0 : i32
    return %c0_i32, %c0_i32_0 : i32, i32
  }
  func.func @transform_3(%arg0: i32) -> (i32, i32, i32) {
    %c0_i32 = arith.constant 0 : i32
    %c0_i32_0 = arith.constant 0 : i32
    %c0_i32_1 = arith.constant 0 : i32
    return %c0_i32, %arg0, %c0_i32_0 : i32, i32, i32
  }
}

module attributes {stable_mosaic.version = 14 : i64} {
  func.func @_lin_lsm_body(%arg0: i32, %arg1: memref<2x1000x128xf32, #tpu.memory_space<vmem>>, %arg2: memref<256x256xf32, #tpu.memory_space<vmem>>, %arg3: memref<1x256xf32, #tpu.memory_space<vmem>>, %arg4: memref<1000x256xf32, #tpu.memory_space<vmem>>) attributes {dimension_semantics = [#tpu.dimension_semantics<arbitrary>], iteration_bounds = array<i64: 10>, scalar_prefetch = 0 : i64, scratch_operands = 0 : i64, tpu.core_type = #tpu.core_type<tc>, window_params = [{transform_indices = @transform_0, window_bounds = array<i64: 2, 1000, 128>}, {pipeline_mode = #tpu.pipeline_mode<synchronous>, transform_indices = @transform_1, window_bounds = array<i64: 256, 256>}, {pipeline_mode = #tpu.pipeline_mode<synchronous>, transform_indices = @transform_2, window_bounds = array<i64: 1, 256>}, {transform_indices = @transform_3, window_bounds = array<i64: 1000, 256>}]} {
    %get3A = arith.constant 0 : index
    %get3A_0 = arith.constant 0 : index
    %get3A_1 = arith.constant 0 : index
    %get3A_2 = vector.load %arg1[%get3A, %get3A_0, %get3A_1] : memref<2x1000x128xf32, #tpu.memory_space<vmem>>, vector<1x1000x128xf32>
    %get3A_3 = vector.shape_cast %get3A_2 : vector<1x1000x128xf32> to vector<1000x128xf32>
    %get3A_4 = arith.constant 1 : index
    %get3A_5 = arith.constant 0 : index
    %get3A_6 = arith.constant 0 : index
    %get3A_7 = vector.load %arg1[%get3A_4, %get3A_5, %get3A_6] : memref<2x1000x128xf32, #tpu.memory_space<vmem>>, vector<1x1000x128xf32>
    %get3A_8 = vector.shape_cast %get3A_7 : vector<1x1000x128xf32> to vector<1000x128xf32>
    %concatenate3A = tpu.concatenate %get3A_3, %get3A_8 in 1 : vector<1000x128xf32>, vector<1000x128xf32> -> vector<1000x256xf32>
    %get3A_9 = arith.constant 0 : index
    %get3A_10 = arith.constant 0 : index
    %get3A_11 = vector.load %arg2[%get3A_9, %get3A_10] : memref<256x256xf32, #tpu.memory_space<vmem>>, vector<256x256xf32>
    %dot_general3A = arith.constant dense<0.000000e+00> : vector<1000x256xf32>
    %dot_general3A_12 = tpu.matmul %concatenate3A, %get3A_11, %dot_general3A {dimension_numbers = #tpu.dot_dimension_numbers<[1], [0], [0], [1], [0, 0, 1, 1], [], []>, transpose_lhs_hint = false} : vector<1000x256xf32>, vector<256x256xf32>, vector<1000x256xf32> -> vector<1000x256xf32>
    %get3A_13 = arith.constant 0 : index
    %get3A_14 = arith.constant 0 : index
    %get3A_15 = vector.load %arg3[%get3A_13, %get3A_14] : memref<1x256xf32, #tpu.memory_space<vmem>>, vector<1x256xf32>
    %add3A = vector.broadcast %get3A_15 : vector<1x256xf32> to vector<1000x256xf32>
    %add3A_16 = arith.addf %dot_general3A_12, %add3A : vector<1000x256xf32>
    %reduce_max3A = arith.constant dense<0xFF800000> : vector<1000xf32>
    %reduce_max3A_17 = vector.multi_reduction <maximumf>, %add3A_16, %reduce_max3A [1] : vector<1000x256xf32> to vector<1000xf32>
    %broadcast_in_dim3A = vector.shape_cast %reduce_max3A_17 : vector<1000xf32> to vector<1000x1xf32>
    %sub3A = vector.broadcast %broadcast_in_dim3A : vector<1000x1xf32> to vector<1000x256xf32>
    %sub3A_18 = arith.subf %add3A_16, %sub3A : vector<1000x256xf32>
    %exp3A = math.exp %sub3A_18 : vector<1000x256xf32>
    %reduce_sum3A = arith.constant dense<0.000000e+00> : vector<1000xf32>
    %reduce_sum3A_19 = vector.multi_reduction <add>, %exp3A, %reduce_sum3A [1] : vector<1000x256xf32> to vector<1000xf32>
    %broadcast_in_dim3A_20 = vector.shape_cast %reduce_sum3A_19 : vector<1000xf32> to vector<1000x1xf32>
    %log3A = math.log %broadcast_in_dim3A_20 : vector<1000x1xf32>
    %sub3A_21 = vector.broadcast %log3A : vector<1000x1xf32> to vector<1000x256xf32>
    %sub3A_22 = arith.subf %sub3A_18, %sub3A_21 : vector<1000x256xf32>
    %swap3A = arith.constant 0 : index
    %swap3A_23 = arith.constant 0 : index
    %swap3A_24 = vector.load %arg4[%swap3A, %swap3A_23] : memref<1000x256xf32, #tpu.memory_space<vmem>>, vector<1000x256xf32>
    tpu.vector_store %arg4[%swap3A, %swap3A_23], %sub3A_22 {strides = array<i32>} : memref<1000x256xf32, #tpu.memory_space<vmem>>, vector<1000x256xf32>,
    return
  }
  func.func @transform_0(%arg0: i32) -> (i32, i32, i32) {
    %c0_i32 = arith.constant 0 : i32
    %c0_i32_0 = arith.constant 0 : i32
    %c0_i32_1 = arith.constant 0 : i32
    return %c0_i32, %arg0, %c0_i32_0 : i32, i32, i32
  }
  func.func @transform_1(%arg0: i32) -> (i32, i32) {
    %c0_i32 = arith.constant 0 : i32
    %c0_i32_0 = arith.constant 0 : i32
    %c0_i32_1 = arith.constant 0 : i32
    return %c0_i32, %c0_i32_0 : i32, i32
  }
  func.func @transform_2(%arg0: i32) -> (i32, i32) {
    %c0_i32 = arith.constant 0 : i32
    %c0_i32_0 = arith.constant 0 : i32
    %c0_i32_1 = arith.constant 0 : i32
    return %c0_i32, %c0_i32_0 : i32, i32
  }
  func.func @transform_3(%arg0: i32) -> (i32, i32) {
    %c0_i32 = arith.constant 0 : i32
    %c0_i32_0 = arith.constant 0 : i32
    return %arg0, %c0_i32 : i32, i32
  }
}

</mosaic_0001>

<sc_bundles>
// kernel: kernel.6.cloned.1.call-start
scs
__scs_entry_jumppad:
0x0: {  	(pc) =	sbr.rel $0x88, $3  }
0x1: {  	(tag) =	ssettag $0x0;
	lr =	simm.s32 $0x1  }
0x2: {  	[smem:$0x3F9B] =	sst lr;
	_ =	strace $0xD0000000  }
0x3: {  	_ = 	snop  }
0x4: {  	_ = 	snop  }
0x5: {  	_ = 	snop  }
0x6: {  	_ = 	snop  }
0x7: {  	_ = 	snop  }
__scs_overlays_trampoline_lowered:
0x8: {  	[smem:$0x3FAA] =	sst s0  }
0x9: {  	[smem:$0x3FAB] =	sst s1  }
0xa: {  	[smem:$0x3FAC] =	sst s2  }
0xb: {  	[smem:$0x3FAD] =	sst s3  }
0xc: {  	[smem:$0x3FAE] =	sst s4  }
0xd: {  	[smem:$0x3FAF] =	sst s5  }
0xe: {  	[smem:$0x3FB0] =	sst s6  }
0xf: {  	[smem:$0x3FB1] =	sst s7  }
0x10: {  	[smem:$0x3FB2] =	sst s8  }
0x11: {  	[smem:$0x3FB3] =	sst s9;
	s0 =	simm.s32 @!p0 $0x0  }
0x12: {  	s1 =	sld [smem:$0x3F99];
	s0 =	simm.s32 @p0 $0x1  }
0x13: {  	[smem:$0x3FB4] =	sst s0;
	s0 =	simm.s32 @!p1 $0x0  }
0x14: {  	s2 =	sld [smem:$0x3F98];
	s0 =	simm.s32 @p1 $0x1  }
0x15: {  	[smem:$0x3FB5] =	sst s0;
	s0 =	simm.s32 @!p2 $0x0  }
0x16: {  	s3 =	sld [smem:$0x3FDB];
	s0 =	simm.s32 @p2 $0x1  }
0x17: {  	s4 =	simm.s32 $0x1BF5;
	[smem:$0x3FB7] =	sst s0  }
0x18: {  	s0 =	sld [smem:$0x3F9A];
	_ =	swait.ge [sflag:s4], $0x0  }
0x19: {  	s7 =	sld [smem:$0x3F9B]  }
0x1a: {  	s8 =	sadd.s32 $0xFFFFE003, lr  }
0x1b: {  	s9 =	sadd.s32 $0xFFFFFEF7, lr;
	s5 =	simm.s32 $0xFFFFFFFF;
	p2 =	slt.u32 s8, $0xFFFFF086  }
0x1c: {  	p1 =	slt.u32 s9, $0xF7A;
	s5 =	simm.s32 @!p2 $0x0  }
0x1d: {  	s5 =	simm.s32 @p1 $0x1;
	p0 =	seq.s32 s7, s2  }
0x1e: {  	s7 =	smul.u32 @!p0 $0xF7A, s2;
	p2 =	seq.s32 @!p0 s5, $0x0  }
0x1f: {  	s9 =	smul.u32 $0xF7A, s1;
	s8 =	simm.s32 @!p0 $0x1BF5;
	p2 =	por !p2, p0  }
0x20: {  	[sflag:s8] =	ssyncset.s32 @!p0 $0xFFFFF086;
	s6 =	sadd.s32 @!p0 s3, s7;
	s7 =	simm.s32 @!p0 $0x108  }
0x21: {  	s3 =	sadd.s32 s3, s9;
	s6 =	sadd.s32 @!p0 $0x88, s6;
	s7 =	simm.s32 @p2 $0x1082  }
0x22: {  	[simem:s7], [sflag:s8] =	dma.local @!p0 [hbm:s6], $0xF7A  }
0x23: {  	s9 =	sor.u32 $0xD0000000, s2;
	s6 =	simm.s32 $0x108;
	_ =	swait.ge @!p0 [sflag:s8], $0x0  }
0x24: {  	s3 =	sadd.s32 $0x88, s3;
	s6 =	simm.s32 @!p1 $0x1082;
	[sflag:s4] =	ssyncset.s32 $0xFFFFF086  }
0x25: {  	[simem:s6], [sflag:s4] =	dma.local [hbm:s3], $0xF7A  }
0x26: {  	[smem:$0x3F9B] =	sst s1;
	(tag) =	ssettag s2;
	_ =	strace s9  }
0x27: {  	s1 =	sld [smem:$0x3FAB]  }
0x28: {  	s2 =	sld [smem:$0x3FAC]  }
0x29: {  	s4 =	sld [smem:$0x3FAE]  }
0x2a: {  	p0 =	seq.s32 s5, $0x0;
	s5 =	sld [smem:$0x3FAF]  }
0x2b: {  	s6 =	sld [smem:$0x3FB0]  }
0x2c: {  	s7 =	sld [smem:$0x3FB1]  }
0x2d: {  	s3 =	simm.s32 $0x108;
	s8 =	sld [smem:$0x3FB2]  }
0x2e: {  	s3 =	simm.s32 @!p0 $0x1082;
	s9 =	sld [smem:$0x3FB3]  }
0x2f: {  	lr =	sadd.s32 s0, s3;
	s0 =	sld [smem:$0x3FAA]  }
0x30: {  	s3 =	sld [smem:$0x3FAD]  }
0x31: {  	[smem:$0x3FB6] =	sst s10  }
0x32: {  	s10 =	sld [smem:$0x3FB4];
	_ =	sdelay $0x3  }
0x33: {  	p0 =	seq.s32 s10, $0x1;
	s10 =	sld [smem:$0x3FB6];
	_ =	sdelay $0x3  }
0x34: {  	[smem:$0x3FB6] =	sst s10  }
0x35: {  	s10 =	sld [smem:$0x3FB5];
	_ =	sdelay $0x3  }
0x36: {  	p1 =	seq.s32 s10, $0x1;
	s10 =	sld [smem:$0x3FB6];
	_ =	sdelay $0x3  }
0x37: {  	[smem:$0x3FB6] =	sst s10  }
0x38: {  	s10 =	sld [smem:$0x3FB7]  }
0x39: {  	_ = 	snop;
	(pc) =	sbr.ind lr, $3  }
0x3a: {  	_ = 	snop  }
0x3b: {  	_ = 	snop  }
0x3c: {  	p2 =	seq.s32 s10, $0x1;
	s10 =	sld [smem:$0x3FB6]  }
0x3d: {  	_ =	shalt  }
0x3e: {  	_ =	shalt  }
0x3f: {  	_ =	shalt  }
0x40: {  	_ =	shalt  }
0x41: {  	_ =	shalt  }
0x42: {  	_ =	shalt  }
0x43: {  	_ =	shalt  }
0x44: {  	_ =	shalt  }
0x45: {  	_ =	shalt  }
0x46: {  	_ =	shalt  }
0x47: {  	_ =	shalt  }
0x48: {  	_ =	shalt  }
0x49: {  	_ =	shalt  }
0x4a: {  	_ =	shalt  }
0x4b: {  	_ =	shalt  }
0x4c: {  	_ =	shalt  }
0x4d: {  	_ =	shalt  }
0x4e: {  	_ =	shalt  }
0x4f: {  	_ =	shalt  }
0x50: {  	_ =	shalt  }
0x51: {  	_ =	shalt  }
0x52: {  	_ =	shalt  }
0x53: {  	_ =	shalt  }
0x54: {  	_ =	shalt  }
0x55: {  	_ =	shalt  }
0x56: {  	_ =	shalt  }
0x57: {  	_ =	shalt  }
0x58: {  	_ =	shalt  }
0x59: {  	_ =	shalt  }
0x5a: {  	_ =	shalt  }
0x5b: {  	_ =	shalt  }
0x5c: {  	_ =	shalt  }
0x5d: {  	_ =	shalt  }
0x5e: {  	_ =	shalt  }
0x5f: {  	_ =	shalt  }
0x60: {  	_ =	shalt  }
0x61: {  	_ =	shalt  }
0x62: {  	_ =	shalt  }
0x63: {  	_ =	shalt  }
0x64: {  	_ =	shalt  }
0x65: {  	_ =	shalt  }
0x66: {  	_ =	shalt  }
0x67: {  	_ =	shalt  }
0x68: {  	_ =	shalt  }
0x69: {  	_ =	shalt  }
0x6a: {  	_ =	shalt  }
0x6b: {  	_ =	shalt  }
0x6c: {  	_ =	shalt  }
0x6d: {  	_ =	shalt  }
0x6e: {  	_ =	shalt  }
0x6f: {  	_ =	shalt  }
0x70: {  	_ =	shalt  }
0x71: {  	_ =	shalt  }
0x72: {  	_ =	shalt  }
0x73: {  	_ =	shalt  }
0x74: {  	_ =	shalt  }
0x75: {  	_ =	shalt  }
0x76: {  	_ =	shalt  }
0x77: {  	_ =	shalt  }
0x78: {  	_ =	shalt  }
0x79: {  	_ =	shalt  }
0x7a: {  	_ =	shalt  }
0x7b: {  	_ =	shalt  }
0x7c: {  	_ =	shalt  }
0x7d: {  	_ =	shalt  }
0x7e: {  	_ =	shalt  }
0x7f: {  	_ =	shalt  }
0x80: {  	_ =	shalt  }
0x81: {  	_ =	shalt  }
0x82: {  	_ =	shalt  }
0x83: {  	_ =	shalt  }
0x84: {  	_ =	shalt  }
0x85: {  	_ =	shalt  }
0x86: {  	_ =	shalt  }
0x87: {  	_ =	shalt  }
.Lfunc_end0:
.L_simem_size_0:
called_computation_lowered:
.L_overlay_start_0:
0x88: {  	s2 =	sld [smem:$0x3FD9]  }
0x89: {  	s3 =	sld [smem:$0x3FFE];
	_ =	sdelay $0x1  }
0x8a: {  	s1 =	srdreg.scid  }
0x8b: {  	s0 =	sand.u32 $0x1, s1  }
0x8c: {  	s17 =	sshll.u32 s0, $0xA;
	s2 =	sadd.s32 s3, s2  }
0x8d: {  	s2 =	sadd.s32 s2, s17  }
0x8e: {  	[smem:$0x3FC2] =	sst s2  }
0x8f: {  	_ = 	snop  }
0x90: {  	s2 =	sld [smem:$0x3FD0];
	(tm) =	ssettm $0x1  }
0x91: {  	s18 =	sld [smem:$0x3FFB];
	_ =	sdelay $0x3  }
0x92: {  	_ =	strace s18  }
0x93: {  	s3 =	sld [smem:$0x3FFC];
	_ =	sdelay $0x3  }
0x94: {  	_ =	strace s3  }
0x95: {  	s3 =	sld [smem:$0x3FFD];
	_ =	sdelay $0x3  }
0x96: {  	_ =	strace s3  }
0x97: {  	_ =	strace $0x8FFFFFFF  }
0x98: {  	s19 =	sld [smem:$0x3FDB];
	_ =	sdelay $0x1  }
0x99: {  	s4 =	simm.s32 $_scs_section_size  }
0x9a: {  	s5 =	simm.s32 $_size__tile_overlayer_lowered;
	s6 =	simm.s32 $_tile_overlayer_lowered  }
0x9b: {  	s22 =	simm.s32 $0x1BFF;
	s21 =	sshll.u32 s6, $0x1;
	s3 =	sadd.s32 s4, s19  }
0x9c: {  	s7 =	simm.s32 $0x0;
	s20 =	sshll.u32 s5, $0x1;
	s5 =	sadd.s32 s21, s3  }
0x9d: {  	[timem:s7], [sflag:s22] =	dma.local [hbm:s5], s20  }
0x9e: {  	_ =	swait.ge [sflag:s22], s20  }
0x9f: {  	s4 =	ssub.s32 $0x0, s20;
	[sflag:s22] =	ssyncset.done $0x0  }
0xa0: {  	[sflag:s22] =	ssyncadd.s32 s4;
	_ =	sdelay $0x1  }
0xa1: {  	s23 =	simm.s32 $0x1B8B  }
0xa2: {  	_ =	swait.ge [sflag:s23], $0x1  }
0xa3: {  	[sflag:s23] =	ssyncset.done $0x0  }
0xa4: {  	s25 =	simm.s32 $0x1B8E;
	s24 =	sld [smem:$0x3FFE];
	[sflag:s23] =	ssyncadd.s32 $0xFFFFFFFF  }
0xa5: {  	s26 =	simm.s32 $execute0_lowered;
	[smem:$0x3FD2] =	sst s25  }
0xa6: {  	s5 =	sshll.u32 s26, $0x1;
	_ =	strace $0x80000046;
	[dreg:$0x1] =	wrdreg $0xFFFFFFFF  }
0xa7: {  	s28 =	simm.s32 $_size_execute0_lowered;
	s3 =	sadd.s32 s3, s5;
	[dreg:$0x0] =	wrdreg $0x0  }
0xa8: {  	s5 =	sshll.u32 s28, $0x1;
	[dreg:$0x2] =	wrdreg s3  }
0xa9: {  	[dreg:$0x3] =	wrdreg s5  }
0xaa: {  	[dreg:$0x4] =	wrdreg $0xC0  }
0xab: {  	_ =	task [dreg:s7], $0x5FFFF  }
0xac: {  	[dreg:$0x1] =	wrdreg $0xFFFFFFFF  }
0xad: {  	[dreg:$0x0] =	wrdreg $0x60  }
0xae: {  	[dreg:$0x2] =	wrdreg s2  }
0xaf: {  	[dreg:$0x3] =	wrdreg s24  }
0xb0: {  	[dreg:$0x4] =	wrdreg $0xA0000  }
0xb1: {  	[dreg:$0x5] =	wrdreg $0x9  }
0xb2: {  	_ =	task.clear_ibuf [dreg:s7], $0x6FFFF;
	_ =	strace $0x90000046  }
0xb3: {  	s29 =	simm.s32 $0x9;
	_ =	strace $0x80000048  }
0xb4: {  	_ =	swait.ge [sflag:s29], $0x1  }
0xb5: {  	[sflag:s29] =	ssyncadd.s32 $0xFFFFFFFF  }
0xb6: {  	_ =	strace $0x90000048  }
0xb7: {  	_ =	sfence  }
0xb8: {  	s30 =	sld [smem:$0x0];
	_ =	sdelay $0x2  }
0xb9: {  	s31 =	sshll.u32 s1, $0xD;
	s1 =	sshrl.u32 s1, $0x2  }
0xba: {  	s3 =	sand.u32 $0x4000, s31;
	s1 =	sadd.s32 s1, s30  }
0xbb: {  	s0 =	sor.u32 s3, s0;
	s1 =	sshll.u32 s1, $0x11  }
0xbc: {  	s0 =	sor.u32 s1, s0  }
0xbd: {  	s0 =	sadd.s32 $0x8F2B, s0  }
0xbe: {  	[sflag:s0] =	ssyncadd.remote.s32 $0x1  }
0xbf: {  	_ =	sfence.sel $0xFFFF  }
0xc0: {  	[dreg:$0x0] =	wrdreg $0xFFFFFFFF;
	(pc) =	sbr.abs _section_cstart, $3  }
0xc1: {  	[dreg:$0x1] =	wrdreg $0xFFFFFFFF  }
0xc2: {  	_ =	task.clear_ibuf [dreg:s7], $0x2FFFF;
	_ =	strace $0x9FFFFFFF  }
0xc3: {  	(tm) =	ssettm $0x7FFFFFFF  }
tec
execute0_lowered:
.L_overlay_start_1:
0x0: {  	(tag) =	ssettag $0x1  }
0x1: {  	s1 =	rddreg [dreg:$0x0]  }
0x2: {  	s4 =	srdreg.scid;
	s11 =	stileid.u32  }
0x3: {  	s0 =	rddreg [dreg:$0x1];
	s7 =	sand.u32 $0x1, s4;
	s9 =	smul.u32 $0x50000, s11  }
0x4: {  	s3 =	rddreg [dreg:$0x2];
	s10 =	ssub.s32 $0x2, s7  }
0x5: {  	s2 =	simm.s32 $0x0;
	s19 =	sshrl.u32 s10, $0x1;
	s9 =	sshrl.u32 s9, $0x2  }
0x6: {  	[smem:$0x7FF] =	sst s2;
	s10 =	ssub.s32 s10, s19;
	s9 =	sadd.s32 s9, s3  }
0x7: {  	_ =	strace $0x80000047;
	s21 =	smax.u32 s10, $0x1;
	[dreg:$0x4] =	wrdreg s9  }
0x8: {  	s4 =	sadd.s32 $0x15400, s0;
	s22 =	sadd.s32 $0x400, s9;
	[dreg:$0x5] =	wrdreg s21  }
0x9: {  	s5 =	sadd.s32 $0x1400, s0;
	s23 =	sadd.s32 $0x800, s9;
	[dreg:$0x6] =	wrdreg s22  }
0xa: {  	s6 =	sadd.s32 $0xB400, s0;
	s24 =	sadd.s32 $0xC00, s9;
	[dreg:$0x7] =	wrdreg s23  }
0xb: {  	s8 =	smul.u32 $0x28000, s7;
	s25 =	sadd.s32 $0x1000, s9;
	[dreg:$0x8] =	wrdreg s24  }
0xc: {  	s20 =	smul.u32 $0x2800, s11;
	s26 =	sadd.s32 $0x1400, s9;
	[dreg:$0x9] =	wrdreg s25  }
0xd: {  	s0 =	sadd.s32 s8, s0;
	s10 =	sadd.s32 $0x1800, s9;
	[dreg:$0xa] =	wrdreg s26  }
0xe: {  	s8 =	smul.u32 $0x5000, s11;
	s11 =	sadd.s32 $0x1C00, s9;
	[dreg:$0xb] =	wrdreg s10  }
0xf: {  	s12 =	sadd.s32 $0x2000, s9;
	[dreg:$0xc] =	wrdreg s11  }
0x10: {  	s13 =	sadd.s32 $0x2400, s9;
	[dreg:$0xd] =	wrdreg s12  }
0x11: {  	s14 =	sadd.s32 $0x2800, s9;
	[dreg:$0xe] =	wrdreg s13  }
0x12: {  	s15 =	sadd.s32 $0x2C00, s9;
	[dreg:$0xf] =	wrdreg s14  }
0x13: {  	s16 =	sadd.s32 $0x3000, s9;
	[dreg:$0x10] =	wrdreg s15  }
0x14: {  	s17 =	sadd.s32 $0x3400, s9;
	[dreg:$0x11] =	wrdreg s16  }
0x15: {  	s18 =	sadd.s32 $0x3800, s9;
	[dreg:$0x12] =	wrdreg s17  }
0x16: {  	s19 =	sadd.s32 $0x3C00, s9;
	[dreg:$0x13] =	wrdreg s18  }
0x17: {  	p0 =	seq.s32 s7, $0x1;
	s3 =	sadd.s32 $0x5C00, s9;
	[dreg:$0x15] =	wrdreg s19  }
0x18: {  	s0 =	sadd.s32 $0x3D400, s0;
	s7 =	sadd.s32 $0x6000, s9;
	[dreg:$0x1d] =	wrdreg s3  }
0x19: {  	s0 =	sadd.s32 s20, s0;
	[dreg:$0x1e] =	wrdreg s7  }
0x1a: {  	s20 =	sadd.s32 $0x4000, s9;
	[dreg:$0x14] =	wrdreg s0  }
0x1b: {  	s21 =	sadd.s32 $0x4400, s9;
	[dreg:$0x16] =	wrdreg s20  }
0x1c: {  	s22 =	sadd.s32 $0x4800, s9;
	[dreg:$0x17] =	wrdreg s21  }
0x1d: {  	s23 =	sadd.s32 $0x4C00, s9;
	[dreg:$0x18] =	wrdreg s22  }
0x1e: {  	s24 =	sadd.s32 $0x5000, s9;
	[dreg:$0x19] =	wrdreg s23  }
0x1f: {  	s25 =	sadd.s32 $0x5400, s9;
	[dreg:$0x1a] =	wrdreg s24  }
0x20: {  	s26 =	sadd.s32 $0x5800, s9;
	[dreg:$0x1b] =	wrdreg s25  }
0x21: {  	s10 =	sadd.s32 $0x6400, s9;
	[dreg:$0x1c] =	wrdreg s26  }
0x22: {  	s11 =	sadd.s32 $0x6800, s9;
	[dreg:$0x1f] =	wrdreg s10  }
0x23: {  	s12 =	sadd.s32 $0x6C00, s9;
	[smem:$0x7C8] =	sst s11  }
0x24: {  	s13 =	sadd.s32 $0x7000, s9;
	[smem:$0x7C9] =	sst s12  }
0x25: {  	s14 =	sadd.s32 $0x7400, s9;
	[smem:$0x7CA] =	sst s13  }
0x26: {  	s15 =	sadd.s32 $0x7800, s9;
	[smem:$0x7CB] =	sst s14  }
0x27: {  	s16 =	sadd.s32 $0x7C00, s9;
	[smem:$0x7CC] =	sst s15  }
0x28: {  	s17 =	sadd.s32 $0x8000, s9;
	[smem:$0x7CD] =	sst s16  }
0x29: {  	s18 =	sadd.s32 $0x8400, s9;
	[smem:$0x7CE] =	sst s17  }
0x2a: {  	s19 =	sadd.s32 $0x8800, s9;
	[smem:$0x7CF] =	sst s18  }
0x2b: {  	s3 =	sadd.s32 $0xA800, s9;
	[smem:$0x7D0] =	sst s19  }
0x2c: {  	s7 =	sadd.s32 $0xAC00, s9;
	[smem:$0x7D8] =	sst s3  }
0x2d: {  	s20 =	sadd.s32 $0x8C00, s9;
	[smem:$0x7D9] =	sst s7  }
0x2e: {  	s21 =	sadd.s32 $0x9000, s9;
	[smem:$0x7D1] =	sst s20  }
0x2f: {  	s22 =	sadd.s32 $0x9400, s9;
	[smem:$0x7D2] =	sst s21  }
0x30: {  	s23 =	sadd.s32 $0x9800, s9;
	[smem:$0x7D3] =	sst s22  }
0x31: {  	s24 =	sadd.s32 $0x9C00, s9;
	[smem:$0x7D4] =	sst s23  }
0x32: {  	s25 =	sadd.s32 $0xA000, s9;
	[smem:$0x7D5] =	sst s24  }
0x33: {  	s26 =	sadd.s32 $0xA400, s9;
	[smem:$0x7D6] =	sst s25  }
0x34: {  	s10 =	sadd.s32 $0xB000, s9;
	[smem:$0x7D7] =	sst s26  }
0x35: {  	s11 =	sadd.s32 $0xB400, s9;
	[smem:$0x7DA] =	sst s10  }
0x36: {  	s12 =	sadd.s32 $0xB800, s9;
	[smem:$0x7DB] =	sst s11  }
0x37: {  	s13 =	sadd.s32 $0xBC00, s9;
	[smem:$0x7DC] =	sst s12  }
0x38: {  	s14 =	sadd.s32 $0xC000, s9;
	[smem:$0x7DD] =	sst s13  }
0x39: {  	s15 =	sadd.s32 $0xC400, s9;
	[smem:$0x7DE] =	sst s14  }
0x3a: {  	s16 =	sadd.s32 $0xC800, s9;
	[smem:$0x7DF] =	sst s15  }
0x3b: {  	s17 =	sadd.s32 $0xCC00, s9;
	[smem:$0x7E0] =	sst s16  }
0x3c: {  	s18 =	sadd.s32 $0xD000, s9;
	[smem:$0x7E1] =	sst s17  }
0x3d: {  	s19 =	sadd.s32 $0xD400, s9;
	[smem:$0x7E2] =	sst s18  }
0x3e: {  	s3 =	sadd.s32 $0xF400, s9;
	[smem:$0x7E3] =	sst s19  }
0x3f: {  	s7 =	sadd.s32 $0xF800, s9;
	[smem:$0x7EB] =	sst s3  }
0x40: {  	s20 =	sadd.s32 $0xD800, s9;
	[smem:$0x7EC] =	sst s7  }
0x41: {  	s21 =	sadd.s32 $0xDC00, s9;
	[smem:$0x7E4] =	sst s20  }
0x42: {  	s22 =	sadd.s32 $0xE000, s9;
	[smem:$0x7E5] =	sst s21  }
0x43: {  	s23 =	sadd.s32 $0xE400, s9;
	[smem:$0x7E6] =	sst s22  }
0x44: {  	s24 =	sadd.s32 $0xE800, s9;
	[smem:$0x7E7] =	sst s23  }
0x45: {  	s25 =	sadd.s32 $0xEC00, s9;
	[smem:$0x7E8] =	sst s24  }
0x46: {  	s26 =	sadd.s32 $0xF000, s9;
	[smem:$0x7E9] =	sst s25  }
0x47: {  	s10 =	sadd.s32 $0xFC00, s9;
	[smem:$0x7EA] =	sst s26  }
0x48: {  	s11 =	sadd.s32 $0x10000, s9;
	[smem:$0x7ED] =	sst s10  }
0x49: {  	s12 =	sadd.s32 $0x10400, s9;
	[smem:$0x7EE] =	sst s11  }
0x4a: {  	s13 =	sadd.s32 $0x10800, s9;
	[smem:$0x7EF] =	sst s12  }
0x4b: {  	s14 =	sadd.s32 $0x10C00, s9;
	[smem:$0x7F0] =	sst s13  }
0x4c: {  	s15 =	sadd.s32 $0x11000, s9;
	[smem:$0x7F1] =	sst s14  }
0x4d: {  	s28 =	simm.s32 $0x1000;
	s16 =	sadd.s32 $0x11400, s9;
	[smem:$0x7F2] =	sst s15  }
0x4e: {  	s29 =	simm.s32 $0x6000;
	s17 =	sadd.s32 $0x11800, s9;
	[smem:$0x7F3] =	sst s16  }
0x4f: {  	s30 =	simm.s32 $0x6800;
	s18 =	sadd.s32 $0x11C00, s9;
	[smem:$0x7F4] =	sst s17  }
0x50: {  	s31 =	simm.s32 $0x7000;
	s19 =	sadd.s32 $0x12000, s9;
	[smem:$0x7F5] =	sst s18  }
0x51: {  	s0 =	simm.s32 $0x7800;
	s3 =	simm.s32 $0x8000;
	[smem:$0x7F6] =	sst s19  }
0x52: {  	s20 =	sadd.s32 $0x12400, s9;
	s21 =	sadd.s32 $0x12800, s9;
	s22 =	sadd.s32 $0x12C00, s9  }
0x53: {  	s23 =	sadd.s32 $0x13000, s9;
	s24 =	sadd.s32 $0x13400, s9;
	[smem:$0x7F7] =	sst s20  }
0x54: {  	s25 =	sadd.s32 $0x13800, s9;
	s26 =	sadd.s32 $0x13C00, s9;
	[smem:$0x7F8] =	sst s21  }
0x55: {  	s18 =	simm.s32 $0x2000;
	s19 =	simm.s32 $0x2800;
	[smem:$0x7F9] =	sst s22  }
0x56: {  	s9 =	simm.s32 $0x8800;
	s10 =	simm.s32 $0x9000;
	[smem:$0x7FA] =	sst s23  }
.Ltmp0:
0x57: {  	s11 =	simm.s32 $0x9800;
	[smem:$0x7FB] =	sst s24;
	(pc) =	sbr.rel .LBB2_1-.Ltmp0, $4  }
0x58: {  	s12 =	simm.s32 $0x1;
	s13 =	simm.s32 $0x2;
	[smem:$0x7FC] =	sst s25  }
0x59: {  	v3 =	vlaneseq.u32;
	s14 =	simm.s32 $0x0;
	[smem:$0x7FD] =	sst s26;
	s20 =	simm.s32 $0x3000  }
0x5a: {  	v0 =	vimm.f32 $0.0e+00;
	vm0 =	vmmov $0xffff;
	v2 =	vshrl.u32 v3, $0x3;
	s21 =	simm.s32 $0x3800;
	s22 =	simm.s32 $0x4000;
	s23 =	simm.s32 $0x4800  }
0x5b: {  	v1 =	vand.u32 $0x7, v3;
	v3 =	vor.u32 $0x8, v3;
	v2 =	vmul.u32 $0x8, v2;
	s24 =	simm.s32 $0x5000;
	s25 =	simm.s32 $0x5800;
	s26 =	simm.s32 $0x3  }
.LBB2_10:
0x5c: {  	s7 =	stileid.u32;
	[bflag:$0x0] =	sbarrier.arrive $0xFFFF  }
0x5d: {  	s7 =	sshll.u32 s7, $0x6;
	s14 =	rddreg [dreg:$0x4]  }
0x5e: {  	s15 =	rddreg [dreg:$0x14];
	s7 =	sor.u32 $0x1C03, s7;
	s14 =	sshrl.u32 s14, $0x3  }
0x5f: {  	[hbm:s15], [sflag:s7] =	dma.local [spmem:s14], $0x2800  }
0x60: {  	_ =	swait.ge [sflag:s26], $0x2800  }
0x61: {  	s16 =	sld [smem:$0x7C7];
	_ =	sdelay $0x2  }
0x62: {  	s17 =	rddreg [dreg:$0x5];
	s14 =	sadd.s32 $0x1, s16  }
0x63: {  	p1 =	sne.s32 s14, s17  }
.Ltmp1:
0x64: {  	_ = 	snop;
	(pc) =	sbr.rel @!p1 .LBB2_11-.Ltmp1, $3  }
0x65: {  	_ =	sdelay $0x1  }
0x66: {  	[sflag:s26] =	ssyncset.done $0x0  }
0x67: {  	[sflag:s26] =	ssyncadd.s32 $0xFFFFD800  }
.LBB2_1:
0x68: {  	s7 =	sand.u32 $0x3800, s2;
	s16 =	sand.u32 $0x380, s2  }
0x69: {  	s7 =	sor.u32 s16, s7  }
0x6a: {  	[tilespmem:s7+$0x2470] =	vst v0  }
0x6b: {  	[tilespmem:s7+$0x2000] =	vst v0  }
0x6c: {  	[tilespmem:s7+$0x2010] =	vst v0  }
0x6d: {  	[tilespmem:s7+$0x2020] =	vst v0  }
0x6e: {  	[tilespmem:s7+$0x2030] =	vst v0  }
0x6f: {  	[tilespmem:s7+$0x2040] =	vst v0  }
0x70: {  	[tilespmem:s7+$0x2050] =	vst v0  }
0x71: {  	[tilespmem:s7+$0x2060] =	vst v0  }
0x72: {  	[tilespmem:s7+$0x2070] =	vst v0  }
0x73: {  	[tilespmem:s7+$0x2400] =	vst v0  }
0x74: {  	[tilespmem:s7+$0x2410] =	vst v0  }
0x75: {  	[tilespmem:s7+$0x2420] =	vst v0  }
0x76: {  	[tilespmem:s7+$0x2430] =	vst v0  }
0x77: {  	[smem:$0x7C7] =	sst s14;
	s17 =	simm.s32 $0x100;
	s15 =	simm.s32 $0x80;
	[tilespmem:s7+$0x2440] =	vst v0  }
0x78: {  	s17 =	sand.u32 $0x3800, s17;
	s14 =	sand.u32 $0x380, s15;
	s16 =	simm.s32 $0x200;
	[tilespmem:s7+$0x2450] =	vst v0  }
.LBB2_2:
0x79: {  	p1 =	sne.s32 s16, $0x3F00;
	[tilespmem:s7+$0x2460] =	vst v0;
	s7 =	sor.u32 s14, s17  }
0x7a: {  	[tilespmem:s7+$0x2470] =	vst v0  }
0x7b: {  	[tilespmem:s7+$0x2000] =	vst v0  }
0x7c: {  	[tilespmem:s7+$0x2010] =	vst v0  }
0x7d: {  	[tilespmem:s7+$0x2020] =	vst v0  }
0x7e: {  	[tilespmem:s7+$0x2030] =	vst v0  }
0x7f: {  	[tilespmem:s7+$0x2040] =	vst v0  }
0x80: {  	[tilespmem:s7+$0x2050] =	vst v0  }
0x81: {  	[tilespmem:s7+$0x2060] =	vst v0  }
0x82: {  	[tilespmem:s7+$0x2070] =	vst v0  }
0x83: {  	[tilespmem:s7+$0x2400] =	vst v0  }
.Ltmp2:
0x84: {  	[tilespmem:s7+$0x2410] =	vst v0;
	(pc) =	sbr.rel @p1 .LBB2_2-.Ltmp2, $4  }
0x85: {  	[tilespmem:s7+$0x2420] =	vst v0  }
0x86: {  	[tilespmem:s7+$0x2430] =	vst v0  }
0x87: {  	s15 =	sadd.s32 $0x80, s15;
	[tilespmem:s7+$0x2440] =	vst v0  }
0x88: {  	s17 =	sand.u32 $0x3800, s16;
	s16 =	sadd.s32 $0x100, s16;
	s14 =	sand.u32 $0x380, s15;
	[tilespmem:s7+$0x2450] =	vst v0  }
0x89: {  	s14 =	sor.u32 s14, s17;
	[tilespmem:s7+$0x2460] =	vst v0  }
0x8a: {  	[tilespmem:s14+$0x2470] =	vst v0  }
0x8b: {  	[tilespmem:s14+$0x2000] =	vst v0  }
0x8c: {  	[tilespmem:s14+$0x2010] =	vst v0  }
0x8d: {  	[tilespmem:s14+$0x2020] =	vst v0  }
0x8e: {  	[tilespmem:s14+$0x2030] =	vst v0  }
0x8f: {  	[tilespmem:s14+$0x2040] =	vst v0  }
0x90: {  	[tilespmem:s14+$0x2050] =	vst v0  }
0x91: {  	[tilespmem:s14+$0x2060] =	vst v0  }
0x92: {  	[tilespmem:s14+$0x2070] =	vst v0  }
0x93: {  	[tilespmem:s14+$0x2400] =	vst v0  }
0x94: {  	[tilespmem:s14+$0x2410] =	vst v0  }
0x95: {  	[tilespmem:s14+$0x2420] =	vst v0  }
0x96: {  	[tilespmem:s14+$0x2430] =	vst v0  }
0x97: {  	[tilespmem:s14+$0x2440] =	vst v0  }
0x98: {  	[tilespmem:s14+$0x2450] =	vst v0  }
0x99: {  	[tilespmem:s14+$0x2460] =	vst v0;
	s14 =	rddreg [dreg:$0x4]  }
0x9a: {  	[spmem:s14] =	stream.linear.scatter [tilespmem:s18], [sflag:$0x3], $0x400, $0x38;
	[tilespmem:$0x1E000] =	vst v63  }
0x9b: {  	s15 =	rddreg [dreg:$0x6]  }
0x9c: {  	[spmem:s15] =	stream.linear.scatter [tilespmem:s19], [sflag:$0x3], $0x400, $0x38;
	[tilespmem:$0x1E000] =	vst v63  }
0x9d: {  	s16 =	rddreg [dreg:$0x7]  }
0x9e: {  	[spmem:s16] =	stream.linear.scatter [tilespmem:s20], [sflag:$0x3], $0x400, $0x38;
	[tilespmem:$0x1E000] =	vst v63  }
0x9f: {  	s17 =	rddreg [dreg:$0x8]  }
0xa0: {  	[spmem:s17] =	stream.linear.scatter [tilespmem:s21], [sflag:$0x3], $0x400, $0x38;
	[tilespmem:$0x1E000] =	vst v63  }
0xa1: {  	s14 =	rddreg [dreg:$0x9]  }
0xa2: {  	[spmem:s14] =	stream.linear.scatter [tilespmem:s22], [sflag:$0x3], $0x400, $0x38;
	[tilespmem:$0x1E000] =	vst v63  }
0xa3: {  	s15 =	rddreg [dreg:$0xa]  }
0xa4: {  	[spmem:s15] =	stream.linear.scatter [tilespmem:s23], [sflag:$0x3], $0x400, $0x38;
	[tilespmem:$0x1E000] =	vst v63  }
0xa5: {  	s16 =	rddreg [dreg:$0xb]  }
0xa6: {  	[spmem:s16] =	stream.linear.scatter [tilespmem:s24], [sflag:$0x3], $0x400, $0x38;
	[tilespmem:$0x1E000] =	vst v63  }
0xa7: {  	s17 =	rddreg [dreg:$0xc]  }
0xa8: {  	[spmem:s17] =	stream.linear.scatter [tilespmem:s25], [sflag:$0x3], $0x400, $0x38;
	[tilespmem:$0x1E000] =	vst v63  }
0xa9: {  	_ =	swait.ge [sflag:s26], $0x2000  }
0xaa: {  	[sflag:s26] =	ssyncset.done $0x0  }
0xab: {  	s14 =	rddreg [dreg:$0xd];
	[sflag:s26] =	ssyncadd.s32 $0xFFFFE000  }
0xac: {  	[spmem:s14] =	stream.linear.scatter [tilespmem:s18], [sflag:$0x3], $0x400, $0x38;
	[tilespmem:$0x1E000] =	vst v63  }
0xad: {  	s15 =	rddreg [dreg:$0xe]  }
0xae: {  	[spmem:s15] =	stream.linear.scatter [tilespmem:s19], [sflag:$0x3], $0x400, $0x38;
	[tilespmem:$0x1E000] =	vst v63  }
0xaf: {  	s16 =	rddreg [dreg:$0xf]  }
0xb0: {  	[spmem:s16] =	stream.linear.scatter [tilespmem:s20], [sflag:$0x3], $0x400, $0x38;
	[tilespmem:$0x1E000] =	vst v63  }
0xb1: {  	s17 =	rddreg [dreg:$0x10]  }
0xb2: {  	[spmem:s17] =	stream.linear.scatter [tilespmem:s21], [sflag:$0x3], $0x400, $0x38;
	[tilespmem:$0x1E000] =	vst v63  }
0xb3: {  	s14 =	rddreg [dreg:$0x11]  }
0xb4: {  	[spmem:s14] =	stream.linear.scatter [tilespmem:s22], [sflag:$0x3], $0x400, $0x38;
	[tilespmem:$0x1E000] =	vst v63  }
0xb5: {  	s15 =	rddreg [dreg:$0x12]  }
0xb6: {  	[spmem:s15] =	stream.linear.scatter [tilespmem:s23], [sflag:$0x3], $0x400, $0x38;
	[tilespmem:$0x1E000] =	vst v63  }
0xb7: {  	s16 =	rddreg [dreg:$0x13]  }
0xb8: {  	[spmem:s16] =	stream.linear.scatter [tilespmem:s24], [sflag:$0x3], $0x400, $0x38;
	[tilespmem:$0x1E000] =	vst v63  }
0xb9: {  	s17 =	rddreg [dreg:$0x15]  }
0xba: {  	[spmem:s17] =	stream.linear.scatter [tilespmem:s25], [sflag:$0x3], $0x400, $0x38;
	[tilespmem:$0x1E000] =	vst v63  }
0xbb: {  	_ =	swait.ge [sflag:s26], $0x2000  }
0xbc: {  	[sflag:s26] =	ssyncset.done $0x0  }
0xbd: {  	s14 =	rddreg [dreg:$0x16];
	[sflag:s26] =	ssyncadd.s32 $0xFFFFE000  }
0xbe: {  	[spmem:s14] =	stream.linear.scatter [tilespmem:s18], [sflag:$0x3], $0x400, $0x38;
	[tilespmem:$0x1E000] =	vst v63  }
0xbf: {  	s15 =	rddreg [dreg:$0x17]  }
0xc0: {  	[spmem:s15] =	stream.linear.scatter [tilespmem:s19], [sflag:$0x3], $0x400, $0x38;
	[tilespmem:$0x1E000] =	vst v63  }
0xc1: {  	s16 =	rddreg [dreg:$0x18]  }
0xc2: {  	[spmem:s16] =	stream.linear.scatter [tilespmem:s20], [sflag:$0x3], $0x400, $0x38;
	[tilespmem:$0x1E000] =	vst v63  }
0xc3: {  	s17 =	rddreg [dreg:$0x19]  }
0xc4: {  	[spmem:s17] =	stream.linear.scatter [tilespmem:s21], [sflag:$0x3], $0x400, $0x38;
	[tilespmem:$0x1E000] =	vst v63  }
0xc5: {  	s14 =	rddreg [dreg:$0x1a]  }
0xc6: {  	[spmem:s14] =	stream.linear.scatter [tilespmem:s22], [sflag:$0x3], $0x400, $0x38;
	[tilespmem:$0x1E000] =	vst v63  }
0xc7: {  	s15 =	rddreg [dreg:$0x1b]  }
0xc8: {  	[spmem:s15] =	stream.linear.scatter [tilespmem:s23], [sflag:$0x3], $0x400, $0x38;
	[tilespmem:$0x1E000] =	vst v63  }
0xc9: {  	s16 =	rddreg [dreg:$0x1c]  }
0xca: {  	[spmem:s16] =	stream.linear.scatter [tilespmem:s24], [sflag:$0x3], $0x400, $0x38;
	[tilespmem:$0x1E000] =	vst v63  }
0xcb: {  	s17 =	rddreg [dreg:$0x1d]  }
0xcc: {  	[spmem:s17] =	stream.linear.scatter [tilespmem:s25], [sflag:$0x3], $0x400, $0x38;
	[tilespmem:$0x1E000] =	vst v63  }
0xcd: {  	_ =	swait.ge [sflag:s26], $0x2000  }
0xce: {  	[sflag:s26] =	ssyncset.done $0x0;
	s14 =	rddreg [dreg:$0x1e]  }
0xcf: {  	s15 =	rddreg [dreg:$0x1f];
	[sflag:s26] =	ssyncadd.s32 $0xFFFFE000  }
0xd0: {  	[spmem:s14] =	stream.linear.scatter [tilespmem:s18], [sflag:$0x3], $0x400, $0x38;
	[tilespmem:$0x1E000] =	vst v63  }
0xd1: {  	s16 =	sld [smem:$0x7C8]  }
0xd2: {  	[spmem:s15] =	stream.linear.scatter [tilespmem:s19], [sflag:$0x3], $0x400, $0x38;
	[tilespmem:$0x1E000] =	vst v63  }
0xd3: {  	s17 =	sld [smem:$0x7C9]  }
0xd4: {  	[spmem:s16] =	stream.linear.scatter [tilespmem:s20], [sflag:$0x3], $0x400, $0x38;
	[tilespmem:$0x1E000] =	vst v63  }
0xd5: {  	s14 =	sld [smem:$0x7CA]  }
0xd6: {  	[spmem:s17] =	stream.linear.scatter [tilespmem:s21], [sflag:$0x3], $0x400, $0x38;
	[tilespmem:$0x1E000] =	vst v63  }
0xd7: {  	s15 =	sld [smem:$0x7CB]  }
0xd8: {  	[spmem:s14] =	stream.linear.scatter [tilespmem:s22], [sflag:$0x3], $0x400, $0x38;
	[tilespmem:$0x1E000] =	vst v63  }
0xd9: {  	s16 =	sld [smem:$0x7CC]  }
0xda: {  	[spmem:s15] =	stream.linear.scatter [tilespmem:s23], [sflag:$0x3], $0x400, $0x38;
	[tilespmem:$0x1E000] =	vst v63  }
0xdb: {  	s17 =	sld [smem:$0x7CD]  }
0xdc: {  	[spmem:s16] =	stream.linear.scatter [tilespmem:s24], [sflag:$0x3], $0x400, $0x38;
	[tilespmem:$0x1E000] =	vst v63  }
0xdd: {  	_ = 	snop  }
0xde: {  	[spmem:s17] =	stream.linear.scatter [tilespmem:s25], [sflag:$0x3], $0x400, $0x38;
	[tilespmem:$0x1E000] =	vst v63  }
0xdf: {  	_ =	swait.ge [sflag:s26], $0x2000  }
0xe0: {  	s14 =	sld [smem:$0x7CE]  }
0xe1: {  	[sflag:s26] =	ssyncset.done $0x0  }
0xe2: {  	s15 =	sld [smem:$0x7CF];
	[sflag:s26] =	ssyncadd.s32 $0xFFFFE000  }
0xe3: {  	[spmem:s14] =	stream.linear.scatter [tilespmem:s18], [sflag:$0x3], $0x400, $0x38;
	[tilespmem:$0x1E000] =	vst v63  }
0xe4: {  	s16 =	sld [smem:$0x7D0]  }
0xe5: {  	[spmem:s15] =	stream.linear.scatter [tilespmem:s19], [sflag:$0x3], $0x400, $0x38;
	[tilespmem:$0x1E000] =	vst v63  }
0xe6: {  	s17 =	sld [smem:$0x7D1]  }
0xe7: {  	[spmem:s16] =	stream.linear.scatter [tilespmem:s20], [sflag:$0x3], $0x400, $0x38;
	[tilespmem:$0x1E000] =	vst v63  }
0xe8: {  	s14 =	sld [smem:$0x7D2]  }
0xe9: {  	[spmem:s17] =	stream.linear.scatter [tilespmem:s21], [sflag:$0x3], $0x400, $0x38;
	[tilespmem:$0x1E000] =	vst v63  }
0xea: {  	s15 =	sld [smem:$0x7D3]  }
0xeb: {  	[spmem:s14] =	stream.linear.scatter [tilespmem:s22], [sflag:$0x3], $0x400, $0x38;
	[tilespmem:$0x1E000] =	vst v63  }
0xec: {  	s16 =	sld [smem:$0x7D4]  }
0xed: {  	[spmem:s15] =	stream.linear.scatter [tilespmem:s23], [sflag:$0x3], $0x400, $0x38;
	[tilespmem:$0x1E000] =	vst v63  }
0xee: {  	s17 =	sld [smem:$0x7D5]  }
0xef: {  	[spmem:s16] =	stream.linear.scatter [tilespmem:s24], [sflag:$0x3], $0x400, $0x38;
	[tilespmem:$0x1E000] =	vst v63  }
0xf0: {  	_ = 	snop  }
0xf1: {  	[spmem:s17] =	stream.linear.scatter [tilespmem:s25], [sflag:$0x3], $0x400, $0x38;
	[tilespmem:$0x1E000] =	vst v63  }
0xf2: {  	_ =	swait.ge [sflag:s26], $0x2000  }
0xf3: {  	s14 =	sld [smem:$0x7D6]  }
0xf4: {  	[sflag:s26] =	ssyncset.done $0x0  }
0xf5: {  	s15 =	sld [smem:$0x7D7];
	[sflag:s26] =	ssyncadd.s32 $0xFFFFE000  }
0xf6: {  	[spmem:s14] =	stream.linear.scatter [tilespmem:s18], [sflag:$0x3], $0x400, $0x38;
	[tilespmem:$0x1E000] =	vst v63  }
0xf7: {  	s16 =	sld [smem:$0x7D8]  }
0xf8: {  	[spmem:s15] =	stream.linear.scatter [tilespmem:s19], [sflag:$0x3], $0x400, $0x38;
	[tilespmem:$0x1E000] =	vst v63  }
0xf9: {  	s17 =	sld [smem:$0x7D9]  }
0xfa: {  	[spmem:s16] =	stream.linear.scatter [tilespmem:s20], [sflag:$0x3], $0x400, $0x38;
	[tilespmem:$0x1E000] =	vst v63  }
0xfb: {  	s14 =	sld [smem:$0x7DA]  }
0xfc: {  	[spmem:s17] =	stream.linear.scatter [tilespmem:s21], [sflag:$0x3], $0x400, $0x38;
	[tilespmem:$0x1E000] =	vst v63  }
0xfd: {  	s15 =	sld [smem:$0x7DB]  }
0xfe: {  	[spmem:s14] =	stream.linear.scatter [tilespmem:s22], [sflag:$0x3], $0x400, $0x38;
	[tilespmem:$0x1E000] =	vst v63  }
0xff: {  	s16 =	sld [smem:$0x7DC]  }
0x100: {  	[spmem:s15] =	stream.linear.scatter [tilespmem:s23], [sflag:$0x3], $0x400, $0x38;
	[tilespmem:$0x1E000] =	vst v63  }
0x101: {  	s17 =	sld [smem:$0x7DD]  }
0x102: {  	[spmem:s16] =	stream.linear.scatter [tilespmem:s24], [sflag:$0x3], $0x400, $0x38;
	[tilespmem:$0x1E000] =	vst v63  }
0x103: {  	_ = 	snop  }
0x104: {  	[spmem:s17] =	stream.linear.scatter [tilespmem:s25], [sflag:$0x3], $0x400, $0x38;
	[tilespmem:$0x1E000] =	vst v63  }
0x105: {  	_ =	swait.ge [sflag:s26], $0x2000  }
0x106: {  	s14 =	sld [smem:$0x7DE]  }
0x107: {  	[sflag:s26] =	ssyncset.done $0x0  }
0x108: {  	s15 =	sld [smem:$0x7DF];
	[sflag:s26] =	ssyncadd.s32 $0xFFFFE000  }
0x109: {  	[spmem:s14] =	stream.linear.scatter [tilespmem:s18], [sflag:$0x3], $0x400, $0x38;
	[tilespmem:$0x1E000] =	vst v63  }
0x10a: {  	s16 =	sld [smem:$0x7E0]  }
0x10b: {  	[spmem:s15] =	stream.linear.scatter [tilespmem:s19], [sflag:$0x3], $0x400, $0x38;
	[tilespmem:$0x1E000] =	vst v63  }
0x10c: {  	s17 =	sld [smem:$0x7E1]  }
0x10d: {  	[spmem:s16] =	stream.linear.scatter [tilespmem:s20], [sflag:$0x3], $0x400, $0x38;
	[tilespmem:$0x1E000] =	vst v63  }
0x10e: {  	s14 =	sld [smem:$0x7E2]  }
0x10f: {  	[spmem:s17] =	stream.linear.scatter [tilespmem:s21], [sflag:$0x3], $0x400, $0x38;
	[tilespmem:$0x1E000] =	vst v63  }
0x110: {  	s15 =	sld [smem:$0x7E3]  }
0x111: {  	[spmem:s14] =	stream.linear.scatter [tilespmem:s22], [sflag:$0x3], $0x400, $0x38;
	[tilespmem:$0x1E000] =	vst v63  }
0x112: {  	s16 =	sld [smem:$0x7E4]  }
0x113: {  	[spmem:s15] =	stream.linear.scatter [tilespmem:s23], [sflag:$0x3], $0x400, $0x38;
	[tilespmem:$0x1E000] =	vst v63  }
0x114: {  	s17 =	sld [smem:$0x7E5]  }
0x115: {  	[spmem:s16] =	stream.linear.scatter [tilespmem:s24], [sflag:$0x3], $0x400, $0x38;
	[tilespmem:$0x1E000] =	vst v63  }
0x116: {  	_ = 	snop  }
0x117: {  	[spmem:s17] =	stream.linear.scatter [tilespmem:s25], [sflag:$0x3], $0x400, $0x38;
	[tilespmem:$0x1E000] =	vst v63  }
0x118: {  	_ =	swait.ge [sflag:s26], $0x2000  }
0x119: {  	s14 =	sld [smem:$0x7E6]  }
0x11a: {  	[sflag:s26] =	ssyncset.done $0x0  }
0x11b: {  	s15 =	sld [smem:$0x7E7];
	[sflag:s26] =	ssyncadd.s32 $0xFFFFE000  }
0x11c: {  	[spmem:s14] =	stream.linear.scatter [tilespmem:s18], [sflag:$0x3], $0x400, $0x38;
	[tilespmem:$0x1E000] =	vst v63  }
0x11d: {  	s16 =	sld [smem:$0x7E8]  }
0x11e: {  	[spmem:s15] =	stream.linear.scatter [tilespmem:s19], [sflag:$0x3], $0x400, $0x38;
	[tilespmem:$0x1E000] =	vst v63  }
0x11f: {  	s17 =	sld [smem:$0x7E9]  }
0x120: {  	[spmem:s16] =	stream.linear.scatter [tilespmem:s20], [sflag:$0x3], $0x400, $0x38;
	[tilespmem:$0x1E000] =	vst v63  }
0x121: {  	s14 =	sld [smem:$0x7EA]  }
0x122: {  	[spmem:s17] =	stream.linear.scatter [tilespmem:s21], [sflag:$0x3], $0x400, $0x38;
	[tilespmem:$0x1E000] =	vst v63  }
0x123: {  	s15 =	sld [smem:$0x7EB]  }
0x124: {  	[spmem:s14] =	stream.linear.scatter [tilespmem:s22], [sflag:$0x3], $0x400, $0x38;
	[tilespmem:$0x1E000] =	vst v63  }
0x125: {  	s16 =	sld [smem:$0x7EC]  }
0x126: {  	[spmem:s15] =	stream.linear.scatter [tilespmem:s23], [sflag:$0x3], $0x400, $0x38;
	[tilespmem:$0x1E000] =	vst v63  }
0x127: {  	s17 =	sld [smem:$0x7ED]  }
0x128: {  	[spmem:s16] =	stream.linear.scatter [tilespmem:s24], [sflag:$0x3], $0x400, $0x38;
	[tilespmem:$0x1E000] =	vst v63  }
0x129: {  	_ = 	snop  }
0x12a: {  	[spmem:s17] =	stream.linear.scatter [tilespmem:s25], [sflag:$0x3], $0x400, $0x38;
	[tilespmem:$0x1E000] =	vst v63  }
0x12b: {  	_ =	swait.ge [sflag:s26], $0x2000  }
0x12c: {  	s14 =	sld [smem:$0x7EE]  }
0x12d: {  	[sflag:s26] =	ssyncset.done $0x0  }
0x12e: {  	s15 =	sld [smem:$0x7EF];
	[sflag:s26] =	ssyncadd.s32 $0xFFFFE000  }
0x12f: {  	[spmem:s14] =	stream.linear.scatter [tilespmem:s18], [sflag:$0x3], $0x400, $0x38;
	[tilespmem:$0x1E000] =	vst v63  }
0x130: {  	s16 =	sld [smem:$0x7F0]  }
0x131: {  	[spmem:s15] =	stream.linear.scatter [tilespmem:s19], [sflag:$0x3], $0x400, $0x38;
	[tilespmem:$0x1E000] =	vst v63  }
0x132: {  	s17 =	sld [smem:$0x7F1]  }
0x133: {  	[spmem:s16] =	stream.linear.scatter [tilespmem:s20], [sflag:$0x3], $0x400, $0x38;
	[tilespmem:$0x1E000] =	vst v63  }
0x134: {  	s14 =	sld [smem:$0x7F2]  }
0x135: {  	[spmem:s17] =	stream.linear.scatter [tilespmem:s21], [sflag:$0x3], $0x400, $0x38;
	[tilespmem:$0x1E000] =	vst v63  }
0x136: {  	s15 =	sld [smem:$0x7F3]  }
0x137: {  	[spmem:s14] =	stream.linear.scatter [tilespmem:s22], [sflag:$0x3], $0x400, $0x38;
	[tilespmem:$0x1E000] =	vst v63  }
0x138: {  	s16 =	sld [smem:$0x7F4]  }
0x139: {  	[spmem:s15] =	stream.linear.scatter [tilespmem:s23], [sflag:$0x3], $0x400, $0x38;
	[tilespmem:$0x1E000] =	vst v63  }
0x13a: {  	s17 =	sld [smem:$0x7F5]  }
0x13b: {  	[spmem:s16] =	stream.linear.scatter [tilespmem:s24], [sflag:$0x3], $0x400, $0x38;
	[tilespmem:$0x1E000] =	vst v63  }
0x13c: {  	_ = 	snop  }
0x13d: {  	[spmem:s17] =	stream.linear.scatter [tilespmem:s25], [sflag:$0x3], $0x400, $0x38;
	[tilespmem:$0x1E000] =	vst v63  }
0x13e: {  	_ =	swait.ge [sflag:s26], $0x2000  }
0x13f: {  	s14 =	sld [smem:$0x7F6]  }
0x140: {  	[sflag:s26] =	ssyncset.done $0x0  }
0x141: {  	s15 =	sld [smem:$0x7F7];
	[sflag:s26] =	ssyncadd.s32 $0xFFFFE000  }
0x142: {  	[spmem:s14] =	stream.linear.scatter [tilespmem:s18], [sflag:$0x3], $0x400, $0x38;
	[tilespmem:$0x1E000] =	vst v63  }
0x143: {  	s16 =	sld [smem:$0x7F8]  }
0x144: {  	[spmem:s15] =	stream.linear.scatter [tilespmem:s19], [sflag:$0x3], $0x400, $0x38;
	[tilespmem:$0x1E000] =	vst v63  }
0x145: {  	s17 =	sld [smem:$0x7F9]  }
0x146: {  	[spmem:s16] =	stream.linear.scatter [tilespmem:s20], [sflag:$0x3], $0x400, $0x38;
	[tilespmem:$0x1E000] =	vst v63  }
0x147: {  	s14 =	sld [smem:$0x7FA]  }
0x148: {  	[spmem:s17] =	stream.linear.scatter [tilespmem:s21], [sflag:$0x3], $0x400, $0x38;
	[tilespmem:$0x1E000] =	vst v63  }
0x149: {  	s15 =	sld [smem:$0x7FB]  }
0x14a: {  	[spmem:s14] =	stream.linear.scatter [tilespmem:s22], [sflag:$0x3], $0x400, $0x38;
	[tilespmem:$0x1E000] =	vst v63  }
0x14b: {  	s16 =	sld [smem:$0x7FC]  }
0x14c: {  	[spmem:s15] =	stream.linear.scatter [tilespmem:s23], [sflag:$0x3], $0x400, $0x38;
	[tilespmem:$0x1E000] =	vst v63  }
0x14d: {  	s17 =	sld [smem:$0x7FD]  }
0x14e: {  	[spmem:s16] =	stream.linear.scatter [tilespmem:s24], [sflag:$0x3], $0x400, $0x38;
	[tilespmem:$0x1E000] =	vst v63  }
0x14f: {  	_ = 	snop  }
0x150: {  	[spmem:s17] =	stream.linear.scatter [tilespmem:s25], [sflag:$0x3], $0x400, $0x38;
	[tilespmem:$0x1E000] =	vst v63  }
.Ltmp3:
0x151: {  	_ =	swait.ge [sflag:s26], $0x2000;
	(pc) =	sbr.rel @!p0 .LBB2_4-.Ltmp3, $4  }
0x152: {  	[sflag:s26] =	ssyncset.done $0x0  }
0x153: {  	[sflag:s26] =	ssyncadd.s32 $0xFFFFE000  }
0x154: {  	[bflag:$0x0] =	sbarrier.arrive $0xFFFF  }
0x155: {  	s15 =	simm.s32 $0x0;
	s16 =	simm.s32 $0x0;
	s17 =	simm.s32 $0x0  }
.LBB2_7:
0x156: {  	s7 =	sshll.u32 s17, $0xC  }
0x157: {  	s7 =	sadd.s32 s8, s7  }
0x158: {  	s7 =	sshrl.u32 s7, $0x3  }
0x159: {  	s14 =	sadd.s32 s5, s7  }
0x15a: {  	[tilespmem:s15], [sflag:$0x3] =	stream.linear.gather [hbm4b:s14+s15], $0x1000, $0x38;
	[tilespmem:$0x1E000] =	vst v63  }
0x15b: {  	_ =	swait.ge [sflag:s26], $0x1000  }
0x15c: {  	[sflag:s26] =	ssyncset.done $0x0  }
0x15d: {  	s7 =	sadd.s32 s6, s7;
	[sflag:s26] =	ssyncadd.s32 $0xFFFFF000  }
0x15e: {  	[tilespmem:s28], [sflag:$0x3] =	stream.linear.gather [hbm4b:s7+s15], $0x1000, $0x38;
	[tilespmem:$0x1E000] =	vst v63  }
0x15f: {  	_ =	swait.ge [sflag:s26], $0x1000  }
0x160: {  	[sflag:s26] =	ssyncset.done $0x0  }
0x161: {  	[sflag:s26] =	ssyncadd.s32 $0xFFFFF000  }
0x162: {  	v4 =	vld [tilespmem:$0x0];
	_ =	sdelay $0x4  }
0x163: {  	v5 =	vshll.u32 v4, $0x1  }
0x164: {  	v4 =	vand.u32 $0x7, v4;
	v5 =	vand.u32 $0xFFFFFFF0, v5  }
0x165: {  	v4 =	vor.u32 v4, v5  }
0x166: {  	v5 =	vperm.xlane v4, v1;
	_ =	sdelay $0x1  }
0x167: {  	v4 =	vperm.xlane v4, v3;
	v5 =	vadd.s32 v2, v5;
	_ =	sdelay $0x1  }
0x168: {  	v4 =	vadd.s32 v2, v4;
	_ =	sdelay $0x2  }
0x169: {  	[tilespmem:s18], [sflag:$0x1] =	stream.indirect_vreg.gather [hbm4b:s4+s15], $0x80, v5, vm0, $0xb8;
	[tilespmem:$0x1E000] =	vst v63  }
0x16a: {  	_ = 	snop  }
0x16b: {  	[tilespmem:s19], [sflag:$0x1] =	stream.indirect_vreg.gather [hbm4b:s4+s15], $0x80, v4, vm0, $0xb8;
	[tilespmem:$0x1E000] =	vst v63  }
0x16c: {  	v4 =	vld [tilespmem:$0x10];
	_ =	sdelay $0x4  }
0x16d: {  	v5 =	vshll.u32 v4, $0x1  }
0x16e: {  	v4 =	vand.u32 $0x7, v4;
	v5 =	vand.u32 $0xFFFFFFF0, v5  }
0x16f: {  	v4 =	vor.u32 v4, v5  }
0x170: {  	v5 =	vperm.xlane v4, v1;
	_ =	sdelay $0x1  }
0x171: {  	v4 =	vperm.xlane v4, v3;
	v5 =	vadd.s32 v2, v5;
	_ =	sdelay $0x1  }
0x172: {  	v4 =	vadd.s32 v2, v4;
	_ =	sdelay $0x2  }
0x173: {  	[tilespmem:s20], [sflag:$0x1] =	stream.indirect_vreg.gather [hbm4b:s4+s15], $0x80, v5, vm0, $0xb8;
	[tilespmem:$0x1E000] =	vst v63  }
0x174: {  	_ = 	snop  }
0x175: {  	[tilespmem:s21], [sflag:$0x1] =	stream.indirect_vreg.gather [hbm4b:s4+s15], $0x80, v4, vm0, $0xb8;
	[tilespmem:$0x1E000] =	vst v63  }
0x176: {  	v4 =	vld [tilespmem:$0x20];
	_ =	sdelay $0x4  }
0x177: {  	v5 =	vshll.u32 v4, $0x1  }
0x178: {  	v4 =	vand.u32 $0x7, v4;
	v5 =	vand.u32 $0xFFFFFFF0, v5  }
0x179: {  	v4 =	vor.u32 v4, v5  }
0x17a: {  	v5 =	vperm.xlane v4, v1;
	_ =	sdelay $0x1  }
0x17b: {  	v4 =	vperm.xlane v4, v3;
	v5 =	vadd.s32 v2, v5;
	_ =	sdelay $0x1  }
0x17c: {  	v4 =	vadd.s32 v2, v4;
	_ =	sdelay $0x2  }
0x17d: {  	[tilespmem:s22], [sflag:$0x1] =	stream.indirect_vreg.gather [hbm4b:s4+s15], $0x80, v5, vm0, $0xb8;
	[tilespmem:$0x1E000] =	vst v63  }
0x17e: {  	_ = 	snop  }
0x17f: {  	[tilespmem:s23], [sflag:$0x1] =	stream.indirect_vreg.gather [hbm4b:s4+s15], $0x80, v4, vm0, $0xb8;
	[tilespmem:$0x1E000] =	vst v63  }
0x180: {  	v4 =	vld [tilespmem:$0x30];
	_ =	sdelay $0x4  }
0x181: {  	v5 =	vshll.u32 v4, $0x1  }
0x182: {  	v4 =	vand.u32 $0x7, v4;
	v5 =	vand.u32 $0xFFFFFFF0, v5  }
0x183: {  	v4 =	vor.u32 v4, v5  }
0x184: {  	v5 =	vperm.xlane v4, v1;
	_ =	sdelay $0x1  }
0x185: {  	v4 =	vperm.xlane v4, v3;
	v5 =	vadd.s32 v2, v5;
	_ =	sdelay $0x1  }
0x186: {  	v4 =	vadd.s32 v2, v4;
	_ =	sdelay $0x2  }
0x187: {  	[tilespmem:s24], [sflag:$0x1] =	stream.indirect_vreg.gather [hbm4b:s4+s15], $0x80, v5, vm0, $0xb8;
	[tilespmem:$0x1E000] =	vst v63  }
0x188: {  	_ = 	snop  }
0x189: {  	[tilespmem:s25], [sflag:$0x1] =	stream.indirect_vreg.gather [hbm4b:s4+s15], $0x80, v4, vm0, $0xb8;
	[tilespmem:$0x1E000] =	vst v63  }
0x18a: {  	v4 =	vld [tilespmem:$0x80];
	_ =	sdelay $0x4  }
0x18b: {  	v5 =	vshll.u32 v4, $0x1  }
0x18c: {  	v4 =	vand.u32 $0x7, v4;
	v5 =	vand.u32 $0xFFFFFFF0, v5  }
0x18d: {  	v4 =	vor.u32 v4, v5  }
0x18e: {  	v5 =	vperm.xlane v4, v1;
	_ =	sdelay $0x1  }
0x18f: {  	v4 =	vperm.xlane v4, v3;
	v5 =	vadd.s32 v2, v5;
	_ =	sdelay $0x1  }
0x190: {  	v4 =	vadd.s32 v2, v4;
	_ =	sdelay $0x2  }
0x191: {  	[tilespmem:s29], [sflag:$0x2] =	stream.indirect_vreg.gather [hbm4b:s4+s15], $0x80, v5, vm0, $0xb8;
	[tilespmem:$0x1E000] =	vst v63  }
0x192: {  	_ = 	snop  }
0x193: {  	[tilespmem:s30], [sflag:$0x2] =	stream.indirect_vreg.gather [hbm4b:s4+s15], $0x80, v4, vm0, $0xb8;
	[tilespmem:$0x1E000] =	vst v63  }
0x194: {  	v4 =	vld [tilespmem:$0x90];
	_ =	sdelay $0x4  }
0x195: {  	v5 =	vshll.u32 v4, $0x1  }
0x196: {  	v4 =	vand.u32 $0x7, v4;
	v5 =	vand.u32 $0xFFFFFFF0, v5  }
0x197: {  	v4 =	vor.u32 v4, v5  }
0x198: {  	v5 =	vperm.xlane v4, v1;
	_ =	sdelay $0x1  }
0x199: {  	v4 =	vperm.xlane v4, v3;
	v5 =	vadd.s32 v2, v5;
	_ =	sdelay $0x1  }
0x19a: {  	v4 =	vadd.s32 v2, v4;
	_ =	sdelay $0x2  }
0x19b: {  	[tilespmem:s31], [sflag:$0x2] =	stream.indirect_vreg.gather [hbm4b:s4+s15], $0x80, v5, vm0, $0xb8;
	[tilespmem:$0x1E000] =	vst v63  }
0x19c: {  	_ = 	snop  }
0x19d: {  	[tilespmem:s0], [sflag:$0x2] =	stream.indirect_vreg.gather [hbm4b:s4+s15], $0x80, v4, vm0, $0xb8;
	[tilespmem:$0x1E000] =	vst v63  }
0x19e: {  	v4 =	vld [tilespmem:$0xA0];
	_ =	sdelay $0x4  }
0x19f: {  	v5 =	vshll.u32 v4, $0x1  }
0x1a0: {  	v4 =	vand.u32 $0x7, v4;
	v5 =	vand.u32 $0xFFFFFFF0, v5  }
0x1a1: {  	v4 =	vor.u32 v4, v5  }
0x1a2: {  	v5 =	vperm.xlane v4, v1;
	_ =	sdelay $0x1  }
0x1a3: {  	v4 =	vperm.xlane v4, v3;
	v5 =	vadd.s32 v2, v5;
	_ =	sdelay $0x1  }
0x1a4: {  	v4 =	vadd.s32 v2, v4;
	_ =	sdelay $0x2  }
0x1a5: {  	[tilespmem:s3], [sflag:$0x2] =	stream.indirect_vreg.gather [hbm4b:s4+s15], $0x80, v5, vm0, $0xb8;
	[tilespmem:$0x1E000] =	vst v63  }
0x1a6: {  	_ = 	snop  }
0x1a7: {  	[tilespmem:s9], [sflag:$0x2] =	stream.indirect_vreg.gather [hbm4b:s4+s15], $0x80, v4, vm0, $0xb8;
	[tilespmem:$0x1E000] =	vst v63  }
0x1a8: {  	v4 =	vld [tilespmem:$0xB0];
	_ =	sdelay $0x4  }
0x1a9: {  	v5 =	vshll.u32 v4, $0x1  }
0x1aa: {  	v4 =	vand.u32 $0x7, v4;
	v5 =	vand.u32 $0xFFFFFFF0, v5  }
0x1ab: {  	v4 =	vor.u32 v4, v5  }
0x1ac: {  	v5 =	vperm.xlane v4, v1;
	_ =	sdelay $0x1  }
0x1ad: {  	v4 =	vperm.xlane v4, v3;
	v5 =	vadd.s32 v2, v5;
	_ =	sdelay $0x1  }
0x1ae: {  	v4 =	vadd.s32 v2, v4;
	_ =	sdelay $0x2  }
0x1af: {  	[tilespmem:s10], [sflag:$0x2] =	stream.indirect_vreg.gather [hbm4b:s4+s15], $0x80, v5, vm0, $0xb8;
	[tilespmem:$0x1E000] =	vst v63  }
0x1b0: {  	_ = 	snop  }
0x1b1: {  	[tilespmem:s11], [sflag:$0x2] =	stream.indirect_vreg.gather [hbm4b:s4+s15], $0x80, v4, vm0, $0xb8;
	[tilespmem:$0x1E000] =	vst v63  }
0x1b2: {  	_ =	swait.ge [sflag:s12], $0x4000  }
0x1b3: {  	[sflag:s12] =	ssyncset.done $0x0  }
0x1b4: {  	s16 =	simm.s32 $0x0;
	[sflag:s12] =	ssyncadd.s32 $0xFFFFC000  }
.LBB2_8:
0x1b5: {  	s7 =	sshra.s32 s16, $0x2  }
0x1b6: {  	v4 =	vld [tilespmem:s7+$0x100];
	_ =	sdelay $0x4  }
0x1b7: {  	v5 =	vshll.u32 v4, $0x1  }
0x1b8: {  	v4 =	vand.u32 $0x7, v4;
	v5 =	vand.u32 $0xFFFFFFF0, v5  }
0x1b9: {  	v4 =	vor.u32 v4, v5  }
0x1ba: {  	v5 =	vperm.xlane v4, v1;
	_ =	sdelay $0x1  }
0x1bb: {  	v4 =	vperm.xlane v4, v3;
	v5 =	vadd.s32 v2, v5;
	_ =	sdelay $0x1  }
0x1bc: {  	v4 =	vadd.s32 v2, v4;
	_ =	sdelay $0x2  }
0x1bd: {  	[tilespmem:s18], [sflag:$0x1] =	stream.indirect_vreg.gather [hbm4b:s4+s2], $0x80, v5, vm0, $0xb8;
	[tilespmem:$0x1E000] =	vst v63  }
0x1be: {  	_ = 	snop  }
0x1bf: {  	[tilespmem:s19], [sflag:$0x1] =	stream.indirect_vreg.gather [hbm4b:s4+s2], $0x80, v4, vm0, $0xb8;
	[tilespmem:$0x1E000] =	vst v63  }
0x1c0: {  	v4 =	vld [tilespmem:s7+$0x110];
	_ =	sdelay $0x4  }
0x1c1: {  	v5 =	vshll.u32 v4, $0x1  }
0x1c2: {  	v4 =	vand.u32 $0x7, v4;
	v5 =	vand.u32 $0xFFFFFFF0, v5  }
0x1c3: {  	v4 =	vor.u32 v4, v5  }
0x1c4: {  	v5 =	vperm.xlane v4, v1;
	_ =	sdelay $0x1  }
0x1c5: {  	v4 =	vperm.xlane v4, v3;
	v5 =	vadd.s32 v2, v5;
	_ =	sdelay $0x1  }
0x1c6: {  	v4 =	vadd.s32 v2, v4;
	_ =	sdelay $0x2  }
0x1c7: {  	[tilespmem:s20], [sflag:$0x1] =	stream.indirect_vreg.gather [hbm4b:s4+s2], $0x80, v5, vm0, $0xb8;
	[tilespmem:$0x1E000] =	vst v63  }
0x1c8: {  	_ = 	snop  }
0x1c9: {  	[tilespmem:s21], [sflag:$0x1] =	stream.indirect_vreg.gather [hbm4b:s4+s2], $0x80, v4, vm0, $0xb8;
	[tilespmem:$0x1E000] =	vst v63  }
0x1ca: {  	v4 =	vld [tilespmem:s7+$0x120];
	_ =	sdelay $0x4  }
0x1cb: {  	v5 =	vshll.u32 v4, $0x1  }
0x1cc: {  	v4 =	vand.u32 $0x7, v4;
	v5 =	vand.u32 $0xFFFFFFF0, v5  }
0x1cd: {  	v4 =	vor.u32 v4, v5  }
0x1ce: {  	v5 =	vperm.xlane v4, v1;
	_ =	sdelay $0x1  }
0x1cf: {  	v4 =	vperm.xlane v4, v3;
	v5 =	vadd.s32 v2, v5;
	_ =	sdelay $0x1  }
0x1d0: {  	v4 =	vadd.s32 v2, v4;
	_ =	sdelay $0x2  }
0x1d1: {  	[tilespmem:s22], [sflag:$0x1] =	stream.indirect_vreg.gather [hbm4b:s4+s2], $0x80, v5, vm0, $0xb8;
	[tilespmem:$0x1E000] =	vst v63  }
0x1d2: {  	_ = 	snop  }
0x1d3: {  	[tilespmem:s23], [sflag:$0x1] =	stream.indirect_vreg.gather [hbm4b:s4+s2], $0x80, v4, vm0, $0xb8;
	[tilespmem:$0x1E000] =	vst v63  }
0x1d4: {  	v4 =	vld [tilespmem:s7+$0x130];
	_ =	sdelay $0x4  }
0x1d5: {  	v5 =	vshll.u32 v4, $0x1  }
0x1d6: {  	v4 =	vand.u32 $0x7, v4;
	v5 =	vand.u32 $0xFFFFFFF0, v5  }
0x1d7: {  	v4 =	vor.u32 v4, v5  }
0x1d8: {  	v5 =	vperm.xlane v4, v1;
	_ =	sdelay $0x1  }
0x1d9: {  	v4 =	vperm.xlane v4, v3;
	v5 =	vadd.s32 v2, v5;
	_ =	sdelay $0x1  }
0x1da: {  	v4 =	vadd.s32 v2, v4;
	_ =	sdelay $0x2  }
0x1db: {  	[tilespmem:s24], [sflag:$0x1] =	stream.indirect_vreg.gather [hbm4b:s4+s2], $0x80, v5, vm0, $0xb8;
	[tilespmem:$0x1E000] =	vst v63  }
0x1dc: {  	_ = 	snop  }
0x1dd: {  	[tilespmem:s25], [sflag:$0x1] =	stream.indirect_vreg.gather [hbm4b:s4+s2], $0x80, v4, vm0, $0xb8;
	[tilespmem:$0x1E000] =	vst v63  }
0x1de: {  	_ =	swait.ge [sflag:s13], $0x4000  }
0x1df: {  	[sflag:s13] =	ssyncset.done $0x0  }
0x1e0: {  	[sflag:s13] =	ssyncadd.s32 $0xFFFFC000  }
0x1e1: {  	v4 =	vld [tilespmem:s7+$0x180];
	_ =	sdelay $0x4  }
0x1e2: {  	v5 =	vshll.u32 v4, $0x1  }
0x1e3: {  	v4 =	vand.u32 $0x7, v4;
	v5 =	vand.u32 $0xFFFFFFF0, v5  }
0x1e4: {  	v4 =	vor.u32 v4, v5  }
0x1e5: {  	v5 =	vperm.xlane v4, v1;
	_ =	sdelay $0x1  }
0x1e6: {  	v4 =	vperm.xlane v4, v3;
	v5 =	vadd.s32 v2, v5;
	_ =	sdelay $0x1  }
0x1e7: {  	v4 =	vadd.s32 v2, v4;
	_ =	sdelay $0x2  }
0x1e8: {  	[tilespmem:s29], [sflag:$0x2] =	stream.indirect_vreg.gather [hbm4b:s4+s2], $0x80, v5, vm0, $0xb8;
	[tilespmem:$0x1E000] =	vst v63  }
0x1e9: {  	_ = 	snop  }
0x1ea: {  	[tilespmem:s30], [sflag:$0x2] =	stream.indirect_vreg.gather [hbm4b:s4+s2], $0x80, v4, vm0, $0xb8;
	[tilespmem:$0x1E000] =	vst v63  }
0x1eb: {  	v4 =	vld [tilespmem:s7+$0x190];
	_ =	sdelay $0x4  }
0x1ec: {  	v5 =	vshll.u32 v4, $0x1  }
0x1ed: {  	v4 =	vand.u32 $0x7, v4;
	v5 =	vand.u32 $0xFFFFFFF0, v5  }
0x1ee: {  	v4 =	vor.u32 v4, v5  }
0x1ef: {  	v5 =	vperm.xlane v4, v1;
	_ =	sdelay $0x1  }
0x1f0: {  	v4 =	vperm.xlane v4, v3;
	v5 =	vadd.s32 v2, v5;
	_ =	sdelay $0x1  }
0x1f1: {  	v4 =	vadd.s32 v2, v4;
	_ =	sdelay $0x2  }
0x1f2: {  	[tilespmem:s31], [sflag:$0x2] =	stream.indirect_vreg.gather [hbm4b:s4+s2], $0x80, v5, vm0, $0xb8;
	[tilespmem:$0x1E000] =	vst v63  }
0x1f3: {  	_ = 	snop  }
0x1f4: {  	[tilespmem:s0], [sflag:$0x2] =	stream.indirect_vreg.gather [hbm4b:s4+s2], $0x80, v4, vm0, $0xb8;
	[tilespmem:$0x1E000] =	vst v63  }
0x1f5: {  	v4 =	vld [tilespmem:s7+$0x1A0];
	_ =	sdelay $0x4  }
0x1f6: {  	v5 =	vshll.u32 v4, $0x1  }
0x1f7: {  	v4 =	vand.u32 $0x7, v4;
	v5 =	vand.u32 $0xFFFFFFF0, v5  }
0x1f8: {  	v4 =	vor.u32 v4, v5  }
0x1f9: {  	v5 =	vperm.xlane v4, v1;
	_ =	sdelay $0x1  }
0x1fa: {  	v4 =	vperm.xlane v4, v3;
	v5 =	vadd.s32 v2, v5;
	_ =	sdelay $0x1  }
0x1fb: {  	v4 =	vadd.s32 v2, v4;
	_ =	sdelay $0x2  }
0x1fc: {  	[tilespmem:s3], [sflag:$0x2] =	stream.indirect_vreg.gather [hbm4b:s4+s2], $0x80, v5, vm0, $0xb8;
	[tilespmem:$0x1E000] =	vst v63  }
0x1fd: {  	_ = 	snop  }
0x1fe: {  	[tilespmem:s9], [sflag:$0x2] =	stream.indirect_vreg.gather [hbm4b:s4+s2], $0x80, v4, vm0, $0xb8;
	[tilespmem:$0x1E000] =	vst v63  }
0x1ff: {  	v4 =	vld [tilespmem:s7+$0x1B0];
	_ =	sdelay $0x4  }
0x200: {  	v5 =	vshll.u32 v4, $0x1  }
0x201: {  	v4 =	vand.u32 $0x7, v4;
	v5 =	vand.u32 $0xFFFFFFF0, v5  }
0x202: {  	v4 =	vor.u32 v4, v5  }
0x203: {  	v5 =	vperm.xlane v4, v1;
	_ =	sdelay $0x1  }
0x204: {  	v4 =	vperm.xlane v4, v3;
	v5 =	vadd.s32 v2, v5;
	_ =	sdelay $0x1  }
0x205: {  	v4 =	vadd.s32 v2, v4;
	_ =	sdelay $0x1  }
0x206: {  	p1 =	sne.s32 s16, $0x3800  }
0x207: {  	[tilespmem:s10], [sflag:$0x2] =	stream.indirect_vreg.gather [hbm4b:s4+s2], $0x80, v5, vm0, $0xb8;
	[tilespmem:$0x1E000] =	vst v63  }
.Ltmp4:
0x208: {  	_ = 	snop;
	(pc) =	sbr.rel @p1 .LBB2_8-.Ltmp4, $4  }
0x209: {  	[tilespmem:s11], [sflag:$0x2] =	stream.indirect_vreg.gather [hbm4b:s4+s2], $0x80, v4, vm0, $0xb8;
	[tilespmem:$0x1E000] =	vst v63  }
0x20a: {  	_ =	swait.ge [sflag:s12], $0x4000  }
0x20b: {  	[sflag:s12] =	ssyncset.done $0x0  }
0x20c: {  	s16 =	sadd.s32 $0x400, s16;
	[sflag:s12] =	ssyncadd.s32 $0xFFFFC000  }
0x20d: {  	s17 =	sadd.s32 $0x1, s17  }
0x20e: {  	p1 =	sne.s32 s17, $0x5  }
.Ltmp5:
0x20f: {  	_ = 	snop;
	(pc) =	sbr.rel @p1 .LBB2_7-.Ltmp5, $4  }
.Ltmp6:
0x210: {  	_ = 	snop;
	(pc) =	sbr.rel @!p1 .LBB2_10-.Ltmp6, $4  }
0x211: {  	_ =	swait.ge [sflag:s13], $0x4000  }
0x212: {  	[sflag:s13] =	ssyncset.done $0x0  }
0x213: {  	[sflag:s13] =	ssyncadd.s32 $0xFFFFC000  }
0x214: {  	_ = 	snop  }
.LBB2_4:
0x215: {  	s7 =	sshll.u32 s16, $0xC  }
0x216: {  	s7 =	sadd.s32 s8, s7  }
0x217: {  	s7 =	sshrl.u32 s7, $0x3  }
0x218: {  	s14 =	sadd.s32 s5, s7  }
0x219: {  	[tilespmem:s15], [sflag:$0x3] =	stream.linear.gather [hbm4b:s14+s15], $0x1000, $0x38;
	[tilespmem:$0x1E000] =	vst v63  }
0x21a: {  	_ =	swait.ge [sflag:s26], $0x1000  }
0x21b: {  	[sflag:s26] =	ssyncset.done $0x0  }
0x21c: {  	s7 =	sadd.s32 s6, s7;
	[sflag:s26] =	ssyncadd.s32 $0xFFFFF000  }
0x21d: {  	[tilespmem:s28], [sflag:$0x3] =	stream.linear.gather [hbm4b:s7+s15], $0x1000, $0x38;
	[tilespmem:$0x1E000] =	vst v63  }
0x21e: {  	_ =	swait.ge [sflag:s26], $0x1000  }
0x21f: {  	[sflag:s26] =	ssyncset.done $0x0  }
0x220: {  	[sflag:s26] =	ssyncadd.s32 $0xFFFFF000  }
0x221: {  	v4 =	vld [tilespmem:$0x0];
	_ =	sdelay $0x4  }
0x222: {  	v5 =	vshll.u32 v4, $0x1  }
0x223: {  	v4 =	vand.u32 $0x7, v4;
	v5 =	vand.u32 $0xFFFFFFF0, v5  }
0x224: {  	v4 =	vor.u32 v4, v5  }
0x225: {  	v5 =	vperm.xlane v4, v1;
	_ =	sdelay $0x1  }
0x226: {  	v4 =	vperm.xlane v4, v3;
	v5 =	vadd.s32 v2, v5;
	_ =	sdelay $0x1  }
0x227: {  	v4 =	vadd.s32 v2, v4;
	_ =	sdelay $0x2  }
0x228: {  	[tilespmem:s18], [sflag:$0x1] =	stream.indirect_vreg.gather [hbm4b:s1+s15], $0x80, v5, vm0, $0xb8;
	[tilespmem:$0x1E000] =	vst v63  }
0x229: {  	_ = 	snop  }
0x22a: {  	[tilespmem:s19], [sflag:$0x1] =	stream.indirect_vreg.gather [hbm4b:s1+s15], $0x80, v4, vm0, $0xb8;
	[tilespmem:$0x1E000] =	vst v63  }
0x22b: {  	v4 =	vld [tilespmem:$0x10];
	_ =	sdelay $0x4  }
0x22c: {  	v5 =	vshll.u32 v4, $0x1  }
0x22d: {  	v4 =	vand.u32 $0x7, v4;
	v5 =	vand.u32 $0xFFFFFFF0, v5  }
0x22e: {  	v4 =	vor.u32 v4, v5  }
0x22f: {  	v5 =	vperm.xlane v4, v1;
	_ =	sdelay $0x1  }
0x230: {  	v4 =	vperm.xlane v4, v3;
	v5 =	vadd.s32 v2, v5;
	_ =	sdelay $0x1  }
0x231: {  	v4 =	vadd.s32 v2, v4;
	_ =	sdelay $0x2  }
0x232: {  	[tilespmem:s20], [sflag:$0x1] =	stream.indirect_vreg.gather [hbm4b:s1+s15], $0x80, v5, vm0, $0xb8;
	[tilespmem:$0x1E000] =	vst v63  }
0x233: {  	_ = 	snop  }
0x234: {  	[tilespmem:s21], [sflag:$0x1] =	stream.indirect_vreg.gather [hbm4b:s1+s15], $0x80, v4, vm0, $0xb8;
	[tilespmem:$0x1E000] =	vst v63  }
0x235: {  	v4 =	vld [tilespmem:$0x20];
	_ =	sdelay $0x4  }
0x236: {  	v5 =	vshll.u32 v4, $0x1  }
0x237: {  	v4 =	vand.u32 $0x7, v4;
	v5 =	vand.u32 $0xFFFFFFF0, v5  }
0x238: {  	v4 =	vor.u32 v4, v5  }
0x239: {  	v5 =	vperm.xlane v4, v1;
	_ =	sdelay $0x1  }
0x23a: {  	v4 =	vperm.xlane v4, v3;
	v5 =	vadd.s32 v2, v5;
	_ =	sdelay $0x1  }
0x23b: {  	v4 =	vadd.s32 v2, v4;
	_ =	sdelay $0x2  }
0x23c: {  	[tilespmem:s22], [sflag:$0x1] =	stream.indirect_vreg.gather [hbm4b:s1+s15], $0x80, v5, vm0, $0xb8;
	[tilespmem:$0x1E000] =	vst v63  }
0x23d: {  	_ = 	snop  }
0x23e: {  	[tilespmem:s23], [sflag:$0x1] =	stream.indirect_vreg.gather [hbm4b:s1+s15], $0x80, v4, vm0, $0xb8;
	[tilespmem:$0x1E000] =	vst v63  }
0x23f: {  	v4 =	vld [tilespmem:$0x30];
	_ =	sdelay $0x4  }
0x240: {  	v5 =	vshll.u32 v4, $0x1  }
0x241: {  	v4 =	vand.u32 $0x7, v4;
	v5 =	vand.u32 $0xFFFFFFF0, v5  }
0x242: {  	v4 =	vor.u32 v4, v5  }
0x243: {  	v5 =	vperm.xlane v4, v1;
	_ =	sdelay $0x1  }
0x244: {  	v4 =	vperm.xlane v4, v3;
	v5 =	vadd.s32 v2, v5;
	_ =	sdelay $0x1  }
0x245: {  	v4 =	vadd.s32 v2, v4;
	_ =	sdelay $0x2  }
0x246: {  	[tilespmem:s24], [sflag:$0x1] =	stream.indirect_vreg.gather [hbm4b:s1+s15], $0x80, v5, vm0, $0xb8;
	[tilespmem:$0x1E000] =	vst v63  }
0x247: {  	_ = 	snop  }
0x248: {  	[tilespmem:s25], [sflag:$0x1] =	stream.indirect_vreg.gather [hbm4b:s1+s15], $0x80, v4, vm0, $0xb8;
	[tilespmem:$0x1E000] =	vst v63  }
0x249: {  	v4 =	vld [tilespmem:$0x80];
	_ =	sdelay $0x4  }
0x24a: {  	v5 =	vshll.u32 v4, $0x1  }
0x24b: {  	v4 =	vand.u32 $0x7, v4;
	v5 =	vand.u32 $0xFFFFFFF0, v5  }
0x24c: {  	v4 =	vor.u32 v4, v5  }
0x24d: {  	v5 =	vperm.xlane v4, v1;
	_ =	sdelay $0x1  }
0x24e: {  	v4 =	vperm.xlane v4, v3;
	v5 =	vadd.s32 v2, v5;
	_ =	sdelay $0x1  }
0x24f: {  	v4 =	vadd.s32 v2, v4;
	_ =	sdelay $0x2  }
0x250: {  	[tilespmem:s29], [sflag:$0x2] =	stream.indirect_vreg.gather [hbm4b:s1+s15], $0x80, v5, vm0, $0xb8;
	[tilespmem:$0x1E000] =	vst v63  }
0x251: {  	_ = 	snop  }
0x252: {  	[tilespmem:s30], [sflag:$0x2] =	stream.indirect_vreg.gather [hbm4b:s1+s15], $0x80, v4, vm0, $0xb8;
	[tilespmem:$0x1E000] =	vst v63  }
0x253: {  	v4 =	vld [tilespmem:$0x90];
	_ =	sdelay $0x4  }
0x254: {  	v5 =	vshll.u32 v4, $0x1  }
0x255: {  	v4 =	vand.u32 $0x7, v4;
	v5 =	vand.u32 $0xFFFFFFF0, v5  }
0x256: {  	v4 =	vor.u32 v4, v5  }
0x257: {  	v5 =	vperm.xlane v4, v1;
	_ =	sdelay $0x1  }
0x258: {  	v4 =	vperm.xlane v4, v3;
	v5 =	vadd.s32 v2, v5;
	_ =	sdelay $0x1  }
0x259: {  	v4 =	vadd.s32 v2, v4;
	_ =	sdelay $0x2  }
0x25a: {  	[tilespmem:s31], [sflag:$0x2] =	stream.indirect_vreg.gather [hbm4b:s1+s15], $0x80, v5, vm0, $0xb8;
	[tilespmem:$0x1E000] =	vst v63  }
0x25b: {  	_ = 	snop  }
0x25c: {  	[tilespmem:s0], [sflag:$0x2] =	stream.indirect_vreg.gather [hbm4b:s1+s15], $0x80, v4, vm0, $0xb8;
	[tilespmem:$0x1E000] =	vst v63  }
0x25d: {  	v4 =	vld [tilespmem:$0xA0];
	_ =	sdelay $0x4  }
0x25e: {  	v5 =	vshll.u32 v4, $0x1  }
0x25f: {  	v4 =	vand.u32 $0x7, v4;
	v5 =	vand.u32 $0xFFFFFFF0, v5  }
0x260: {  	v4 =	vor.u32 v4, v5  }
0x261: {  	v5 =	vperm.xlane v4, v1;
	_ =	sdelay $0x1  }
0x262: {  	v4 =	vperm.xlane v4, v3;
	v5 =	vadd.s32 v2, v5;
	_ =	sdelay $0x1  }
0x263: {  	v4 =	vadd.s32 v2, v4;
	_ =	sdelay $0x2  }
0x264: {  	[tilespmem:s3], [sflag:$0x2] =	stream.indirect_vreg.gather [hbm4b:s1+s15], $0x80, v5, vm0, $0xb8;
	[tilespmem:$0x1E000] =	vst v63  }
0x265: {  	_ = 	snop  }
0x266: {  	[tilespmem:s9], [sflag:$0x2] =	stream.indirect_vreg.gather [hbm4b:s1+s15], $0x80, v4, vm0, $0xb8;
	[tilespmem:$0x1E000] =	vst v63  }
0x267: {  	v4 =	vld [tilespmem:$0xB0];
	_ =	sdelay $0x4  }
0x268: {  	v5 =	vshll.u32 v4, $0x1  }
0x269: {  	v4 =	vand.u32 $0x7, v4;
	v5 =	vand.u32 $0xFFFFFFF0, v5  }
0x26a: {  	v4 =	vor.u32 v4, v5  }
0x26b: {  	v5 =	vperm.xlane v4, v1;
	_ =	sdelay $0x1  }
0x26c: {  	v4 =	vperm.xlane v4, v3;
	v5 =	vadd.s32 v2, v5;
	_ =	sdelay $0x1  }
0x26d: {  	v4 =	vadd.s32 v2, v4;
	_ =	sdelay $0x2  }
0x26e: {  	[tilespmem:s10], [sflag:$0x2] =	stream.indirect_vreg.gather [hbm4b:s1+s15], $0x80, v5, vm0, $0xb8;
	[tilespmem:$0x1E000] =	vst v63  }
0x26f: {  	_ = 	snop  }
0x270: {  	[tilespmem:s11], [sflag:$0x2] =	stream.indirect_vreg.gather [hbm4b:s1+s15], $0x80, v4, vm0, $0xb8;
	[tilespmem:$0x1E000] =	vst v63  }
0x271: {  	_ =	swait.ge [sflag:s12], $0x4000  }
0x272: {  	[sflag:s12] =	ssyncset.done $0x0  }
0x273: {  	s17 =	simm.s32 $0x0;
	[sflag:s12] =	ssyncadd.s32 $0xFFFFC000  }
.LBB2_5:
0x274: {  	s7 =	sshra.s32 s17, $0x2  }
0x275: {  	v4 =	vld [tilespmem:s7+$0x100];
	_ =	sdelay $0x4  }
0x276: {  	v5 =	vshll.u32 v4, $0x1  }
0x277: {  	v4 =	vand.u32 $0x7, v4;
	v5 =	vand.u32 $0xFFFFFFF0, v5  }
0x278: {  	v4 =	vor.u32 v4, v5  }
0x279: {  	v5 =	vperm.xlane v4, v1;
	_ =	sdelay $0x1  }
0x27a: {  	v4 =	vperm.xlane v4, v3;
	v5 =	vadd.s32 v2, v5;
	_ =	sdelay $0x1  }
0x27b: {  	v4 =	vadd.s32 v2, v4;
	_ =	sdelay $0x2  }
0x27c: {  	[tilespmem:s18], [sflag:$0x1] =	stream.indirect_vreg.gather [hbm4b:s1+s2], $0x80, v5, vm0, $0xb8;
	[tilespmem:$0x1E000] =	vst v63  }
0x27d: {  	_ = 	snop  }
0x27e: {  	[tilespmem:s19], [sflag:$0x1] =	stream.indirect_vreg.gather [hbm4b:s1+s2], $0x80, v4, vm0, $0xb8;
	[tilespmem:$0x1E000] =	vst v63  }
0x27f: {  	v4 =	vld [tilespmem:s7+$0x110];
	_ =	sdelay $0x4  }
0x280: {  	v5 =	vshll.u32 v4, $0x1  }
0x281: {  	v4 =	vand.u32 $0x7, v4;
	v5 =	vand.u32 $0xFFFFFFF0, v5  }
0x282: {  	v4 =	vor.u32 v4, v5  }
0x283: {  	v5 =	vperm.xlane v4, v1;
	_ =	sdelay $0x1  }
0x284: {  	v4 =	vperm.xlane v4, v3;
	v5 =	vadd.s32 v2, v5;
	_ =	sdelay $0x1  }
0x285: {  	v4 =	vadd.s32 v2, v4;
	_ =	sdelay $0x2  }
0x286: {  	[tilespmem:s20], [sflag:$0x1] =	stream.indirect_vreg.gather [hbm4b:s1+s2], $0x80, v5, vm0, $0xb8;
	[tilespmem:$0x1E000] =	vst v63  }
0x287: {  	_ = 	snop  }
0x288: {  	[tilespmem:s21], [sflag:$0x1] =	stream.indirect_vreg.gather [hbm4b:s1+s2], $0x80, v4, vm0, $0xb8;
	[tilespmem:$0x1E000] =	vst v63  }
0x289: {  	v4 =	vld [tilespmem:s7+$0x120];
	_ =	sdelay $0x4  }
0x28a: {  	v5 =	vshll.u32 v4, $0x1  }
0x28b: {  	v4 =	vand.u32 $0x7, v4;
	v5 =	vand.u32 $0xFFFFFFF0, v5  }
0x28c: {  	v4 =	vor.u32 v4, v5  }
0x28d: {  	v5 =	vperm.xlane v4, v1;
	_ =	sdelay $0x1  }
0x28e: {  	v4 =	vperm.xlane v4, v3;
	v5 =	vadd.s32 v2, v5;
	_ =	sdelay $0x1  }
0x28f: {  	v4 =	vadd.s32 v2, v4;
	_ =	sdelay $0x2  }
0x290: {  	[tilespmem:s22], [sflag:$0x1] =	stream.indirect_vreg.gather [hbm4b:s1+s2], $0x80, v5, vm0, $0xb8;
	[tilespmem:$0x1E000] =	vst v63  }
0x291: {  	_ = 	snop  }
0x292: {  	[tilespmem:s23], [sflag:$0x1] =	stream.indirect_vreg.gather [hbm4b:s1+s2], $0x80, v4, vm0, $0xb8;
	[tilespmem:$0x1E000] =	vst v63  }
0x293: {  	v4 =	vld [tilespmem:s7+$0x130];
	_ =	sdelay $0x4  }
0x294: {  	v5 =	vshll.u32 v4, $0x1  }
0x295: {  	v4 =	vand.u32 $0x7, v4;
	v5 =	vand.u32 $0xFFFFFFF0, v5  }
0x296: {  	v4 =	vor.u32 v4, v5  }
0x297: {  	v5 =	vperm.xlane v4, v1;
	_ =	sdelay $0x1  }
0x298: {  	v4 =	vperm.xlane v4, v3;
	v5 =	vadd.s32 v2, v5;
	_ =	sdelay $0x1  }
0x299: {  	v4 =	vadd.s32 v2, v4;
	_ =	sdelay $0x2  }
0x29a: {  	[tilespmem:s24], [sflag:$0x1] =	stream.indirect_vreg.gather [hbm4b:s1+s2], $0x80, v5, vm0, $0xb8;
	[tilespmem:$0x1E000] =	vst v63  }
0x29b: {  	_ = 	snop  }
0x29c: {  	[tilespmem:s25], [sflag:$0x1] =	stream.indirect_vreg.gather [hbm4b:s1+s2], $0x80, v4, vm0, $0xb8;
	[tilespmem:$0x1E000] =	vst v63  }
0x29d: {  	_ =	swait.ge [sflag:s13], $0x4000  }
0x29e: {  	[sflag:s13] =	ssyncset.done $0x0  }
0x29f: {  	[sflag:s13] =	ssyncadd.s32 $0xFFFFC000  }
0x2a0: {  	v4 =	vld [tilespmem:s7+$0x180];
	_ =	sdelay $0x4  }
0x2a1: {  	v5 =	vshll.u32 v4, $0x1  }
0x2a2: {  	v4 =	vand.u32 $0x7, v4;
	v5 =	vand.u32 $0xFFFFFFF0, v5  }
0x2a3: {  	v4 =	vor.u32 v4, v5  }
0x2a4: {  	v5 =	vperm.xlane v4, v1;
	_ =	sdelay $0x1  }
0x2a5: {  	v4 =	vperm.xlane v4, v3;
	v5 =	vadd.s32 v2, v5;
	_ =	sdelay $0x1  }
0x2a6: {  	v4 =	vadd.s32 v2, v4;
	_ =	sdelay $0x2  }
0x2a7: {  	[tilespmem:s29], [sflag:$0x2] =	stream.indirect_vreg.gather [hbm4b:s1+s2], $0x80, v5, vm0, $0xb8;
	[tilespmem:$0x1E000] =	vst v63  }
0x2a8: {  	_ = 	snop  }
0x2a9: {  	[tilespmem:s30], [sflag:$0x2] =	stream.indirect_vreg.gather [hbm4b:s1+s2], $0x80, v4, vm0, $0xb8;
	[tilespmem:$0x1E000] =	vst v63  }
0x2aa: {  	v4 =	vld [tilespmem:s7+$0x190];
	_ =	sdelay $0x4  }
0x2ab: {  	v5 =	vshll.u32 v4, $0x1  }
0x2ac: {  	v4 =	vand.u32 $0x7, v4;
	v5 =	vand.u32 $0xFFFFFFF0, v5  }
0x2ad: {  	v4 =	vor.u32 v4, v5  }
0x2ae: {  	v5 =	vperm.xlane v4, v1;
	_ =	sdelay $0x1  }
0x2af: {  	v4 =	vperm.xlane v4, v3;
	v5 =	vadd.s32 v2, v5;
	_ =	sdelay $0x1  }
0x2b0: {  	v4 =	vadd.s32 v2, v4;
	_ =	sdelay $0x2  }
0x2b1: {  	[tilespmem:s31], [sflag:$0x2] =	stream.indirect_vreg.gather [hbm4b:s1+s2], $0x80, v5, vm0, $0xb8;
	[tilespmem:$0x1E000] =	vst v63  }
0x2b2: {  	_ = 	snop  }
0x2b3: {  	[tilespmem:s0], [sflag:$0x2] =	stream.indirect_vreg.gather [hbm4b:s1+s2], $0x80, v4, vm0, $0xb8;
	[tilespmem:$0x1E000] =	vst v63  }
0x2b4: {  	v4 =	vld [tilespmem:s7+$0x1A0];
	_ =	sdelay $0x4  }
0x2b5: {  	v5 =	vshll.u32 v4, $0x1  }
0x2b6: {  	v4 =	vand.u32 $0x7, v4;
	v5 =	vand.u32 $0xFFFFFFF0, v5  }
0x2b7: {  	v4 =	vor.u32 v4, v5  }
0x2b8: {  	v5 =	vperm.xlane v4, v1;
	_ =	sdelay $0x1  }
0x2b9: {  	v4 =	vperm.xlane v4, v3;
	v5 =	vadd.s32 v2, v5;
	_ =	sdelay $0x1  }
0x2ba: {  	v4 =	vadd.s32 v2, v4;
	_ =	sdelay $0x2  }
0x2bb: {  	[tilespmem:s3], [sflag:$0x2] =	stream.indirect_vreg.gather [hbm4b:s1+s2], $0x80, v5, vm0, $0xb8;
	[tilespmem:$0x1E000] =	vst v63  }
0x2bc: {  	_ = 	snop  }
0x2bd: {  	[tilespmem:s9], [sflag:$0x2] =	stream.indirect_vreg.gather [hbm4b:s1+s2], $0x80, v4, vm0, $0xb8;
	[tilespmem:$0x1E000] =	vst v63  }
0x2be: {  	v4 =	vld [tilespmem:s7+$0x1B0];
	_ =	sdelay $0x4  }
0x2bf: {  	v5 =	vshll.u32 v4, $0x1  }
0x2c0: {  	v4 =	vand.u32 $0x7, v4;
	v5 =	vand.u32 $0xFFFFFFF0, v5  }
0x2c1: {  	v4 =	vor.u32 v4, v5  }
0x2c2: {  	v5 =	vperm.xlane v4, v1;
	_ =	sdelay $0x1  }
0x2c3: {  	v4 =	vperm.xlane v4, v3;
	v5 =	vadd.s32 v2, v5;
	_ =	sdelay $0x1  }
0x2c4: {  	v4 =	vadd.s32 v2, v4;
	_ =	sdelay $0x1  }
0x2c5: {  	p1 =	sne.s32 s17, $0x3800  }
0x2c6: {  	[tilespmem:s10], [sflag:$0x2] =	stream.indirect_vreg.gather [hbm4b:s1+s2], $0x80, v5, vm0, $0xb8;
	[tilespmem:$0x1E000] =	vst v63  }
.Ltmp7:
0x2c7: {  	_ = 	snop;
	(pc) =	sbr.rel @p1 .LBB2_5-.Ltmp7, $4  }
0x2c8: {  	[tilespmem:s11], [sflag:$0x2] =	stream.indirect_vreg.gather [hbm4b:s1+s2], $0x80, v4, vm0, $0xb8;
	[tilespmem:$0x1E000] =	vst v63  }
0x2c9: {  	_ =	swait.ge [sflag:s12], $0x4000  }
0x2ca: {  	[sflag:s12] =	ssyncset.done $0x0  }
0x2cb: {  	s17 =	sadd.s32 $0x400, s17;
	[sflag:s12] =	ssyncadd.s32 $0xFFFFC000  }
0x2cc: {  	s16 =	sadd.s32 $0x1, s16  }
0x2cd: {  	p1 =	seq.s32 s16, $0x5  }
.Ltmp8:
0x2ce: {  	_ = 	snop;
	(pc) =	sbr.rel @!p1 .LBB2_4-.Ltmp8, $4  }
.Ltmp9:
0x2cf: {  	_ = 	snop;
	(pc) =	sbr.rel @p1 .LBB2_10-.Ltmp9, $4  }
0x2d0: {  	_ =	swait.ge [sflag:s13], $0x4000  }
0x2d1: {  	[sflag:s13] =	ssyncset.done $0x0  }
0x2d2: {  	[sflag:s13] =	ssyncadd.s32 $0xFFFFC000  }
0x2d3: {  	_ = 	snop  }
.LBB2_11:
0x2d4: {  	_ =	sfence.sel $0x180000  }
0x2d5: {  	[bflag:$0x0] =	sbarrier.arrive $0xFFFF  }
0x2d6: {  	_ =	strace $0x90000047  }
0x2d7: {  	s0 =	stileid.u32;
	[bflag:$0x2] =	sbarrier.arrive $0xFFFF  }
0x2d8: {  	p0 =	sne.s32 s0, $0x0;
	s0 =	rddreg [dreg:$0x3]  }
0x2d9: {  	s0 =	sadd.s32 @!p0 $0x100000, s0  }
0x2da: {  	[sflag:s0] =	ssyncadd.tile.s32 @!p0 $0x1;
	_ =	shalt  }
.Lfunc_end2:
_tile_overlayer_lowered:
.L_overlay_start_2:
0x2db: {  	(tag) =	ssettag $0x2  }
0x2dc: {  	s0 =	rddreg [dreg:$0x0];
	s2 =	stileid.u32  }
0x2dd: {  	s1 =	rddreg [dreg:$0x1];
	p0 =	sne.s32 s2, $0x0  }
0x2de: {  	s3 =	rddreg [dreg:$0x2];
	[bflag:$0x3] =	sbarrier.arrive $0xFFFF;
	s2 =	simm.s32 @!p0 $0x1C03  }
0x2df: {  	[timem:s3], [sflag:s2] =	dma.local @!p0 [hbm:s0], s1  }
0x2e0: {  	s0 =	simm.s32 @!p0 $0x3  }
0x2e1: {  	_ =	swait.ge @!p0 [sflag:s0], s1  }
0x2e2: {  	s1 =	ssub.s32 @!p0 $0x0, s1;
	[sflag:s0] =	ssyncset.done @!p0 $0x0  }
0x2e3: {  	[sflag:s0] =	ssyncadd.s32 @!p0 s1  }
0x2e4: {  	[bflag:$0x3] =	sbarrier.arrive $0xFFFF  }
0x2e5: {  	_ =	shalt  }

// kernel: kernel.9.cloned.1.call-start
scs
__scs_entry_jumppad:
0x0: {  	(pc) =	sbr.rel $0x88, $3  }
0x1: {  	(tag) =	ssettag $0x0;
	lr =	simm.s32 $0x1  }
0x2: {  	[smem:$0x3F9B] =	sst lr;
	_ =	strace $0xD0000000  }
0x3: {  	_ = 	snop  }
0x4: {  	_ = 	snop  }
0x5: {  	_ = 	snop  }
0x6: {  	_ = 	snop  }
0x7: {  	_ = 	snop  }
__scs_overlays_trampoline_lowered:
0x8: {  	[smem:$0x3FAA] =	sst s0  }
0x9: {  	[smem:$0x3FAB] =	sst s1  }
0xa: {  	[smem:$0x3FAC] =	sst s2  }
0xb: {  	[smem:$0x3FAD] =	sst s3  }
0xc: {  	[smem:$0x3FAE] =	sst s4  }
0xd: {  	[smem:$0x3FAF] =	sst s5  }
0xe: {  	[smem:$0x3FB0] =	sst s6  }
0xf: {  	[smem:$0x3FB1] =	sst s7  }
0x10: {  	[smem:$0x3FB2] =	sst s8  }
0x11: {  	[smem:$0x3FB3] =	sst s9;
	s0 =	simm.s32 @!p0 $0x0  }
0x12: {  	s1 =	sld [smem:$0x3F99];
	s0 =	simm.s32 @p0 $0x1  }
0x13: {  	[smem:$0x3FB4] =	sst s0;
	s0 =	simm.s32 @!p1 $0x0  }
0x14: {  	s2 =	sld [smem:$0x3F98];
	s0 =	simm.s32 @p1 $0x1  }
0x15: {  	[smem:$0x3FB5] =	sst s0;
	s0 =	simm.s32 @!p2 $0x0  }
0x16: {  	s3 =	sld [smem:$0x3FDB];
	s0 =	simm.s32 @p2 $0x1  }
0x17: {  	s4 =	simm.s32 $0x1BF5;
	[smem:$0x3FB7] =	sst s0  }
0x18: {  	s0 =	sld [smem:$0x3F9A];
	_ =	swait.ge [sflag:s4], $0x0  }
0x19: {  	s7 =	sld [smem:$0x3F9B]  }
0x1a: {  	s8 =	sadd.s32 $0xFFFFE003, lr  }
0x1b: {  	s9 =	sadd.s32 $0xFFFFFEF7, lr;
	s5 =	simm.s32 $0xFFFFFFFF;
	p2 =	slt.u32 s8, $0xFFFFF086  }
0x1c: {  	p1 =	slt.u32 s9, $0xF7A;
	s5 =	simm.s32 @!p2 $0x0  }
0x1d: {  	s5 =	simm.s32 @p1 $0x1;
	p0 =	seq.s32 s7, s2  }
0x1e: {  	s7 =	smul.u32 @!p0 $0xF7A, s2;
	p2 =	seq.s32 @!p0 s5, $0x0  }
0x1f: {  	s9 =	smul.u32 $0xF7A, s1;
	s8 =	simm.s32 @!p0 $0x1BF5;
	p2 =	por !p2, p0  }
0x20: {  	[sflag:s8] =	ssyncset.s32 @!p0 $0xFFFFF086;
	s6 =	sadd.s32 @!p0 s3, s7;
	s7 =	simm.s32 @!p0 $0x108  }
0x21: {  	s3 =	sadd.s32 s3, s9;
	s6 =	sadd.s32 @!p0 $0x88, s6;
	s7 =	simm.s32 @p2 $0x1082  }
0x22: {  	[simem:s7], [sflag:s8] =	dma.local @!p0 [hbm:s6], $0xF7A  }
0x23: {  	s9 =	sor.u32 $0xD0000000, s2;
	s6 =	simm.s32 $0x108;
	_ =	swait.ge @!p0 [sflag:s8], $0x0  }
0x24: {  	s3 =	sadd.s32 $0x88, s3;
	s6 =	simm.s32 @!p1 $0x1082;
	[sflag:s4] =	ssyncset.s32 $0xFFFFF086  }
0x25: {  	[simem:s6], [sflag:s4] =	dma.local [hbm:s3], $0xF7A  }
0x26: {  	[smem:$0x3F9B] =	sst s1;
	(tag) =	ssettag s2;
	_ =	strace s9  }
0x27: {  	s1 =	sld [smem:$0x3FAB]  }
0x28: {  	s2 =	sld [smem:$0x3FAC]  }
0x29: {  	s4 =	sld [smem:$0x3FAE]  }
0x2a: {  	p0 =	seq.s32 s5, $0x0;
	s5 =	sld [smem:$0x3FAF]  }
0x2b: {  	s6 =	sld [smem:$0x3FB0]  }
0x2c: {  	s7 =	sld [smem:$0x3FB1]  }
0x2d: {  	s3 =	simm.s32 $0x108;
	s8 =	sld [smem:$0x3FB2]  }
0x2e: {  	s3 =	simm.s32 @!p0 $0x1082;
	s9 =	sld [smem:$0x3FB3]  }
0x2f: {  	lr =	sadd.s32 s0, s3;
	s0 =	sld [smem:$0x3FAA]  }
0x30: {  	s3 =	sld [smem:$0x3FAD]  }
0x31: {  	[smem:$0x3FB6] =	sst s10  }
0x32: {  	s10 =	sld [smem:$0x3FB4];
	_ =	sdelay $0x3  }
0x33: {  	p0 =	seq.s32 s10, $0x1;
	s10 =	sld [smem:$0x3FB6];
	_ =	sdelay $0x3  }
0x34: {  	[smem:$0x3FB6] =	sst s10  }
0x35: {  	s10 =	sld [smem:$0x3FB5];
	_ =	sdelay $0x3  }
0x36: {  	p1 =	seq.s32 s10, $0x1;
	s10 =	sld [smem:$0x3FB6];
	_ =	sdelay $0x3  }
0x37: {  	[smem:$0x3FB6] =	sst s10  }
0x38: {  	s10 =	sld [smem:$0x3FB7]  }
0x39: {  	_ = 	snop;
	(pc) =	sbr.ind lr, $3  }
0x3a: {  	_ = 	snop  }
0x3b: {  	_ = 	snop  }
0x3c: {  	p2 =	seq.s32 s10, $0x1;
	s10 =	sld [smem:$0x3FB6]  }
0x3d: {  	_ =	shalt  }
0x3e: {  	_ =	shalt  }
0x3f: {  	_ =	shalt  }
0x40: {  	_ =	shalt  }
0x41: {  	_ =	shalt  }
0x42: {  	_ =	shalt  }
0x43: {  	_ =	shalt  }
0x44: {  	_ =	shalt  }
0x45: {  	_ =	shalt  }
0x46: {  	_ =	shalt  }
0x47: {  	_ =	shalt  }
0x48: {  	_ =	shalt  }
0x49: {  	_ =	shalt  }
0x4a: {  	_ =	shalt  }
0x4b: {  	_ =	shalt  }
0x4c: {  	_ =	shalt  }
0x4d: {  	_ =	shalt  }
0x4e: {  	_ =	shalt  }
0x4f: {  	_ =	shalt  }
0x50: {  	_ =	shalt  }
0x51: {  	_ =	shalt  }
0x52: {  	_ =	shalt  }
0x53: {  	_ =	shalt  }
0x54: {  	_ =	shalt  }
0x55: {  	_ =	shalt  }
0x56: {  	_ =	shalt  }
0x57: {  	_ =	shalt  }
0x58: {  	_ =	shalt  }
0x59: {  	_ =	shalt  }
0x5a: {  	_ =	shalt  }
0x5b: {  	_ =	shalt  }
0x5c: {  	_ =	shalt  }
0x5d: {  	_ =	shalt  }
0x5e: {  	_ =	shalt  }
0x5f: {  	_ =	shalt  }
0x60: {  	_ =	shalt  }
0x61: {  	_ =	shalt  }
0x62: {  	_ =	shalt  }
0x63: {  	_ =	shalt  }
0x64: {  	_ =	shalt  }
0x65: {  	_ =	shalt  }
0x66: {  	_ =	shalt  }
0x67: {  	_ =	shalt  }
0x68: {  	_ =	shalt  }
0x69: {  	_ =	shalt  }
0x6a: {  	_ =	shalt  }
0x6b: {  	_ =	shalt  }
0x6c: {  	_ =	shalt  }
0x6d: {  	_ =	shalt  }
0x6e: {  	_ =	shalt  }
0x6f: {  	_ =	shalt  }
0x70: {  	_ =	shalt  }
0x71: {  	_ =	shalt  }
0x72: {  	_ =	shalt  }
0x73: {  	_ =	shalt  }
0x74: {  	_ =	shalt  }
0x75: {  	_ =	shalt  }
0x76: {  	_ =	shalt  }
0x77: {  	_ =	shalt  }
0x78: {  	_ =	shalt  }
0x79: {  	_ =	shalt  }
0x7a: {  	_ =	shalt  }
0x7b: {  	_ =	shalt  }
0x7c: {  	_ =	shalt  }
0x7d: {  	_ =	shalt  }
0x7e: {  	_ =	shalt  }
0x7f: {  	_ =	shalt  }
0x80: {  	_ =	shalt  }
0x81: {  	_ =	shalt  }
0x82: {  	_ =	shalt  }
0x83: {  	_ =	shalt  }
0x84: {  	_ =	shalt  }
0x85: {  	_ =	shalt  }
0x86: {  	_ =	shalt  }
0x87: {  	_ =	shalt  }
.Lfunc_end0:
.L_simem_size_0:
called_computation.1_lowered:
.L_overlay_start_0:
0x88: {  	s2 =	sld [smem:$0x3FD9]  }
0x89: {  	s3 =	sld [smem:$0x3FFE];
	_ =	sdelay $0x1  }
0x8a: {  	s1 =	srdreg.scid  }
0x8b: {  	s0 =	sand.u32 $0x1, s1  }
0x8c: {  	s17 =	sshll.u32 s0, $0xA;
	s2 =	sadd.s32 s3, s2  }
0x8d: {  	s2 =	sadd.s32 s2, s17  }
0x8e: {  	[smem:$0x3FC2] =	sst s2  }
0x8f: {  	_ = 	snop  }
0x90: {  	s2 =	sld [smem:$0x3FD0];
	(tm) =	ssettm $0x1  }
0x91: {  	s18 =	sld [smem:$0x3FFB];
	_ =	sdelay $0x3  }
0x92: {  	_ =	strace s18  }
0x93: {  	s3 =	sld [smem:$0x3FFC];
	_ =	sdelay $0x3  }
0x94: {  	_ =	strace s3  }
0x95: {  	s3 =	sld [smem:$0x3FFD];
	_ =	sdelay $0x3  }
0x96: {  	_ =	strace s3  }
0x97: {  	_ =	strace $0x8FFFFFFF  }
0x98: {  	s19 =	sld [smem:$0x3FDB];
	_ =	sdelay $0x1  }
0x99: {  	s4 =	simm.s32 $_scs_section_size  }
0x9a: {  	s5 =	simm.s32 $_size__tile_overlayer_lowered;
	s6 =	simm.s32 $_tile_overlayer_lowered  }
0x9b: {  	s22 =	simm.s32 $0x1BFF;
	s21 =	sshll.u32 s6, $0x1;
	s3 =	sadd.s32 s4, s19  }
0x9c: {  	s7 =	simm.s32 $0x0;
	s20 =	sshll.u32 s5, $0x1;
	s5 =	sadd.s32 s21, s3  }
0x9d: {  	[timem:s7], [sflag:s22] =	dma.local [hbm:s5], s20  }
0x9e: {  	_ =	swait.ge [sflag:s22], s20  }
0x9f: {  	s4 =	ssub.s32 $0x0, s20;
	[sflag:s22] =	ssyncset.done $0x0  }
0xa0: {  	[sflag:s22] =	ssyncadd.s32 s4;
	_ =	sdelay $0x1  }
0xa1: {  	s23 =	simm.s32 $0x1B8B  }
0xa2: {  	_ =	swait.ge [sflag:s23], $0x1  }
0xa3: {  	[sflag:s23] =	ssyncset.done $0x0  }
0xa4: {  	s25 =	simm.s32 $0x1B8E;
	s24 =	sld [smem:$0x3FFE];
	[sflag:s23] =	ssyncadd.s32 $0xFFFFFFFF  }
0xa5: {  	s26 =	simm.s32 $execute0_lowered;
	[smem:$0x3FD2] =	sst s25  }
0xa6: {  	s5 =	sshll.u32 s26, $0x1;
	_ =	strace $0x80000049;
	[dreg:$0x1] =	wrdreg $0xFFFFFFFF  }
0xa7: {  	s28 =	simm.s32 $_size_execute0_lowered;
	s3 =	sadd.s32 s3, s5;
	[dreg:$0x0] =	wrdreg $0x0  }
0xa8: {  	s5 =	sshll.u32 s28, $0x1;
	[dreg:$0x2] =	wrdreg s3  }
0xa9: {  	[dreg:$0x3] =	wrdreg s5  }
0xaa: {  	[dreg:$0x4] =	wrdreg $0xC0  }
0xab: {  	_ =	task [dreg:s7], $0x5FFFF  }
0xac: {  	[dreg:$0x1] =	wrdreg $0xFFFFFFFF  }
0xad: {  	[dreg:$0x0] =	wrdreg $0x60  }
0xae: {  	[dreg:$0x2] =	wrdreg s2  }
0xaf: {  	[dreg:$0x3] =	wrdreg s24  }
0xb0: {  	[dreg:$0x4] =	wrdreg $0xA0000  }
0xb1: {  	[dreg:$0x5] =	wrdreg $0x9  }
0xb2: {  	_ =	task.clear_ibuf [dreg:s7], $0x6FFFF;
	_ =	strace $0x90000049  }
0xb3: {  	s29 =	simm.s32 $0x9;
	_ =	strace $0x8000004B  }
0xb4: {  	_ =	swait.ge [sflag:s29], $0x1  }
0xb5: {  	[sflag:s29] =	ssyncadd.s32 $0xFFFFFFFF  }
0xb6: {  	_ =	strace $0x9000004B  }
0xb7: {  	_ =	sfence  }
0xb8: {  	s30 =	sld [smem:$0x0];
	_ =	sdelay $0x2  }
0xb9: {  	s31 =	sshll.u32 s1, $0xD;
	s1 =	sshrl.u32 s1, $0x2  }
0xba: {  	s3 =	sand.u32 $0x4000, s31;
	s1 =	sadd.s32 s1, s30  }
0xbb: {  	s0 =	sor.u32 s3, s0;
	s1 =	sshll.u32 s1, $0x11  }
0xbc: {  	s0 =	sor.u32 s1, s0  }
0xbd: {  	s0 =	sadd.s32 $0x8F2B, s0  }
0xbe: {  	[sflag:s0] =	ssyncadd.remote.s32 $0x1  }
0xbf: {  	_ =	sfence.sel $0xFFFF  }
0xc0: {  	[dreg:$0x0] =	wrdreg $0xFFFFFFFF;
	(pc) =	sbr.abs _section_cstart, $3  }
0xc1: {  	[dreg:$0x1] =	wrdreg $0xFFFFFFFF  }
0xc2: {  	_ =	task.clear_ibuf [dreg:s7], $0x2FFFF;
	_ =	strace $0x9FFFFFFF  }
0xc3: {  	(tm) =	ssettm $0x7FFFFFFF  }
tec
execute0_lowered:
.L_overlay_start_1:
0x0: {  	(tag) =	ssettag $0x1  }
0x1: {  	s1 =	rddreg [dreg:$0x0]  }
0x2: {  	s4 =	srdreg.scid;
	s11 =	stileid.u32  }
0x3: {  	s0 =	rddreg [dreg:$0x1];
	s7 =	sand.u32 $0x1, s4;
	s9 =	smul.u32 $0x50000, s11  }
0x4: {  	s3 =	rddreg [dreg:$0x2];
	s10 =	ssub.s32 $0x2, s7  }
0x5: {  	s2 =	simm.s32 $0x0;
	s19 =	sshrl.u32 s10, $0x1;
	s9 =	sshrl.u32 s9, $0x2  }
0x6: {  	[smem:$0x7FF] =	sst s2;
	s10 =	ssub.s32 s10, s19;
	s9 =	sadd.s32 s9, s3  }
0x7: {  	_ =	strace $0x8000004A;
	s21 =	smax.u32 s10, $0x1;
	[dreg:$0x4] =	wrdreg s9  }
0x8: {  	s4 =	sadd.s32 $0x15400, s0;
	s22 =	sadd.s32 $0x400, s9;
	[dreg:$0x5] =	wrdreg s21  }
0x9: {  	s5 =	sadd.s32 $0x1400, s0;
	s23 =	sadd.s32 $0x800, s9;
	[dreg:$0x6] =	wrdreg s22  }
0xa: {  	s6 =	sadd.s32 $0xB400, s0;
	s24 =	sadd.s32 $0xC00, s9;
	[dreg:$0x7] =	wrdreg s23  }
0xb: {  	s8 =	smul.u32 $0x28000, s7;
	s25 =	sadd.s32 $0x1000, s9;
	[dreg:$0x8] =	wrdreg s24  }
0xc: {  	s20 =	smul.u32 $0x2800, s11;
	s26 =	sadd.s32 $0x1400, s9;
	[dreg:$0x9] =	wrdreg s25  }
0xd: {  	s0 =	sadd.s32 s8, s0;
	s10 =	sadd.s32 $0x1800, s9;
	[dreg:$0xa] =	wrdreg s26  }
0xe: {  	s8 =	smul.u32 $0x5000, s11;
	s11 =	sadd.s32 $0x1C00, s9;
	[dreg:$0xb] =	wrdreg s10  }
0xf: {  	s12 =	sadd.s32 $0x2000, s9;
	[dreg:$0xc] =	wrdreg s11  }
0x10: {  	s13 =	sadd.s32 $0x2400, s9;
	[dreg:$0xd] =	wrdreg s12  }
0x11: {  	s14 =	sadd.s32 $0x2800, s9;
	[dreg:$0xe] =	wrdreg s13  }
0x12: {  	s15 =	sadd.s32 $0x2C00, s9;
	[dreg:$0xf] =	wrdreg s14  }
0x13: {  	s16 =	sadd.s32 $0x3000, s9;
	[dreg:$0x10] =	wrdreg s15  }
0x14: {  	s17 =	sadd.s32 $0x3400, s9;
	[dreg:$0x11] =	wrdreg s16  }
0x15: {  	s18 =	sadd.s32 $0x3800, s9;
	[dreg:$0x12] =	wrdreg s17  }
0x16: {  	s19 =	sadd.s32 $0x3C00, s9;
	[dreg:$0x13] =	wrdreg s18  }
0x17: {  	p0 =	seq.s32 s7, $0x1;
	s3 =	sadd.s32 $0x5C00, s9;
	[dreg:$0x15] =	wrdreg s19  }
0x18: {  	s0 =	sadd.s32 $0x3D400, s0;
	s7 =	sadd.s32 $0x6000, s9;
	[dreg:$0x1d] =	wrdreg s3  }
0x19: {  	s0 =	sadd.s32 s20, s0;
	[dreg:$0x1e] =	wrdreg s7  }
0x1a: {  	s20 =	sadd.s32 $0x4000, s9;
	[dreg:$0x14] =	wrdreg s0  }
0x1b: {  	s21 =	sadd.s32 $0x4400, s9;
	[dreg:$0x16] =	wrdreg s20  }
0x1c: {  	s22 =	sadd.s32 $0x4800, s9;
	[dreg:$0x17] =	wrdreg s21  }
0x1d: {  	s23 =	sadd.s32 $0x4C00, s9;
	[dreg:$0x18] =	wrdreg s22  }
0x1e: {  	s24 =	sadd.s32 $0x5000, s9;
	[dreg:$0x19] =	wrdreg s23  }
0x1f: {  	s25 =	sadd.s32 $0x5400, s9;
	[dreg:$0x1a] =	wrdreg s24  }
0x20: {  	s26 =	sadd.s32 $0x5800, s9;
	[dreg:$0x1b] =	wrdreg s25  }
0x21: {  	s10 =	sadd.s32 $0x6400, s9;
	[dreg:$0x1c] =	wrdreg s26  }
0x22: {  	s11 =	sadd.s32 $0x6800, s9;
	[dreg:$0x1f] =	wrdreg s10  }
0x23: {  	s12 =	sadd.s32 $0x6C00, s9;
	[smem:$0x7C8] =	sst s11  }
0x24: {  	s13 =	sadd.s32 $0x7000, s9;
	[smem:$0x7C9] =	sst s12  }
0x25: {  	s14 =	sadd.s32 $0x7400, s9;
	[smem:$0x7CA] =	sst s13  }
0x26: {  	s15 =	sadd.s32 $0x7800, s9;
	[smem:$0x7CB] =	sst s14  }
0x27: {  	s16 =	sadd.s32 $0x7C00, s9;
	[smem:$0x7CC] =	sst s15  }
0x28: {  	s17 =	sadd.s32 $0x8000, s9;
	[smem:$0x7CD] =	sst s16  }
0x29: {  	s18 =	sadd.s32 $0x8400, s9;
	[smem:$0x7CE] =	sst s17  }
0x2a: {  	s19 =	sadd.s32 $0x8800, s9;
	[smem:$0x7CF] =	sst s18  }
0x2b: {  	s3 =	sadd.s32 $0xA800, s9;
	[smem:$0x7D0] =	sst s19  }
0x2c: {  	s7 =	sadd.s32 $0xAC00, s9;
	[smem:$0x7D8] =	sst s3  }
0x2d: {  	s20 =	sadd.s32 $0x8C00, s9;
	[smem:$0x7D9] =	sst s7  }
0x2e: {  	s21 =	sadd.s32 $0x9000, s9;
	[smem:$0x7D1] =	sst s20  }
0x2f: {  	s22 =	sadd.s32 $0x9400, s9;
	[smem:$0x7D2] =	sst s21  }
0x30: {  	s23 =	sadd.s32 $0x9800, s9;
	[smem:$0x7D3] =	sst s22  }
0x31: {  	s24 =	sadd.s32 $0x9C00, s9;
	[smem:$0x7D4] =	sst s23  }
0x32: {  	s25 =	sadd.s32 $0xA000, s9;
	[smem:$0x7D5] =	sst s24  }
0x33: {  	s26 =	sadd.s32 $0xA400, s9;
	[smem:$0x7D6] =	sst s25  }
0x34: {  	s10 =	sadd.s32 $0xB000, s9;
	[smem:$0x7D7] =	sst s26  }
0x35: {  	s11 =	sadd.s32 $0xB400, s9;
	[smem:$0x7DA] =	sst s10  }
0x36: {  	s12 =	sadd.s32 $0xB800, s9;
	[smem:$0x7DB] =	sst s11  }
0x37: {  	s13 =	sadd.s32 $0xBC00, s9;
	[smem:$0x7DC] =	sst s12  }
0x38: {  	s14 =	sadd.s32 $0xC000, s9;
	[smem:$0x7DD] =	sst s13  }
0x39: {  	s15 =	sadd.s32 $0xC400, s9;
	[smem:$0x7DE] =	sst s14  }
0x3a: {  	s16 =	sadd.s32 $0xC800, s9;
	[smem:$0x7DF] =	sst s15  }
0x3b: {  	s17 =	sadd.s32 $0xCC00, s9;
	[smem:$0x7E0] =	sst s16  }
0x3c: {  	s18 =	sadd.s32 $0xD000, s9;
	[smem:$0x7E1] =	sst s17  }
0x3d: {  	s19 =	sadd.s32 $0xD400, s9;
	[smem:$0x7E2] =	sst s18  }
0x3e: {  	s3 =	sadd.s32 $0xF400, s9;
	[smem:$0x7E3] =	sst s19  }
0x3f: {  	s7 =	sadd.s32 $0xF800, s9;
	[smem:$0x7EB] =	sst s3  }
0x40: {  	s20 =	sadd.s32 $0xD800, s9;
	[smem:$0x7EC] =	sst s7  }
0x41: {  	s21 =	sadd.s32 $0xDC00, s9;
	[smem:$0x7E4] =	sst s20  }
0x42: {  	s22 =	sadd.s32 $0xE000, s9;
	[smem:$0x7E5] =	sst s21  }
0x43: {  	s23 =	sadd.s32 $0xE400, s9;
	[smem:$0x7E6] =	sst s22  }
0x44: {  	s24 =	sadd.s32 $0xE800, s9;
	[smem:$0x7E7] =	sst s23  }
0x45: {  	s25 =	sadd.s32 $0xEC00, s9;
	[smem:$0x7E8] =	sst s24  }
0x46: {  	s26 =	sadd.s32 $0xF000, s9;
	[smem:$0x7E9] =	sst s25  }
0x47: {  	s10 =	sadd.s32 $0xFC00, s9;
	[smem:$0x7EA] =	sst s26  }
0x48: {  	s11 =	sadd.s32 $0x10000, s9;
	[smem:$0x7ED] =	sst s10  }
0x49: {  	s12 =	sadd.s32 $0x10400, s9;
	[smem:$0x7EE] =	sst s11  }
0x4a: {  	s13 =	sadd.s32 $0x10800, s9;
	[smem:$0x7EF] =	sst s12  }
0x4b: {  	s14 =	sadd.s32 $0x10C00, s9;
	[smem:$0x7F0] =	sst s13  }
0x4c: {  	s15 =	sadd.s32 $0x11000, s9;
	[smem:$0x7F1] =	sst s14  }
0x4d: {  	s28 =	simm.s32 $0x1000;
	s16 =	sadd.s32 $0x11400, s9;
	[smem:$0x7F2] =	sst s15  }
0x4e: {  	s29 =	simm.s32 $0x6000;
	s17 =	sadd.s32 $0x11800, s9;
	[smem:$0x7F3] =	sst s16  }
0x4f: {  	s30 =	simm.s32 $0x6800;
	s18 =	sadd.s32 $0x11C00, s9;
	[smem:$0x7F4] =	sst s17  }
0x50: {  	s31 =	simm.s32 $0x7000;
	s19 =	sadd.s32 $0x12000, s9;
	[smem:$0x7F5] =	sst s18  }
0x51: {  	s0 =	simm.s32 $0x7800;
	s3 =	simm.s32 $0x8000;
	[smem:$0x7F6] =	sst s19  }
0x52: {  	s20 =	sadd.s32 $0x12400, s9;
	s21 =	sadd.s32 $0x12800, s9;
	s22 =	sadd.s32 $0x12C00, s9  }
0x53: {  	s23 =	sadd.s32 $0x13000, s9;
	s24 =	sadd.s32 $0x13400, s9;
	[smem:$0x7F7] =	sst s20  }
0x54: {  	s25 =	sadd.s32 $0x13800, s9;
	s26 =	sadd.s32 $0x13C00, s9;
	[smem:$0x7F8] =	sst s21  }
0x55: {  	s18 =	simm.s32 $0x2000;
	s19 =	simm.s32 $0x2800;
	[smem:$0x7F9] =	sst s22  }
0x56: {  	s9 =	simm.s32 $0x8800;
	s10 =	simm.s32 $0x9000;
	[smem:$0x7FA] =	sst s23  }
.Ltmp0:
0x57: {  	s11 =	simm.s32 $0x9800;
	[smem:$0x7FB] =	sst s24;
	(pc) =	sbr.rel .LBB2_1-.Ltmp0, $4  }
0x58: {  	s12 =	simm.s32 $0x1;
	s13 =	simm.s32 $0x2;
	[smem:$0x7FC] =	sst s25  }
0x59: {  	v3 =	vlaneseq.u32;
	s14 =	simm.s32 $0x0;
	[smem:$0x7FD] =	sst s26;
	s20 =	simm.s32 $0x3000  }
0x5a: {  	v0 =	vimm.f32 $0.0e+00;
	vm0 =	vmmov $0xffff;
	v2 =	vshrl.u32 v3, $0x3;
	s21 =	simm.s32 $0x3800;
	s22 =	simm.s32 $0x4000;
	s23 =	simm.s32 $0x4800  }
0x5b: {  	v1 =	vand.u32 $0x7, v3;
	v3 =	vor.u32 $0x8, v3;
	v2 =	vmul.u32 $0x8, v2;
	s24 =	simm.s32 $0x5000;
	s25 =	simm.s32 $0x5800;
	s26 =	simm.s32 $0x3  }
.LBB2_10:
0x5c: {  	s7 =	stileid.u32;
	[bflag:$0x0] =	sbarrier.arrive $0xFFFF  }
0x5d: {  	s7 =	sshll.u32 s7, $0x6;
	s14 =	rddreg [dreg:$0x4]  }
0x5e: {  	s15 =	rddreg [dreg:$0x14];
	s7 =	sor.u32 $0x1C03, s7;
	s14 =	sshrl.u32 s14, $0x3  }
0x5f: {  	[hbm:s15], [sflag:s7] =	dma.local [spmem:s14], $0x2800  }
0x60: {  	_ =	swait.ge [sflag:s26], $0x2800  }
0x61: {  	s16 =	sld [smem:$0x7C7];
	_ =	sdelay $0x2  }
0x62: {  	s17 =	rddreg [dreg:$0x5];
	s14 =	sadd.s32 $0x1, s16  }
0x63: {  	p1 =	sne.s32 s14, s17  }
.Ltmp1:
0x64: {  	_ = 	snop;
	(pc) =	sbr.rel @!p1 .LBB2_11-.Ltmp1, $3  }
0x65: {  	_ =	sdelay $0x1  }
0x66: {  	[sflag:s26] =	ssyncset.done $0x0  }
0x67: {  	[sflag:s26] =	ssyncadd.s32 $0xFFFFD800  }
.LBB2_1:
0x68: {  	s7 =	sand.u32 $0x3800, s2;
	s16 =	sand.u32 $0x380, s2  }
0x69: {  	s7 =	sor.u32 s16, s7  }
0x6a: {  	[tilespmem:s7+$0x2470] =	vst v0  }
0x6b: {  	[tilespmem:s7+$0x2000] =	vst v0  }
0x6c: {  	[tilespmem:s7+$0x2010] =	vst v0  }
0x6d: {  	[tilespmem:s7+$0x2020] =	vst v0  }
0x6e: {  	[tilespmem:s7+$0x2030] =	vst v0  }
0x6f: {  	[tilespmem:s7+$0x2040] =	vst v0  }
0x70: {  	[tilespmem:s7+$0x2050] =	vst v0  }
0x71: {  	[tilespmem:s7+$0x2060] =	vst v0  }
0x72: {  	[tilespmem:s7+$0x2070] =	vst v0  }
0x73: {  	[tilespmem:s7+$0x2400] =	vst v0  }
0x74: {  	[tilespmem:s7+$0x2410] =	vst v0  }
0x75: {  	[tilespmem:s7+$0x2420] =	vst v0  }
0x76: {  	[tilespmem:s7+$0x2430] =	vst v0  }
0x77: {  	[smem:$0x7C7] =	sst s14;
	s17 =	simm.s32 $0x100;
	s15 =	simm.s32 $0x80;
	[tilespmem:s7+$0x2440] =	vst v0  }
0x78: {  	s17 =	sand.u32 $0x3800, s17;
	s14 =	sand.u32 $0x380, s15;
	s16 =	simm.s32 $0x200;
	[tilespmem:s7+$0x2450] =	vst v0  }
.LBB2_2:
0x79: {  	p1 =	sne.s32 s16, $0x3F00;
	[tilespmem:s7+$0x2460] =	vst v0;
	s7 =	sor.u32 s14, s17  }
0x7a: {  	[tilespmem:s7+$0x2470] =	vst v0  }
0x7b: {  	[tilespmem:s7+$0x2000] =	vst v0  }
0x7c: {  	[tilespmem:s7+$0x2010] =	vst v0  }
0x7d: {  	[tilespmem:s7+$0x2020] =	vst v0  }
0x7e: {  	[tilespmem:s7+$0x2030] =	vst v0  }
0x7f: {  	[tilespmem:s7+$0x2040] =	vst v0  }
0x80: {  	[tilespmem:s7+$0x2050] =	vst v0  }
0x81: {  	[tilespmem:s7+$0x2060] =	vst v0  }
0x82: {  	[tilespmem:s7+$0x2070] =	vst v0  }
0x83: {  	[tilespmem:s7+$0x2400] =	vst v0  }
.Ltmp2:
0x84: {  	[tilespmem:s7+$0x2410] =	vst v0;
	(pc) =	sbr.rel @p1 .LBB2_2-.Ltmp2, $4  }
0x85: {  	[tilespmem:s7+$0x2420] =	vst v0  }
0x86: {  	[tilespmem:s7+$0x2430] =	vst v0  }
0x87: {  	s15 =	sadd.s32 $0x80, s15;
	[tilespmem:s7+$0x2440] =	vst v0  }
0x88: {  	s17 =	sand.u32 $0x3800, s16;
	s16 =	sadd.s32 $0x100, s16;
	s14 =	sand.u32 $0x380, s15;
	[tilespmem:s7+$0x2450] =	vst v0  }
0x89: {  	s14 =	sor.u32 s14, s17;
	[tilespmem:s7+$0x2460] =	vst v0  }
0x8a: {  	[tilespmem:s14+$0x2470] =	vst v0  }
0x8b: {  	[tilespmem:s14+$0x2000] =	vst v0  }
0x8c: {  	[tilespmem:s14+$0x2010] =	vst v0  }
0x8d: {  	[tilespmem:s14+$0x2020] =	vst v0  }
0x8e: {  	[tilespmem:s14+$0x2030] =	vst v0  }
0x8f: {  	[tilespmem:s14+$0x2040] =	vst v0  }
0x90: {  	[tilespmem:s14+$0x2050] =	vst v0  }
0x91: {  	[tilespmem:s14+$0x2060] =	vst v0  }
0x92: {  	[tilespmem:s14+$0x2070] =	vst v0  }
0x93: {  	[tilespmem:s14+$0x2400] =	vst v0  }
0x94: {  	[tilespmem:s14+$0x2410] =	vst v0  }
0x95: {  	[tilespmem:s14+$0x2420] =	vst v0  }
0x96: {  	[tilespmem:s14+$0x2430] =	vst v0  }
0x97: {  	[tilespmem:s14+$0x2440] =	vst v0  }
0x98: {  	[tilespmem:s14+$0x2450] =	vst v0  }
0x99: {  	[tilespmem:s14+$0x2460] =	vst v0;
	s14 =	rddreg [dreg:$0x4]  }
0x9a: {  	[spmem:s14] =	stream.linear.scatter [tilespmem:s18], [sflag:$0x3], $0x400, $0x38;
	[tilespmem:$0x1E000] =	vst v63  }
0x9b: {  	s15 =	rddreg [dreg:$0x6]  }
0x9c: {  	[spmem:s15] =	stream.linear.scatter [tilespmem:s19], [sflag:$0x3], $0x400, $0x38;
	[tilespmem:$0x1E000] =	vst v63  }
0x9d: {  	s16 =	rddreg [dreg:$0x7]  }
0x9e: {  	[spmem:s16] =	stream.linear.scatter [tilespmem:s20], [sflag:$0x3], $0x400, $0x38;
	[tilespmem:$0x1E000] =	vst v63  }
0x9f: {  	s17 =	rddreg [dreg:$0x8]  }
0xa0: {  	[spmem:s17] =	stream.linear.scatter [tilespmem:s21], [sflag:$0x3], $0x400, $0x38;
	[tilespmem:$0x1E000] =	vst v63  }
0xa1: {  	s14 =	rddreg [dreg:$0x9]  }
0xa2: {  	[spmem:s14] =	stream.linear.scatter [tilespmem:s22], [sflag:$0x3], $0x400, $0x38;
	[tilespmem:$0x1E000] =	vst v63  }
0xa3: {  	s15 =	rddreg [dreg:$0xa]  }
0xa4: {  	[spmem:s15] =	stream.linear.scatter [tilespmem:s23], [sflag:$0x3], $0x400, $0x38;
	[tilespmem:$0x1E000] =	vst v63  }
0xa5: {  	s16 =	rddreg [dreg:$0xb]  }
0xa6: {  	[spmem:s16] =	stream.linear.scatter [tilespmem:s24], [sflag:$0x3], $0x400, $0x38;
	[tilespmem:$0x1E000] =	vst v63  }
0xa7: {  	s17 =	rddreg [dreg:$0xc]  }
0xa8: {  	[spmem:s17] =	stream.linear.scatter [tilespmem:s25], [sflag:$0x3], $0x400, $0x38;
	[tilespmem:$0x1E000] =	vst v63  }
0xa9: {  	_ =	swait.ge [sflag:s26], $0x2000  }
0xaa: {  	[sflag:s26] =	ssyncset.done $0x0  }
0xab: {  	s14 =	rddreg [dreg:$0xd];
	[sflag:s26] =	ssyncadd.s32 $0xFFFFE000  }
0xac: {  	[spmem:s14] =	stream.linear.scatter [tilespmem:s18], [sflag:$0x3], $0x400, $0x38;
	[tilespmem:$0x1E000] =	vst v63  }
0xad: {  	s15 =	rddreg [dreg:$0xe]  }
0xae: {  	[spmem:s15] =	stream.linear.scatter [tilespmem:s19], [sflag:$0x3], $0x400, $0x38;
	[tilespmem:$0x1E000] =	vst v63  }
0xaf: {  	s16 =	rddreg [dreg:$0xf]  }
0xb0: {  	[spmem:s16] =	stream.linear.scatter [tilespmem:s20], [sflag:$0x3], $0x400, $0x38;
	[tilespmem:$0x1E000] =	vst v63  }
0xb1: {  	s17 =	rddreg [dreg:$0x10]  }
0xb2: {  	[spmem:s17] =	stream.linear.scatter [tilespmem:s21], [sflag:$0x3], $0x400, $0x38;
	[tilespmem:$0x1E000] =	vst v63  }
0xb3: {  	s14 =	rddreg [dreg:$0x11]  }
0xb4: {  	[spmem:s14] =	stream.linear.scatter [tilespmem:s22], [sflag:$0x3], $0x400, $0x38;
	[tilespmem:$0x1E000] =	vst v63  }
0xb5: {  	s15 =	rddreg [dreg:$0x12]  }
0xb6: {  	[spmem:s15] =	stream.linear.scatter [tilespmem:s23], [sflag:$0x3], $0x400, $0x38;
	[tilespmem:$0x1E000] =	vst v63  }
0xb7: {  	s16 =	rddreg [dreg:$0x13]  }
0xb8: {  	[spmem:s16] =	stream.linear.scatter [tilespmem:s24], [sflag:$0x3], $0x400, $0x38;
	[tilespmem:$0x1E000] =	vst v63  }
0xb9: {  	s17 =	rddreg [dreg:$0x15]  }
0xba: {  	[spmem:s17] =	stream.linear.scatter [tilespmem:s25], [sflag:$0x3], $0x400, $0x38;
	[tilespmem:$0x1E000] =	vst v63  }
0xbb: {  	_ =	swait.ge [sflag:s26], $0x2000  }
0xbc: {  	[sflag:s26] =	ssyncset.done $0x0  }
0xbd: {  	s14 =	rddreg [dreg:$0x16];
	[sflag:s26] =	ssyncadd.s32 $0xFFFFE000  }
0xbe: {  	[spmem:s14] =	stream.linear.scatter [tilespmem:s18], [sflag:$0x3], $0x400, $0x38;
	[tilespmem:$0x1E000] =	vst v63  }
0xbf: {  	s15 =	rddreg [dreg:$0x17]  }
0xc0: {  	[spmem:s15] =	stream.linear.scatter [tilespmem:s19], [sflag:$0x3], $0x400, $0x38;
	[tilespmem:$0x1E000] =	vst v63  }
0xc1: {  	s16 =	rddreg [dreg:$0x18]  }
0xc2: {  	[spmem:s16] =	stream.linear.scatter [tilespmem:s20], [sflag:$0x3], $0x400, $0x38;
	[tilespmem:$0x1E000] =	vst v63  }
0xc3: {  	s17 =	rddreg [dreg:$0x19]  }
0xc4: {  	[spmem:s17] =	stream.linear.scatter [tilespmem:s21], [sflag:$0x3], $0x400, $0x38;
	[tilespmem:$0x1E000] =	vst v63  }
0xc5: {  	s14 =	rddreg [dreg:$0x1a]  }
0xc6: {  	[spmem:s14] =	stream.linear.scatter [tilespmem:s22], [sflag:$0x3], $0x400, $0x38;
	[tilespmem:$0x1E000] =	vst v63  }
0xc7: {  	s15 =	rddreg [dreg:$0x1b]  }
0xc8: {  	[spmem:s15] =	stream.linear.scatter [tilespmem:s23], [sflag:$0x3], $0x400, $0x38;
	[tilespmem:$0x1E000] =	vst v63  }
0xc9: {  	s16 =	rddreg [dreg:$0x1c]  }
0xca: {  	[spmem:s16] =	stream.linear.scatter [tilespmem:s24], [sflag:$0x3], $0x400, $0x38;
	[tilespmem:$0x1E000] =	vst v63  }
0xcb: {  	s17 =	rddreg [dreg:$0x1d]  }
0xcc: {  	[spmem:s17] =	stream.linear.scatter [tilespmem:s25], [sflag:$0x3], $0x400, $0x38;
	[tilespmem:$0x1E000] =	vst v63  }
0xcd: {  	_ =	swait.ge [sflag:s26], $0x2000  }
0xce: {  	[sflag:s26] =	ssyncset.done $0x0;
	s14 =	rddreg [dreg:$0x1e]  }
0xcf: {  	s15 =	rddreg [dreg:$0x1f];
	[sflag:s26] =	ssyncadd.s32 $0xFFFFE000  }
0xd0: {  	[spmem:s14] =	stream.linear.scatter [tilespmem:s18], [sflag:$0x3], $0x400, $0x38;
	[tilespmem:$0x1E000] =	vst v63  }
0xd1: {  	s16 =	sld [smem:$0x7C8]  }
0xd2: {  	[spmem:s15] =	stream.linear.scatter [tilespmem:s19], [sflag:$0x3], $0x400, $0x38;
	[tilespmem:$0x1E000] =	vst v63  }
0xd3: {  	s17 =	sld [smem:$0x7C9]  }
0xd4: {  	[spmem:s16] =	stream.linear.scatter [tilespmem:s20], [sflag:$0x3], $0x400, $0x38;
	[tilespmem:$0x1E000] =	vst v63  }
0xd5: {  	s14 =	sld [smem:$0x7CA]  }
0xd6: {  	[spmem:s17] =	stream.linear.scatter [tilespmem:s21], [sflag:$0x3], $0x400, $0x38;
	[tilespmem:$0x1E000] =	vst v63  }
0xd7: {  	s15 =	sld [smem:$0x7CB]  }
0xd8: {  	[spmem:s14] =	stream.linear.scatter [tilespmem:s22], [sflag:$0x3], $0x400, $0x38;
	[tilespmem:$0x1E000] =	vst v63  }
0xd9: {  	s16 =	sld [smem:$0x7CC]  }
0xda: {  	[spmem:s15] =	stream.linear.scatter [tilespmem:s23], [sflag:$0x3], $0x400, $0x38;
	[tilespmem:$0x1E000] =	vst v63  }
0xdb: {  	s17 =	sld [smem:$0x7CD]  }
0xdc: {  	[spmem:s16] =	stream.linear.scatter [tilespmem:s24], [sflag:$0x3], $0x400, $0x38;
	[tilespmem:$0x1E000] =	vst v63  }
0xdd: {  	_ = 	snop  }
0xde: {  	[spmem:s17] =	stream.linear.scatter [tilespmem:s25], [sflag:$0x3], $0x400, $0x38;
	[tilespmem:$0x1E000] =	vst v63  }
0xdf: {  	_ =	swait.ge [sflag:s26], $0x2000  }
0xe0: {  	s14 =	sld [smem:$0x7CE]  }
0xe1: {  	[sflag:s26] =	ssyncset.done $0x0  }
0xe2: {  	s15 =	sld [smem:$0x7CF];
	[sflag:s26] =	ssyncadd.s32 $0xFFFFE000  }
0xe3: {  	[spmem:s14] =	stream.linear.scatter [tilespmem:s18], [sflag:$0x3], $0x400, $0x38;
	[tilespmem:$0x1E000] =	vst v63  }
0xe4: {  	s16 =	sld [smem:$0x7D0]  }
0xe5: {  	[spmem:s15] =	stream.linear.scatter [tilespmem:s19], [sflag:$0x3], $0x400, $0x38;
	[tilespmem:$0x1E000] =	vst v63  }
0xe6: {  	s17 =	sld [smem:$0x7D1]  }
0xe7: {  	[spmem:s16] =	stream.linear.scatter [tilespmem:s20], [sflag:$0x3], $0x400, $0x38;
	[tilespmem:$0x1E000] =	vst v63  }
0xe8: {  	s14 =	sld [smem:$0x7D2]  }
0xe9: {  	[spmem:s17] =	stream.linear.scatter [tilespmem:s21], [sflag:$0x3], $0x400, $0x38;
	[tilespmem:$0x1E000] =	vst v63  }
0xea: {  	s15 =	sld [smem:$0x7D3]  }
0xeb: {  	[spmem:s14] =	stream.linear.scatter [tilespmem:s22], [sflag:$0x3], $0x400, $0x38;
	[tilespmem:$0x1E000] =	vst v63  }
0xec: {  	s16 =	sld [smem:$0x7D4]  }
0xed: {  	[spmem:s15] =	stream.linear.scatter [tilespmem:s23], [sflag:$0x3], $0x400, $0x38;
	[tilespmem:$0x1E000] =	vst v63  }
0xee: {  	s17 =	sld [smem:$0x7D5]  }
0xef: {  	[spmem:s16] =	stream.linear.scatter [tilespmem:s24], [sflag:$0x3], $0x400, $0x38;
	[tilespmem:$0x1E000] =	vst v63  }
0xf0: {  	_ = 	snop  }
0xf1: {  	[spmem:s17] =	stream.linear.scatter [tilespmem:s25], [sflag:$0x3], $0x400, $0x38;
	[tilespmem:$0x1E000] =	vst v63  }
0xf2: {  	_ =	swait.ge [sflag:s26], $0x2000  }
0xf3: {  	s14 =	sld [smem:$0x7D6]  }
0xf4: {  	[sflag:s26] =	ssyncset.done $0x0  }
0xf5: {  	s15 =	sld [smem:$0x7D7];
	[sflag:s26] =	ssyncadd.s32 $0xFFFFE000  }
0xf6: {  	[spmem:s14] =	stream.linear.scatter [tilespmem:s18], [sflag:$0x3], $0x400, $0x38;
	[tilespmem:$0x1E000] =	vst v63  }
0xf7: {  	s16 =	sld [smem:$0x7D8]  }
0xf8: {  	[spmem:s15] =	stream.linear.scatter [tilespmem:s19], [sflag:$0x3], $0x400, $0x38;
	[tilespmem:$0x1E000] =	vst v63  }
0xf9: {  	s17 =	sld [smem:$0x7D9]  }
0xfa: {  	[spmem:s16] =	stream.linear.scatter [tilespmem:s20], [sflag:$0x3], $0x400, $0x38;
	[tilespmem:$0x1E000] =	vst v63  }
0xfb: {  	s14 =	sld [smem:$0x7DA]  }
0xfc: {  	[spmem:s17] =	stream.linear.scatter [tilespmem:s21], [sflag:$0x3], $0x400, $0x38;
	[tilespmem:$0x1E000] =	vst v63  }
0xfd: {  	s15 =	sld [smem:$0x7DB]  }
0xfe: {  	[spmem:s14] =	stream.linear.scatter [tilespmem:s22], [sflag:$0x3], $0x400, $0x38;
	[tilespmem:$0x1E000] =	vst v63  }
0xff: {  	s16 =	sld [smem:$0x7DC]  }
0x100: {  	[spmem:s15] =	stream.linear.scatter [tilespmem:s23], [sflag:$0x3], $0x400, $0x38;
	[tilespmem:$0x1E000] =	vst v63  }
0x101: {  	s17 =	sld [smem:$0x7DD]  }
0x102: {  	[spmem:s16] =	stream.linear.scatter [tilespmem:s24], [sflag:$0x3], $0x400, $0x38;
	[tilespmem:$0x1E000] =	vst v63  }
0x103: {  	_ = 	snop  }
0x104: {  	[spmem:s17] =	stream.linear.scatter [tilespmem:s25], [sflag:$0x3], $0x400, $0x38;
	[tilespmem:$0x1E000] =	vst v63  }
0x105: {  	_ =	swait.ge [sflag:s26], $0x2000  }
0x106: {  	s14 =	sld [smem:$0x7DE]  }
0x107: {  	[sflag:s26] =	ssyncset.done $0x0  }
0x108: {  	s15 =	sld [smem:$0x7DF];
	[sflag:s26] =	ssyncadd.s32 $0xFFFFE000  }
0x109: {  	[spmem:s14] =	stream.linear.scatter [tilespmem:s18], [sflag:$0x3], $0x400, $0x38;
	[tilespmem:$0x1E000] =	vst v63  }
0x10a: {  	s16 =	sld [smem:$0x7E0]  }
0x10b: {  	[spmem:s15] =	stream.linear.scatter [tilespmem:s19], [sflag:$0x3], $0x400, $0x38;
	[tilespmem:$0x1E000] =	vst v63  }
0x10c: {  	s17 =	sld [smem:$0x7E1]  }
0x10d: {  	[spmem:s16] =	stream.linear.scatter [tilespmem:s20], [sflag:$0x3], $0x400, $0x38;
	[tilespmem:$0x1E000] =	vst v63  }
0x10e: {  	s14 =	sld [smem:$0x7E2]  }
0x10f: {  	[spmem:s17] =	stream.linear.scatter [tilespmem:s21], [sflag:$0x3], $0x400, $0x38;
	[tilespmem:$0x1E000] =	vst v63  }
0x110: {  	s15 =	sld [smem:$0x7E3]  }
0x111: {  	[spmem:s14] =	stream.linear.scatter [tilespmem:s22], [sflag:$0x3], $0x400, $0x38;
	[tilespmem:$0x1E000] =	vst v63  }
0x112: {  	s16 =	sld [smem:$0x7E4]  }
0x113: {  	[spmem:s15] =	stream.linear.scatter [tilespmem:s23], [sflag:$0x3], $0x400, $0x38;
	[tilespmem:$0x1E000] =	vst v63  }
0x114: {  	s17 =	sld [smem:$0x7E5]  }
0x115: {  	[spmem:s16] =	stream.linear.scatter [tilespmem:s24], [sflag:$0x3], $0x400, $0x38;
	[tilespmem:$0x1E000] =	vst v63  }
0x116: {  	_ = 	snop  }
0x117: {  	[spmem:s17] =	stream.linear.scatter [tilespmem:s25], [sflag:$0x3], $0x400, $0x38;
	[tilespmem:$0x1E000] =	vst v63  }
0x118: {  	_ =	swait.ge [sflag:s26], $0x2000  }
0x119: {  	s14 =	sld [smem:$0x7E6]  }
0x11a: {  	[sflag:s26] =	ssyncset.done $0x0  }
0x11b: {  	s15 =	sld [smem:$0x7E7];
	[sflag:s26] =	ssyncadd.s32 $0xFFFFE000  }
0x11c: {  	[spmem:s14] =	stream.linear.scatter [tilespmem:s18], [sflag:$0x3], $0x400, $0x38;
	[tilespmem:$0x1E000] =	vst v63  }
0x11d: {  	s16 =	sld [smem:$0x7E8]  }
0x11e: {  	[spmem:s15] =	stream.linear.scatter [tilespmem:s19], [sflag:$0x3], $0x400, $0x38;
	[tilespmem:$0x1E000] =	vst v63  }
0x11f: {  	s17 =	sld [smem:$0x7E9]  }
0x120: {  	[spmem:s16] =	stream.linear.scatter [tilespmem:s20], [sflag:$0x3], $0x400, $0x38;
	[tilespmem:$0x1E000] =	vst v63  }
0x121: {  	s14 =	sld [smem:$0x7EA]  }
0x122: {  	[spmem:s17] =	stream.linear.scatter [tilespmem:s21], [sflag:$0x3], $0x400, $0x38;
	[tilespmem:$0x1E000] =	vst v63  }
0x123: {  	s15 =	sld [smem:$0x7EB]  }
0x124: {  	[spmem:s14] =	stream.linear.scatter [tilespmem:s22], [sflag:$0x3], $0x400, $0x38;
	[tilespmem:$0x1E000] =	vst v63  }
0x125: {  	s16 =	sld [smem:$0x7EC]  }
0x126: {  	[spmem:s15] =	stream.linear.scatter [tilespmem:s23], [sflag:$0x3], $0x400, $0x38;
	[tilespmem:$0x1E000] =	vst v63  }
0x127: {  	s17 =	sld [smem:$0x7ED]  }
0x128: {  	[spmem:s16] =	stream.linear.scatter [tilespmem:s24], [sflag:$0x3], $0x400, $0x38;
	[tilespmem:$0x1E000] =	vst v63  }
0x129: {  	_ = 	snop  }
0x12a: {  	[spmem:s17] =	stream.linear.scatter [tilespmem:s25], [sflag:$0x3], $0x400, $0x38;
	[tilespmem:$0x1E000] =	vst v63  }
0x12b: {  	_ =	swait.ge [sflag:s26], $0x2000  }
0x12c: {  	s14 =	sld [smem:$0x7EE]  }
0x12d: {  	[sflag:s26] =	ssyncset.done $0x0  }
0x12e: {  	s15 =	sld [smem:$0x7EF];
	[sflag:s26] =	ssyncadd.s32 $0xFFFFE000  }
0x12f: {  	[spmem:s14] =	stream.linear.scatter [tilespmem:s18], [sflag:$0x3], $0x400, $0x38;
	[tilespmem:$0x1E000] =	vst v63  }
0x130: {  	s16 =	sld [smem:$0x7F0]  }
0x131: {  	[spmem:s15] =	stream.linear.scatter [tilespmem:s19], [sflag:$0x3], $0x400, $0x38;
	[tilespmem:$0x1E000] =	vst v63  }
0x132: {  	s17 =	sld [smem:$0x7F1]  }
0x133: {  	[spmem:s16] =	stream.linear.scatter [tilespmem:s20], [sflag:$0x3], $0x400, $0x38;
	[tilespmem:$0x1E000] =	vst v63  }
0x134: {  	s14 =	sld [smem:$0x7F2]  }
0x135: {  	[spmem:s17] =	stream.linear.scatter [tilespmem:s21], [sflag:$0x3], $0x400, $0x38;
	[tilespmem:$0x1E000] =	vst v63  }
0x136: {  	s15 =	sld [smem:$0x7F3]  }
0x137: {  	[spmem:s14] =	stream.linear.scatter [tilespmem:s22], [sflag:$0x3], $0x400, $0x38;
	[tilespmem:$0x1E000] =	vst v63  }
0x138: {  	s16 =	sld [smem:$0x7F4]  }
0x139: {  	[spmem:s15] =	stream.linear.scatter [tilespmem:s23], [sflag:$0x3], $0x400, $0x38;
	[tilespmem:$0x1E000] =	vst v63  }
0x13a: {  	s17 =	sld [smem:$0x7F5]  }
0x13b: {  	[spmem:s16] =	stream.linear.scatter [tilespmem:s24], [sflag:$0x3], $0x400, $0x38;
	[tilespmem:$0x1E000] =	vst v63  }
0x13c: {  	_ = 	snop  }
0x13d: {  	[spmem:s17] =	stream.linear.scatter [tilespmem:s25], [sflag:$0x3], $0x400, $0x38;
	[tilespmem:$0x1E000] =	vst v63  }
0x13e: {  	_ =	swait.ge [sflag:s26], $0x2000  }
0x13f: {  	s14 =	sld [smem:$0x7F6]  }
0x140: {  	[sflag:s26] =	ssyncset.done $0x0  }
0x141: {  	s15 =	sld [smem:$0x7F7];
	[sflag:s26] =	ssyncadd.s32 $0xFFFFE000  }
0x142: {  	[spmem:s14] =	stream.linear.scatter [tilespmem:s18], [sflag:$0x3], $0x400, $0x38;
	[tilespmem:$0x1E000] =	vst v63  }
0x143: {  	s16 =	sld [smem:$0x7F8]  }
0x144: {  	[spmem:s15] =	stream.linear.scatter [tilespmem:s19], [sflag:$0x3], $0x400, $0x38;
	[tilespmem:$0x1E000] =	vst v63  }
0x145: {  	s17 =	sld [smem:$0x7F9]  }
0x146: {  	[spmem:s16] =	stream.linear.scatter [tilespmem:s20], [sflag:$0x3], $0x400, $0x38;
	[tilespmem:$0x1E000] =	vst v63  }
0x147: {  	s14 =	sld [smem:$0x7FA]  }
0x148: {  	[spmem:s17] =	stream.linear.scatter [tilespmem:s21], [sflag:$0x3], $0x400, $0x38;
	[tilespmem:$0x1E000] =	vst v63  }
0x149: {  	s15 =	sld [smem:$0x7FB]  }
0x14a: {  	[spmem:s14] =	stream.linear.scatter [tilespmem:s22], [sflag:$0x3], $0x400, $0x38;
	[tilespmem:$0x1E000] =	vst v63  }
0x14b: {  	s16 =	sld [smem:$0x7FC]  }
0x14c: {  	[spmem:s15] =	stream.linear.scatter [tilespmem:s23], [sflag:$0x3], $0x400, $0x38;
	[tilespmem:$0x1E000] =	vst v63  }
0x14d: {  	s17 =	sld [smem:$0x7FD]  }
0x14e: {  	[spmem:s16] =	stream.linear.scatter [tilespmem:s24], [sflag:$0x3], $0x400, $0x38;
	[tilespmem:$0x1E000] =	vst v63  }
0x14f: {  	_ = 	snop  }
0x150: {  	[spmem:s17] =	stream.linear.scatter [tilespmem:s25], [sflag:$0x3], $0x400, $0x38;
	[tilespmem:$0x1E000] =	vst v63  }
.Ltmp3:
0x151: {  	_ =	swait.ge [sflag:s26], $0x2000;
	(pc) =	sbr.rel @!p0 .LBB2_4-.Ltmp3, $4  }
0x152: {  	[sflag:s26] =	ssyncset.done $0x0  }
0x153: {  	[sflag:s26] =	ssyncadd.s32 $0xFFFFE000  }
0x154: {  	[bflag:$0x0] =	sbarrier.arrive $0xFFFF  }
0x155: {  	s15 =	simm.s32 $0x0;
	s16 =	simm.s32 $0x0;
	s17 =	simm.s32 $0x0  }
.LBB2_7:
0x156: {  	s7 =	sshll.u32 s17, $0xC  }
0x157: {  	s7 =	sadd.s32 s8, s7  }
0x158: {  	s7 =	sshrl.u32 s7, $0x3  }
0x159: {  	s14 =	sadd.s32 s5, s7  }
0x15a: {  	[tilespmem:s15], [sflag:$0x3] =	stream.linear.gather [hbm4b:s14+s15], $0x1000, $0x38;
	[tilespmem:$0x1E000] =	vst v63  }
0x15b: {  	_ =	swait.ge [sflag:s26], $0x1000  }
0x15c: {  	[sflag:s26] =	ssyncset.done $0x0  }
0x15d: {  	s7 =	sadd.s32 s6, s7;
	[sflag:s26] =	ssyncadd.s32 $0xFFFFF000  }
0x15e: {  	[tilespmem:s28], [sflag:$0x3] =	stream.linear.gather [hbm4b:s7+s15], $0x1000, $0x38;
	[tilespmem:$0x1E000] =	vst v63  }
0x15f: {  	_ =	swait.ge [sflag:s26], $0x1000  }
0x160: {  	[sflag:s26] =	ssyncset.done $0x0  }
0x161: {  	[sflag:s26] =	ssyncadd.s32 $0xFFFFF000  }
0x162: {  	v4 =	vld [tilespmem:$0x0];
	_ =	sdelay $0x4  }
0x163: {  	v5 =	vshll.u32 v4, $0x1  }
0x164: {  	v4 =	vand.u32 $0x7, v4;
	v5 =	vand.u32 $0xFFFFFFF0, v5  }
0x165: {  	v4 =	vor.u32 v4, v5  }
0x166: {  	v5 =	vperm.xlane v4, v1;
	_ =	sdelay $0x1  }
0x167: {  	v4 =	vperm.xlane v4, v3;
	v5 =	vadd.s32 v2, v5;
	_ =	sdelay $0x1  }
0x168: {  	v4 =	vadd.s32 v2, v4;
	_ =	sdelay $0x2  }
0x169: {  	[tilespmem:s18], [sflag:$0x1] =	stream.indirect_vreg.gather [hbm4b:s4+s15], $0x80, v5, vm0, $0xb8;
	[tilespmem:$0x1E000] =	vst v63  }
0x16a: {  	_ = 	snop  }
0x16b: {  	[tilespmem:s19], [sflag:$0x1] =	stream.indirect_vreg.gather [hbm4b:s4+s15], $0x80, v4, vm0, $0xb8;
	[tilespmem:$0x1E000] =	vst v63  }
0x16c: {  	v4 =	vld [tilespmem:$0x10];
	_ =	sdelay $0x4  }
0x16d: {  	v5 =	vshll.u32 v4, $0x1  }
0x16e: {  	v4 =	vand.u32 $0x7, v4;
	v5 =	vand.u32 $0xFFFFFFF0, v5  }
0x16f: {  	v4 =	vor.u32 v4, v5  }
0x170: {  	v5 =	vperm.xlane v4, v1;
	_ =	sdelay $0x1  }
0x171: {  	v4 =	vperm.xlane v4, v3;
	v5 =	vadd.s32 v2, v5;
	_ =	sdelay $0x1  }
0x172: {  	v4 =	vadd.s32 v2, v4;
	_ =	sdelay $0x2  }
0x173: {  	[tilespmem:s20], [sflag:$0x1] =	stream.indirect_vreg.gather [hbm4b:s4+s15], $0x80, v5, vm0, $0xb8;
	[tilespmem:$0x1E000] =	vst v63  }
0x174: {  	_ = 	snop  }
0x175: {  	[tilespmem:s21], [sflag:$0x1] =	stream.indirect_vreg.gather [hbm4b:s4+s15], $0x80, v4, vm0, $0xb8;
	[tilespmem:$0x1E000] =	vst v63  }
0x176: {  	v4 =	vld [tilespmem:$0x20];
	_ =	sdelay $0x4  }
0x177: {  	v5 =	vshll.u32 v4, $0x1  }
0x178: {  	v4 =	vand.u32 $0x7, v4;
	v5 =	vand.u32 $0xFFFFFFF0, v5  }
0x179: {  	v4 =	vor.u32 v4, v5  }
0x17a: {  	v5 =	vperm.xlane v4, v1;
	_ =	sdelay $0x1  }
0x17b: {  	v4 =	vperm.xlane v4, v3;
	v5 =	vadd.s32 v2, v5;
	_ =	sdelay $0x1  }
0x17c: {  	v4 =	vadd.s32 v2, v4;
	_ =	sdelay $0x2  }
0x17d: {  	[tilespmem:s22], [sflag:$0x1] =	stream.indirect_vreg.gather [hbm4b:s4+s15], $0x80, v5, vm0, $0xb8;
	[tilespmem:$0x1E000] =	vst v63  }
0x17e: {  	_ = 	snop  }
0x17f: {  	[tilespmem:s23], [sflag:$0x1] =	stream.indirect_vreg.gather [hbm4b:s4+s15], $0x80, v4, vm0, $0xb8;
	[tilespmem:$0x1E000] =	vst v63  }
0x180: {  	v4 =	vld [tilespmem:$0x30];
	_ =	sdelay $0x4  }
0x181: {  	v5 =	vshll.u32 v4, $0x1  }
0x182: {  	v4 =	vand.u32 $0x7, v4;
	v5 =	vand.u32 $0xFFFFFFF0, v5  }
0x183: {  	v4 =	vor.u32 v4, v5  }
0x184: {  	v5 =	vperm.xlane v4, v1;
	_ =	sdelay $0x1  }
0x185: {  	v4 =	vperm.xlane v4, v3;
	v5 =	vadd.s32 v2, v5;
	_ =	sdelay $0x1  }
0x186: {  	v4 =	vadd.s32 v2, v4;
	_ =	sdelay $0x2  }
0x187: {  	[tilespmem:s24], [sflag:$0x1] =	stream.indirect_vreg.gather [hbm4b:s4+s15], $0x80, v5, vm0, $0xb8;
	[tilespmem:$0x1E000] =	vst v63  }
0x188: {  	_ = 	snop  }
0x189: {  	[tilespmem:s25], [sflag:$0x1] =	stream.indirect_vreg.gather [hbm4b:s4+s15], $0x80, v4, vm0, $0xb8;
	[tilespmem:$0x1E000] =	vst v63  }
0x18a: {  	v4 =	vld [tilespmem:$0x80];
	_ =	sdelay $0x4  }
0x18b: {  	v5 =	vshll.u32 v4, $0x1  }
0x18c: {  	v4 =	vand.u32 $0x7, v4;
	v5 =	vand.u32 $0xFFFFFFF0, v5  }
0x18d: {  	v4 =	vor.u32 v4, v5  }
0x18e: {  	v5 =	vperm.xlane v4, v1;
	_ =	sdelay $0x1  }
0x18f: {  	v4 =	vperm.xlane v4, v3;
	v5 =	vadd.s32 v2, v5;
	_ =	sdelay $0x1  }
0x190: {  	v4 =	vadd.s32 v2, v4;
	_ =	sdelay $0x2  }
0x191: {  	[tilespmem:s29], [sflag:$0x2] =	stream.indirect_vreg.gather [hbm4b:s4+s15], $0x80, v5, vm0, $0xb8;
	[tilespmem:$0x1E000] =	vst v63  }
0x192: {  	_ = 	snop  }
0x193: {  	[tilespmem:s30], [sflag:$0x2] =	stream.indirect_vreg.gather [hbm4b:s4+s15], $0x80, v4, vm0, $0xb8;
	[tilespmem:$0x1E000] =	vst v63  }
0x194: {  	v4 =	vld [tilespmem:$0x90];
	_ =	sdelay $0x4  }
0x195: {  	v5 =	vshll.u32 v4, $0x1  }
0x196: {  	v4 =	vand.u32 $0x7, v4;
	v5 =	vand.u32 $0xFFFFFFF0, v5  }
0x197: {  	v4 =	vor.u32 v4, v5  }
0x198: {  	v5 =	vperm.xlane v4, v1;
	_ =	sdelay $0x1  }
0x199: {  	v4 =	vperm.xlane v4, v3;
	v5 =	vadd.s32 v2, v5;
	_ =	sdelay $0x1  }
0x19a: {  	v4 =	vadd.s32 v2, v4;
	_ =	sdelay $0x2  }
0x19b: {  	[tilespmem:s31], [sflag:$0x2] =	stream.indirect_vreg.gather [hbm4b:s4+s15], $0x80, v5, vm0, $0xb8;
	[tilespmem:$0x1E000] =	vst v63  }
0x19c: {  	_ = 	snop  }
0x19d: {  	[tilespmem:s0], [sflag:$0x2] =	stream.indirect_vreg.gather [hbm4b:s4+s15], $0x80, v4, vm0, $0xb8;
	[tilespmem:$0x1E000] =	vst v63  }
0x19e: {  	v4 =	vld [tilespmem:$0xA0];
	_ =	sdelay $0x4  }
0x19f: {  	v5 =	vshll.u32 v4, $0x1  }
0x1a0: {  	v4 =	vand.u32 $0x7, v4;
	v5 =	vand.u32 $0xFFFFFFF0, v5  }
0x1a1: {  	v4 =	vor.u32 v4, v5  }
0x1a2: {  	v5 =	vperm.xlane v4, v1;
	_ =	sdelay $0x1  }
0x1a3: {  	v4 =	vperm.xlane v4, v3;
	v5 =	vadd.s32 v2, v5;
	_ =	sdelay $0x1  }
0x1a4: {  	v4 =	vadd.s32 v2, v4;
	_ =	sdelay $0x2  }
0x1a5: {  	[tilespmem:s3], [sflag:$0x2] =	stream.indirect_vreg.gather [hbm4b:s4+s15], $0x80, v5, vm0, $0xb8;
	[tilespmem:$0x1E000] =	vst v63  }
0x1a6: {  	_ = 	snop  }
0x1a7: {  	[tilespmem:s9], [sflag:$0x2] =	stream.indirect_vreg.gather [hbm4b:s4+s15], $0x80, v4, vm0, $0xb8;
	[tilespmem:$0x1E000] =	vst v63  }
0x1a8: {  	v4 =	vld [tilespmem:$0xB0];
	_ =	sdelay $0x4  }
0x1a9: {  	v5 =	vshll.u32 v4, $0x1  }
0x1aa: {  	v4 =	vand.u32 $0x7, v4;
	v5 =	vand.u32 $0xFFFFFFF0, v5  }
0x1ab: {  	v4 =	vor.u32 v4, v5  }
0x1ac: {  	v5 =	vperm.xlane v4, v1;
	_ =	sdelay $0x1  }
0x1ad: {  	v4 =	vperm.xlane v4, v3;
	v5 =	vadd.s32 v2, v5;
	_ =	sdelay $0x1  }
0x1ae: {  	v4 =	vadd.s32 v2, v4;
	_ =	sdelay $0x2  }
0x1af: {  	[tilespmem:s10], [sflag:$0x2] =	stream.indirect_vreg.gather [hbm4b:s4+s15], $0x80, v5, vm0, $0xb8;
	[tilespmem:$0x1E000] =	vst v63  }
0x1b0: {  	_ = 	snop  }
0x1b1: {  	[tilespmem:s11], [sflag:$0x2] =	stream.indirect_vreg.gather [hbm4b:s4+s15], $0x80, v4, vm0, $0xb8;
	[tilespmem:$0x1E000] =	vst v63  }
0x1b2: {  	_ =	swait.ge [sflag:s12], $0x4000  }
0x1b3: {  	[sflag:s12] =	ssyncset.done $0x0  }
0x1b4: {  	s16 =	simm.s32 $0x0;
	[sflag:s12] =	ssyncadd.s32 $0xFFFFC000  }
.LBB2_8:
0x1b5: {  	s7 =	sshra.s32 s16, $0x2  }
0x1b6: {  	v4 =	vld [tilespmem:s7+$0x100];
	_ =	sdelay $0x4  }
0x1b7: {  	v5 =	vshll.u32 v4, $0x1  }
0x1b8: {  	v4 =	vand.u32 $0x7, v4;
	v5 =	vand.u32 $0xFFFFFFF0, v5  }
0x1b9: {  	v4 =	vor.u32 v4, v5  }
0x1ba: {  	v5 =	vperm.xlane v4, v1;
	_ =	sdelay $0x1  }
0x1bb: {  	v4 =	vperm.xlane v4, v3;
	v5 =	vadd.s32 v2, v5;
	_ =	sdelay $0x1  }
0x1bc: {  	v4 =	vadd.s32 v2, v4;
	_ =	sdelay $0x2  }
0x1bd: {  	[tilespmem:s18], [sflag:$0x1] =	stream.indirect_vreg.gather [hbm4b:s4+s2], $0x80, v5, vm0, $0xb8;
	[tilespmem:$0x1E000] =	vst v63  }
0x1be: {  	_ = 	snop  }
0x1bf: {  	[tilespmem:s19], [sflag:$0x1] =	stream.indirect_vreg.gather [hbm4b:s4+s2], $0x80, v4, vm0, $0xb8;
	[tilespmem:$0x1E000] =	vst v63  }
0x1c0: {  	v4 =	vld [tilespmem:s7+$0x110];
	_ =	sdelay $0x4  }
0x1c1: {  	v5 =	vshll.u32 v4, $0x1  }
0x1c2: {  	v4 =	vand.u32 $0x7, v4;
	v5 =	vand.u32 $0xFFFFFFF0, v5  }
0x1c3: {  	v4 =	vor.u32 v4, v5  }
0x1c4: {  	v5 =	vperm.xlane v4, v1;
	_ =	sdelay $0x1  }
0x1c5: {  	v4 =	vperm.xlane v4, v3;
	v5 =	vadd.s32 v2, v5;
	_ =	sdelay $0x1  }
0x1c6: {  	v4 =	vadd.s32 v2, v4;
	_ =	sdelay $0x2  }
0x1c7: {  	[tilespmem:s20], [sflag:$0x1] =	stream.indirect_vreg.gather [hbm4b:s4+s2], $0x80, v5, vm0, $0xb8;
	[tilespmem:$0x1E000] =	vst v63  }
0x1c8: {  	_ = 	snop  }
0x1c9: {  	[tilespmem:s21], [sflag:$0x1] =	stream.indirect_vreg.gather [hbm4b:s4+s2], $0x80, v4, vm0, $0xb8;
	[tilespmem:$0x1E000] =	vst v63  }
0x1ca: {  	v4 =	vld [tilespmem:s7+$0x120];
	_ =	sdelay $0x4  }
0x1cb: {  	v5 =	vshll.u32 v4, $0x1  }
0x1cc: {  	v4 =	vand.u32 $0x7, v4;
	v5 =	vand.u32 $0xFFFFFFF0, v5  }
0x1cd: {  	v4 =	vor.u32 v4, v5  }
0x1ce: {  	v5 =	vperm.xlane v4, v1;
	_ =	sdelay $0x1  }
0x1cf: {  	v4 =	vperm.xlane v4, v3;
	v5 =	vadd.s32 v2, v5;
	_ =	sdelay $0x1  }
0x1d0: {  	v4 =	vadd.s32 v2, v4;
	_ =	sdelay $0x2  }
0x1d1: {  	[tilespmem:s22], [sflag:$0x1] =	stream.indirect_vreg.gather [hbm4b:s4+s2], $0x80, v5, vm0, $0xb8;
	[tilespmem:$0x1E000] =	vst v63  }
0x1d2: {  	_ = 	snop  }
0x1d3: {  	[tilespmem:s23], [sflag:$0x1] =	stream.indirect_vreg.gather [hbm4b:s4+s2], $0x80, v4, vm0, $0xb8;
	[tilespmem:$0x1E000] =	vst v63  }
0x1d4: {  	v4 =	vld [tilespmem:s7+$0x130];
	_ =	sdelay $0x4  }
0x1d5: {  	v5 =	vshll.u32 v4, $0x1  }
0x1d6: {  	v4 =	vand.u32 $0x7, v4;
	v5 =	vand.u32 $0xFFFFFFF0, v5  }
0x1d7: {  	v4 =	vor.u32 v4, v5  }
0x1d8: {  	v5 =	vperm.xlane v4, v1;
	_ =	sdelay $0x1  }
0x1d9: {  	v4 =	vperm.xlane v4, v3;
	v5 =	vadd.s32 v2, v5;
	_ =	sdelay $0x1  }
0x1da: {  	v4 =	vadd.s32 v2, v4;
	_ =	sdelay $0x2  }
0x1db: {  	[tilespmem:s24], [sflag:$0x1] =	stream.indirect_vreg.gather [hbm4b:s4+s2], $0x80, v5, vm0, $0xb8;
	[tilespmem:$0x1E000] =	vst v63  }
0x1dc: {  	_ = 	snop  }
0x1dd: {  	[tilespmem:s25], [sflag:$0x1] =	stream.indirect_vreg.gather [hbm4b:s4+s2], $0x80, v4, vm0, $0xb8;
	[tilespmem:$0x1E000] =	vst v63  }
0x1de: {  	_ =	swait.ge [sflag:s13], $0x4000  }
0x1df: {  	[sflag:s13] =	ssyncset.done $0x0  }
0x1e0: {  	[sflag:s13] =	ssyncadd.s32 $0xFFFFC000  }
0x1e1: {  	v4 =	vld [tilespmem:s7+$0x180];
	_ =	sdelay $0x4  }
0x1e2: {  	v5 =	vshll.u32 v4, $0x1  }
0x1e3: {  	v4 =	vand.u32 $0x7, v4;
	v5 =	vand.u32 $0xFFFFFFF0, v5  }
0x1e4: {  	v4 =	vor.u32 v4, v5  }
0x1e5: {  	v5 =	vperm.xlane v4, v1;
	_ =	sdelay $0x1  }
0x1e6: {  	v4 =	vperm.xlane v4, v3;
	v5 =	vadd.s32 v2, v5;
	_ =	sdelay $0x1  }
0x1e7: {  	v4 =	vadd.s32 v2, v4;
	_ =	sdelay $0x2  }
0x1e8: {  	[tilespmem:s29], [sflag:$0x2] =	stream.indirect_vreg.gather [hbm4b:s4+s2], $0x80, v5, vm0, $0xb8;
	[tilespmem:$0x1E000] =	vst v63  }
0x1e9: {  	_ = 	snop  }
0x1ea: {  	[tilespmem:s30], [sflag:$0x2] =	stream.indirect_vreg.gather [hbm4b:s4+s2], $0x80, v4, vm0, $0xb8;
	[tilespmem:$0x1E000] =	vst v63  }
0x1eb: {  	v4 =	vld [tilespmem:s7+$0x190];
	_ =	sdelay $0x4  }
0x1ec: {  	v5 =	vshll.u32 v4, $0x1  }
0x1ed: {  	v4 =	vand.u32 $0x7, v4;
	v5 =	vand.u32 $0xFFFFFFF0, v5  }
0x1ee: {  	v4 =	vor.u32 v4, v5  }
0x1ef: {  	v5 =	vperm.xlane v4, v1;
	_ =	sdelay $0x1  }
0x1f0: {  	v4 =	vperm.xlane v4, v3;
	v5 =	vadd.s32 v2, v5;
	_ =	sdelay $0x1  }
0x1f1: {  	v4 =	vadd.s32 v2, v4;
	_ =	sdelay $0x2  }
0x1f2: {  	[tilespmem:s31], [sflag:$0x2] =	stream.indirect_vreg.gather [hbm4b:s4+s2], $0x80, v5, vm0, $0xb8;
	[tilespmem:$0x1E000] =	vst v63  }
0x1f3: {  	_ = 	snop  }
0x1f4: {  	[tilespmem:s0], [sflag:$0x2] =	stream.indirect_vreg.gather [hbm4b:s4+s2], $0x80, v4, vm0, $0xb8;
	[tilespmem:$0x1E000] =	vst v63  }
0x1f5: {  	v4 =	vld [tilespmem:s7+$0x1A0];
	_ =	sdelay $0x4  }
0x1f6: {  	v5 =	vshll.u32 v4, $0x1  }
0x1f7: {  	v4 =	vand.u32 $0x7, v4;
	v5 =	vand.u32 $0xFFFFFFF0, v5  }
0x1f8: {  	v4 =	vor.u32 v4, v5  }
0x1f9: {  	v5 =	vperm.xlane v4, v1;
	_ =	sdelay $0x1  }
0x1fa: {  	v4 =	vperm.xlane v4, v3;
	v5 =	vadd.s32 v2, v5;
	_ =	sdelay $0x1  }
0x1fb: {  	v4 =	vadd.s32 v2, v4;
	_ =	sdelay $0x2  }
0x1fc: {  	[tilespmem:s3], [sflag:$0x2] =	stream.indirect_vreg.gather [hbm4b:s4+s2], $0x80, v5, vm0, $0xb8;
	[tilespmem:$0x1E000] =	vst v63  }
0x1fd: {  	_ = 	snop  }
0x1fe: {  	[tilespmem:s9], [sflag:$0x2] =	stream.indirect_vreg.gather [hbm4b:s4+s2], $0x80, v4, vm0, $0xb8;
	[tilespmem:$0x1E000] =	vst v63  }
0x1ff: {  	v4 =	vld [tilespmem:s7+$0x1B0];
	_ =	sdelay $0x4  }
0x200: {  	v5 =	vshll.u32 v4, $0x1  }
0x201: {  	v4 =	vand.u32 $0x7, v4;
	v5 =	vand.u32 $0xFFFFFFF0, v5  }
0x202: {  	v4 =	vor.u32 v4, v5  }
0x203: {  	v5 =	vperm.xlane v4, v1;
	_ =	sdelay $0x1  }
0x204: {  	v4 =	vperm.xlane v4, v3;
	v5 =	vadd.s32 v2, v5;
	_ =	sdelay $0x1  }
0x205: {  	v4 =	vadd.s32 v2, v4;
	_ =	sdelay $0x1  }
0x206: {  	p1 =	sne.s32 s16, $0x3800  }
0x207: {  	[tilespmem:s10], [sflag:$0x2] =	stream.indirect_vreg.gather [hbm4b:s4+s2], $0x80, v5, vm0, $0xb8;
	[tilespmem:$0x1E000] =	vst v63  }
.Ltmp4:
0x208: {  	_ = 	snop;
	(pc) =	sbr.rel @p1 .LBB2_8-.Ltmp4, $4  }
0x209: {  	[tilespmem:s11], [sflag:$0x2] =	stream.indirect_vreg.gather [hbm4b:s4+s2], $0x80, v4, vm0, $0xb8;
	[tilespmem:$0x1E000] =	vst v63  }
0x20a: {  	_ =	swait.ge [sflag:s12], $0x4000  }
0x20b: {  	[sflag:s12] =	ssyncset.done $0x0  }
0x20c: {  	s16 =	sadd.s32 $0x400, s16;
	[sflag:s12] =	ssyncadd.s32 $0xFFFFC000  }
0x20d: {  	s17 =	sadd.s32 $0x1, s17  }
0x20e: {  	p1 =	sne.s32 s17, $0x5  }
.Ltmp5:
0x20f: {  	_ = 	snop;
	(pc) =	sbr.rel @p1 .LBB2_7-.Ltmp5, $4  }
.Ltmp6:
0x210: {  	_ = 	snop;
	(pc) =	sbr.rel @!p1 .LBB2_10-.Ltmp6, $4  }
0x211: {  	_ =	swait.ge [sflag:s13], $0x4000  }
0x212: {  	[sflag:s13] =	ssyncset.done $0x0  }
0x213: {  	[sflag:s13] =	ssyncadd.s32 $0xFFFFC000  }
0x214: {  	_ = 	snop  }
.LBB2_4:
0x215: {  	s7 =	sshll.u32 s16, $0xC  }
0x216: {  	s7 =	sadd.s32 s8, s7  }
0x217: {  	s7 =	sshrl.u32 s7, $0x3  }
0x218: {  	s14 =	sadd.s32 s5, s7  }
0x219: {  	[tilespmem:s15], [sflag:$0x3] =	stream.linear.gather [hbm4b:s14+s15], $0x1000, $0x38;
	[tilespmem:$0x1E000] =	vst v63  }
0x21a: {  	_ =	swait.ge [sflag:s26], $0x1000  }
0x21b: {  	[sflag:s26] =	ssyncset.done $0x0  }
0x21c: {  	s7 =	sadd.s32 s6, s7;
	[sflag:s26] =	ssyncadd.s32 $0xFFFFF000  }
0x21d: {  	[tilespmem:s28], [sflag:$0x3] =	stream.linear.gather [hbm4b:s7+s15], $0x1000, $0x38;
	[tilespmem:$0x1E000] =	vst v63  }
0x21e: {  	_ =	swait.ge [sflag:s26], $0x1000  }
0x21f: {  	[sflag:s26] =	ssyncset.done $0x0  }
0x220: {  	[sflag:s26] =	ssyncadd.s32 $0xFFFFF000  }
0x221: {  	v4 =	vld [tilespmem:$0x0];
	_ =	sdelay $0x4  }
0x222: {  	v5 =	vshll.u32 v4, $0x1  }
0x223: {  	v4 =	vand.u32 $0x7, v4;
	v5 =	vand.u32 $0xFFFFFFF0, v5  }
0x224: {  	v4 =	vor.u32 v4, v5  }
0x225: {  	v5 =	vperm.xlane v4, v1;
	_ =	sdelay $0x1  }
0x226: {  	v4 =	vperm.xlane v4, v3;
	v5 =	vadd.s32 v2, v5;
	_ =	sdelay $0x1  }
0x227: {  	v4 =	vadd.s32 v2, v4;
	_ =	sdelay $0x2  }
0x228: {  	[tilespmem:s18], [sflag:$0x1] =	stream.indirect_vreg.gather [hbm4b:s1+s15], $0x80, v5, vm0, $0xb8;
	[tilespmem:$0x1E000] =	vst v63  }
0x229: {  	_ = 	snop  }
0x22a: {  	[tilespmem:s19], [sflag:$0x1] =	stream.indirect_vreg.gather [hbm4b:s1+s15], $0x80, v4, vm0, $0xb8;
	[tilespmem:$0x1E000] =	vst v63  }
0x22b: {  	v4 =	vld [tilespmem:$0x10];
	_ =	sdelay $0x4  }
0x22c: {  	v5 =	vshll.u32 v4, $0x1  }
0x22d: {  	v4 =	vand.u32 $0x7, v4;
	v5 =	vand.u32 $0xFFFFFFF0, v5  }
0x22e: {  	v4 =	vor.u32 v4, v5  }
0x22f: {  	v5 =	vperm.xlane v4, v1;
	_ =	sdelay $0x1  }
0x230: {  	v4 =	vperm.xlane v4, v3;
	v5 =	vadd.s32 v2, v5;
	_ =	sdelay $0x1  }
0x231: {  	v4 =	vadd.s32 v2, v4;
	_ =	sdelay $0x2  }
0x232: {  	[tilespmem:s20], [sflag:$0x1] =	stream.indirect_vreg.gather [hbm4b:s1+s15], $0x80, v5, vm0, $0xb8;
	[tilespmem:$0x1E000] =	vst v63  }
0x233: {  	_ = 	snop  }
0x234: {  	[tilespmem:s21], [sflag:$0x1] =	stream.indirect_vreg.gather [hbm4b:s1+s15], $0x80, v4, vm0, $0xb8;
	[tilespmem:$0x1E000] =	vst v63  }
0x235: {  	v4 =	vld [tilespmem:$0x20];
	_ =	sdelay $0x4  }
0x236: {  	v5 =	vshll.u32 v4, $0x1  }
0x237: {  	v4 =	vand.u32 $0x7, v4;
	v5 =	vand.u32 $0xFFFFFFF0, v5  }
0x238: {  	v4 =	vor.u32 v4, v5  }
0x239: {  	v5 =	vperm.xlane v4, v1;
	_ =	sdelay $0x1  }
0x23a: {  	v4 =	vperm.xlane v4, v3;
	v5 =	vadd.s32 v2, v5;
	_ =	sdelay $0x1  }
0x23b: {  	v4 =	vadd.s32 v2, v4;
	_ =	sdelay $0x2  }
0x23c: {  	[tilespmem:s22], [sflag:$0x1] =	stream.indirect_vreg.gather [hbm4b:s1+s15], $0x80, v5, vm0, $0xb8;
	[tilespmem:$0x1E000] =	vst v63  }
0x23d: {  	_ = 	snop  }
0x23e: {  	[tilespmem:s23], [sflag:$0x1] =	stream.indirect_vreg.gather [hbm4b:s1+s15], $0x80, v4, vm0, $0xb8;
	[tilespmem:$0x1E000] =	vst v63  }
0x23f: {  	v4 =	vld [tilespmem:$0x30];
	_ =	sdelay $0x4  }
0x240: {  	v5 =	vshll.u32 v4, $0x1  }
0x241: {  	v4 =	vand.u32 $0x7, v4;
	v5 =	vand.u32 $0xFFFFFFF0, v5  }
0x242: {  	v4 =	vor.u32 v4, v5  }
0x243: {  	v5 =	vperm.xlane v4, v1;
	_ =	sdelay $0x1  }
0x244: {  	v4 =	vperm.xlane v4, v3;
	v5 =	vadd.s32 v2, v5;
	_ =	sdelay $0x1  }
0x245: {  	v4 =	vadd.s32 v2, v4;
	_ =	sdelay $0x2  }
0x246: {  	[tilespmem:s24], [sflag:$0x1] =	stream.indirect_vreg.gather [hbm4b:s1+s15], $0x80, v5, vm0, $0xb8;
	[tilespmem:$0x1E000] =	vst v63  }
0x247: {  	_ = 	snop  }
0x248: {  	[tilespmem:s25], [sflag:$0x1] =	stream.indirect_vreg.gather [hbm4b:s1+s15], $0x80, v4, vm0, $0xb8;
	[tilespmem:$0x1E000] =	vst v63  }
0x249: {  	v4 =	vld [tilespmem:$0x80];
	_ =	sdelay $0x4  }
0x24a: {  	v5 =	vshll.u32 v4, $0x1  }
0x24b: {  	v4 =	vand.u32 $0x7, v4;
	v5 =	vand.u32 $0xFFFFFFF0, v5  }
0x24c: {  	v4 =	vor.u32 v4, v5  }
0x24d: {  	v5 =	vperm.xlane v4, v1;
	_ =	sdelay $0x1  }
0x24e: {  	v4 =	vperm.xlane v4, v3;
	v5 =	vadd.s32 v2, v5;
	_ =	sdelay $0x1  }
0x24f: {  	v4 =	vadd.s32 v2, v4;
	_ =	sdelay $0x2  }
0x250: {  	[tilespmem:s29], [sflag:$0x2] =	stream.indirect_vreg.gather [hbm4b:s1+s15], $0x80, v5, vm0, $0xb8;
	[tilespmem:$0x1E000] =	vst v63  }
0x251: {  	_ = 	snop  }
0x252: {  	[tilespmem:s30], [sflag:$0x2] =	stream.indirect_vreg.gather [hbm4b:s1+s15], $0x80, v4, vm0, $0xb8;
	[tilespmem:$0x1E000] =	vst v63  }
0x253: {  	v4 =	vld [tilespmem:$0x90];
	_ =	sdelay $0x4  }
0x254: {  	v5 =	vshll.u32 v4, $0x1  }
0x255: {  	v4 =	vand.u32 $0x7, v4;
	v5 =	vand.u32 $0xFFFFFFF0, v5  }
0x256: {  	v4 =	vor.u32 v4, v5  }
0x257: {  	v5 =	vperm.xlane v4, v1;
	_ =	sdelay $0x1  }
0x258: {  	v4 =	vperm.xlane v4, v3;
	v5 =	vadd.s32 v2, v5;
	_ =	sdelay $0x1  }
0x259: {  	v4 =	vadd.s32 v2, v4;
	_ =	sdelay $0x2  }
0x25a: {  	[tilespmem:s31], [sflag:$0x2] =	stream.indirect_vreg.gather [hbm4b:s1+s15], $0x80, v5, vm0, $0xb8;
	[tilespmem:$0x1E000] =	vst v63  }
0x25b: {  	_ = 	snop  }
0x25c: {  	[tilespmem:s0], [sflag:$0x2] =	stream.indirect_vreg.gather [hbm4b:s1+s15], $0x80, v4, vm0, $0xb8;
	[tilespmem:$0x1E000] =	vst v63  }
0x25d: {  	v4 =	vld [tilespmem:$0xA0];
	_ =	sdelay $0x4  }
0x25e: {  	v5 =	vshll.u32 v4, $0x1  }
0x25f: {  	v4 =	vand.u32 $0x7, v4;
	v5 =	vand.u32 $0xFFFFFFF0, v5  }
0x260: {  	v4 =	vor.u32 v4, v5  }
0x261: {  	v5 =	vperm.xlane v4, v1;
	_ =	sdelay $0x1  }
0x262: {  	v4 =	vperm.xlane v4, v3;
	v5 =	vadd.s32 v2, v5;
	_ =	sdelay $0x1  }
0x263: {  	v4 =	vadd.s32 v2, v4;
	_ =	sdelay $0x2  }
0x264: {  	[tilespmem:s3], [sflag:$0x2] =	stream.indirect_vreg.gather [hbm4b:s1+s15], $0x80, v5, vm0, $0xb8;
	[tilespmem:$0x1E000] =	vst v63  }
0x265: {  	_ = 	snop  }
0x266: {  	[tilespmem:s9], [sflag:$0x2] =	stream.indirect_vreg.gather [hbm4b:s1+s15], $0x80, v4, vm0, $0xb8;
	[tilespmem:$0x1E000] =	vst v63  }
0x267: {  	v4 =	vld [tilespmem:$0xB0];
	_ =	sdelay $0x4  }
0x268: {  	v5 =	vshll.u32 v4, $0x1  }
0x269: {  	v4 =	vand.u32 $0x7, v4;
	v5 =	vand.u32 $0xFFFFFFF0, v5  }
0x26a: {  	v4 =	vor.u32 v4, v5  }
0x26b: {  	v5 =	vperm.xlane v4, v1;
	_ =	sdelay $0x1  }
0x26c: {  	v4 =	vperm.xlane v4, v3;
	v5 =	vadd.s32 v2, v5;
	_ =	sdelay $0x1  }
0x26d: {  	v4 =	vadd.s32 v2, v4;
	_ =	sdelay $0x2  }
0x26e: {  	[tilespmem:s10], [sflag:$0x2] =	stream.indirect_vreg.gather [hbm4b:s1+s15], $0x80, v5, vm0, $0xb8;
	[tilespmem:$0x1E000] =	vst v63  }
0x26f: {  	_ = 	snop  }
0x270: {  	[tilespmem:s11], [sflag:$0x2] =	stream.indirect_vreg.gather [hbm4b:s1+s15], $0x80, v4, vm0, $0xb8;
	[tilespmem:$0x1E000] =	vst v63  }
0x271: {  	_ =	swait.ge [sflag:s12], $0x4000  }
0x272: {  	[sflag:s12] =	ssyncset.done $0x0  }
0x273: {  	s17 =	simm.s32 $0x0;
	[sflag:s12] =	ssyncadd.s32 $0xFFFFC000  }
.LBB2_5:
0x274: {  	s7 =	sshra.s32 s17, $0x2  }
0x275: {  	v4 =	vld [tilespmem:s7+$0x100];
	_ =	sdelay $0x4  }
0x276: {  	v5 =	vshll.u32 v4, $0x1  }
0x277: {  	v4 =	vand.u32 $0x7, v4;
	v5 =	vand.u32 $0xFFFFFFF0, v5  }
0x278: {  	v4 =	vor.u32 v4, v5  }
0x279: {  	v5 =	vperm.xlane v4, v1;
	_ =	sdelay $0x1  }
0x27a: {  	v4 =	vperm.xlane v4, v3;
	v5 =	vadd.s32 v2, v5;
	_ =	sdelay $0x1  }
0x27b: {  	v4 =	vadd.s32 v2, v4;
	_ =	sdelay $0x2  }
0x27c: {  	[tilespmem:s18], [sflag:$0x1] =	stream.indirect_vreg.gather [hbm4b:s1+s2], $0x80, v5, vm0, $0xb8;
	[tilespmem:$0x1E000] =	vst v63  }
0x27d: {  	_ = 	snop  }
0x27e: {  	[tilespmem:s19], [sflag:$0x1] =	stream.indirect_vreg.gather [hbm4b:s1+s2], $0x80, v4, vm0, $0xb8;
	[tilespmem:$0x1E000] =	vst v63  }
0x27f: {  	v4 =	vld [tilespmem:s7+$0x110];
	_ =	sdelay $0x4  }
0x280: {  	v5 =	vshll.u32 v4, $0x1  }
0x281: {  	v4 =	vand.u32 $0x7, v4;
	v5 =	vand.u32 $0xFFFFFFF0, v5  }
0x282: {  	v4 =	vor.u32 v4, v5  }
0x283: {  	v5 =	vperm.xlane v4, v1;
	_ =	sdelay $0x1  }
0x284: {  	v4 =	vperm.xlane v4, v3;
	v5 =	vadd.s32 v2, v5;
	_ =	sdelay $0x1  }
0x285: {  	v4 =	vadd.s32 v2, v4;
	_ =	sdelay $0x2  }
0x286: {  	[tilespmem:s20], [sflag:$0x1] =	stream.indirect_vreg.gather [hbm4b:s1+s2], $0x80, v5, vm0, $0xb8;
	[tilespmem:$0x1E000] =	vst v63  }
0x287: {  	_ = 	snop  }
0x288: {  	[tilespmem:s21], [sflag:$0x1] =	stream.indirect_vreg.gather [hbm4b:s1+s2], $0x80, v4, vm0, $0xb8;
	[tilespmem:$0x1E000] =	vst v63  }
0x289: {  	v4 =	vld [tilespmem:s7+$0x120];
	_ =	sdelay $0x4  }
0x28a: {  	v5 =	vshll.u32 v4, $0x1  }
0x28b: {  	v4 =	vand.u32 $0x7, v4;
	v5 =	vand.u32 $0xFFFFFFF0, v5  }
0x28c: {  	v4 =	vor.u32 v4, v5  }
0x28d: {  	v5 =	vperm.xlane v4, v1;
	_ =	sdelay $0x1  }
0x28e: {  	v4 =	vperm.xlane v4, v3;
	v5 =	vadd.s32 v2, v5;
	_ =	sdelay $0x1  }
0x28f: {  	v4 =	vadd.s32 v2, v4;
	_ =	sdelay $0x2  }
0x290: {  	[tilespmem:s22], [sflag:$0x1] =	stream.indirect_vreg.gather [hbm4b:s1+s2], $0x80, v5, vm0, $0xb8;
	[tilespmem:$0x1E000] =	vst v63  }
0x291: {  	_ = 	snop  }
0x292: {  	[tilespmem:s23], [sflag:$0x1] =	stream.indirect_vreg.gather [hbm4b:s1+s2], $0x80, v4, vm0, $0xb8;
	[tilespmem:$0x1E000] =	vst v63  }
0x293: {  	v4 =	vld [tilespmem:s7+$0x130];
	_ =	sdelay $0x4  }
0x294: {  	v5 =	vshll.u32 v4, $0x1  }
0x295: {  	v4 =	vand.u32 $0x7, v4;
	v5 =	vand.u32 $0xFFFFFFF0, v5  }
0x296: {  	v4 =	vor.u32 v4, v5  }
0x297: {  	v5 =	vperm.xlane v4, v1;
	_ =	sdelay $0x1  }
0x298: {  	v4 =	vperm.xlane v4, v3;
	v5 =	vadd.s32 v2, v5;
	_ =	sdelay $0x1  }
0x299: {  	v4 =	vadd.s32 v2, v4;
	_ =	sdelay $0x2  }
0x29a: {  	[tilespmem:s24], [sflag:$0x1] =	stream.indirect_vreg.gather [hbm4b:s1+s2], $0x80, v5, vm0, $0xb8;
	[tilespmem:$0x1E000] =	vst v63  }
0x29b: {  	_ = 	snop  }
0x29c: {  	[tilespmem:s25], [sflag:$0x1] =	stream.indirect_vreg.gather [hbm4b:s1+s2], $0x80, v4, vm0, $0xb8;
	[tilespmem:$0x1E000] =	vst v63  }
0x29d: {  	_ =	swait.ge [sflag:s13], $0x4000  }
0x29e: {  	[sflag:s13] =	ssyncset.done $0x0  }
0x29f: {  	[sflag:s13] =	ssyncadd.s32 $0xFFFFC000  }
0x2a0: {  	v4 =	vld [tilespmem:s7+$0x180];
	_ =	sdelay $0x4  }
0x2a1: {  	v5 =	vshll.u32 v4, $0x1  }
0x2a2: {  	v4 =	vand.u32 $0x7, v4;
	v5 =	vand.u32 $0xFFFFFFF0, v5  }
0x2a3: {  	v4 =	vor.u32 v4, v5  }
0x2a4: {  	v5 =	vperm.xlane v4, v1;
	_ =	sdelay $0x1  }
0x2a5: {  	v4 =	vperm.xlane v4, v3;
	v5 =	vadd.s32 v2, v5;
	_ =	sdelay $0x1  }
0x2a6: {  	v4 =	vadd.s32 v2, v4;
	_ =	sdelay $0x2  }
0x2a7: {  	[tilespmem:s29], [sflag:$0x2] =	stream.indirect_vreg.gather [hbm4b:s1+s2], $0x80, v5, vm0, $0xb8;
	[tilespmem:$0x1E000] =	vst v63  }
0x2a8: {  	_ = 	snop  }
0x2a9: {  	[tilespmem:s30], [sflag:$0x2] =	stream.indirect_vreg.gather [hbm4b:s1+s2], $0x80, v4, vm0, $0xb8;
	[tilespmem:$0x1E000] =	vst v63  }
0x2aa: {  	v4 =	vld [tilespmem:s7+$0x190];
	_ =	sdelay $0x4  }
0x2ab: {  	v5 =	vshll.u32 v4, $0x1  }
0x2ac: {  	v4 =	vand.u32 $0x7, v4;
	v5 =	vand.u32 $0xFFFFFFF0, v5  }
0x2ad: {  	v4 =	vor.u32 v4, v5  }
0x2ae: {  	v5 =	vperm.xlane v4, v1;
	_ =	sdelay $0x1  }
0x2af: {  	v4 =	vperm.xlane v4, v3;
	v5 =	vadd.s32 v2, v5;
	_ =	sdelay $0x1  }
0x2b0: {  	v4 =	vadd.s32 v2, v4;
	_ =	sdelay $0x2  }
0x2b1: {  	[tilespmem:s31], [sflag:$0x2] =	stream.indirect_vreg.gather [hbm4b:s1+s2], $0x80, v5, vm0, $0xb8;
	[tilespmem:$0x1E000] =	vst v63  }
0x2b2: {  	_ = 	snop  }
0x2b3: {  	[tilespmem:s0], [sflag:$0x2] =	stream.indirect_vreg.gather [hbm4b:s1+s2], $0x80, v4, vm0, $0xb8;
	[tilespmem:$0x1E000] =	vst v63  }
0x2b4: {  	v4 =	vld [tilespmem:s7+$0x1A0];
	_ =	sdelay $0x4  }
0x2b5: {  	v5 =	vshll.u32 v4, $0x1  }
0x2b6: {  	v4 =	vand.u32 $0x7, v4;
	v5 =	vand.u32 $0xFFFFFFF0, v5  }
0x2b7: {  	v4 =	vor.u32 v4, v5  }
0x2b8: {  	v5 =	vperm.xlane v4, v1;
	_ =	sdelay $0x1  }
0x2b9: {  	v4 =	vperm.xlane v4, v3;
	v5 =	vadd.s32 v2, v5;
	_ =	sdelay $0x1  }
0x2ba: {  	v4 =	vadd.s32 v2, v4;
	_ =	sdelay $0x2  }
0x2bb: {  	[tilespmem:s3], [sflag:$0x2] =	stream.indirect_vreg.gather [hbm4b:s1+s2], $0x80, v5, vm0, $0xb8;
	[tilespmem:$0x1E000] =	vst v63  }
0x2bc: {  	_ = 	snop  }
0x2bd: {  	[tilespmem:s9], [sflag:$0x2] =	stream.indirect_vreg.gather [hbm4b:s1+s2], $0x80, v4, vm0, $0xb8;
	[tilespmem:$0x1E000] =	vst v63  }
0x2be: {  	v4 =	vld [tilespmem:s7+$0x1B0];
	_ =	sdelay $0x4  }
0x2bf: {  	v5 =	vshll.u32 v4, $0x1  }
0x2c0: {  	v4 =	vand.u32 $0x7, v4;
	v5 =	vand.u32 $0xFFFFFFF0, v5  }
0x2c1: {  	v4 =	vor.u32 v4, v5  }
0x2c2: {  	v5 =	vperm.xlane v4, v1;
	_ =	sdelay $0x1  }
0x2c3: {  	v4 =	vperm.xlane v4, v3;
	v5 =	vadd.s32 v2, v5;
	_ =	sdelay $0x1  }
0x2c4: {  	v4 =	vadd.s32 v2, v4;
	_ =	sdelay $0x1  }
0x2c5: {  	p1 =	sne.s32 s17, $0x3800  }
0x2c6: {  	[tilespmem:s10], [sflag:$0x2] =	stream.indirect_vreg.gather [hbm4b:s1+s2], $0x80, v5, vm0, $0xb8;
	[tilespmem:$0x1E000] =	vst v63  }
.Ltmp7:
0x2c7: {  	_ = 	snop;
	(pc) =	sbr.rel @p1 .LBB2_5-.Ltmp7, $4  }
0x2c8: {  	[tilespmem:s11], [sflag:$0x2] =	stream.indirect_vreg.gather [hbm4b:s1+s2], $0x80, v4, vm0, $0xb8;
	[tilespmem:$0x1E000] =	vst v63  }
0x2c9: {  	_ =	swait.ge [sflag:s12], $0x4000  }
0x2ca: {  	[sflag:s12] =	ssyncset.done $0x0  }
0x2cb: {  	s17 =	sadd.s32 $0x400, s17;
	[sflag:s12] =	ssyncadd.s32 $0xFFFFC000  }
0x2cc: {  	s16 =	sadd.s32 $0x1, s16  }
0x2cd: {  	p1 =	seq.s32 s16, $0x5  }
.Ltmp8:
0x2ce: {  	_ = 	snop;
	(pc) =	sbr.rel @!p1 .LBB2_4-.Ltmp8, $4  }
.Ltmp9:
0x2cf: {  	_ = 	snop;
	(pc) =	sbr.rel @p1 .LBB2_10-.Ltmp9, $4  }
0x2d0: {  	_ =	swait.ge [sflag:s13], $0x4000  }
0x2d1: {  	[sflag:s13] =	ssyncset.done $0x0  }
0x2d2: {  	[sflag:s13] =	ssyncadd.s32 $0xFFFFC000  }
0x2d3: {  	_ = 	snop  }
.LBB2_11:
0x2d4: {  	_ =	sfence.sel $0x180000  }
0x2d5: {  	[bflag:$0x0] =	sbarrier.arrive $0xFFFF  }
0x2d6: {  	_ =	strace $0x9000004A  }
0x2d7: {  	s0 =	stileid.u32;
	[bflag:$0x2] =	sbarrier.arrive $0xFFFF  }
0x2d8: {  	p0 =	sne.s32 s0, $0x0;
	s0 =	rddreg [dreg:$0x3]  }
0x2d9: {  	s0 =	sadd.s32 @!p0 $0x100000, s0  }
0x2da: {  	[sflag:s0] =	ssyncadd.tile.s32 @!p0 $0x1;
	_ =	shalt  }
.Lfunc_end2:
_tile_overlayer_lowered:
.L_overlay_start_2:
0x2db: {  	(tag) =	ssettag $0x2  }
0x2dc: {  	s0 =	rddreg [dreg:$0x0];
	s2 =	stileid.u32  }
0x2dd: {  	s1 =	rddreg [dreg:$0x1];
	p0 =	sne.s32 s2, $0x0  }
0x2de: {  	s3 =	rddreg [dreg:$0x2];
	[bflag:$0x3] =	sbarrier.arrive $0xFFFF;
	s2 =	simm.s32 @!p0 $0x1C03  }
0x2df: {  	[timem:s3], [sflag:s2] =	dma.local @!p0 [hbm:s0], s1  }
0x2e0: {  	s0 =	simm.s32 @!p0 $0x3  }
0x2e1: {  	_ =	swait.ge @!p0 [sflag:s0], s1  }
0x2e2: {  	s1 =	ssub.s32 @!p0 $0x0, s1;
	[sflag:s0] =	ssyncset.done @!p0 $0x0  }
0x2e3: {  	[sflag:s0] =	ssyncadd.s32 @!p0 s1  }
0x2e4: {  	[bflag:$0x3] =	sbarrier.arrive $0xFFFF  }
0x2e5: {  	_ =	shalt  }

</sc_bundles>
